<compile_context>
chip_gen: v7x
topology: tpu7x:2x2x1
jax: 0.10.2.dev20260603
libtpu: 0.0.44.dev20260713+nightly
codegen_flags: <defaults>
</compile_context>

<pallas_src>
import functools
import jax
import jax.numpy as jnp
from jax import lax
from jax.experimental import pallas as pl
from jax.experimental.pallas import tpu as pltpu
from jax.experimental.pallas import tpu_sc as plsc

B, N, F = 4, 8192, 2048
NW = 32
WPB = NW // B
FW = F // WPB
R = 64
NT = N // R
NV = FW // 16
NS = 4
LD = 2

_mesh = plsc.VectorSubcoreMesh(core_axis_name="c", subcore_axis_name="s")


@functools.partial(
    pl.kernel,
    mesh=_mesh,
    out_type=jax.ShapeDtypeStruct((B, N, F), jnp.float32),
    scratch_types=[
        pltpu.VMEM((NS, R, FW), jnp.float32),
        pltpu.SemaphoreType.DMA,
        pltpu.SemaphoreType.DMA,
        pltpu.SemaphoreType.DMA,
        pltpu.SemaphoreType.DMA,
        pltpu.SemaphoreType.DMA,
        pltpu.SemaphoreType.DMA,
        pltpu.SemaphoreType.DMA,
        pltpu.SemaphoreType.DMA,
    ],
)
def _sc_cumsum(x_hbm, out_hbm, buf, *sems):
    wid = lax.axis_index("s") * 2 + lax.axis_index("c")
    b = wid // WPB
    f0 = (wid % WPB) * FW
    lsems = sems[:NS]
    ssems = sems[NS:]

    def load_copy(t, s):
        return pltpu.make_async_copy(
            x_hbm.at[b, pl.ds(t * R, R), pl.ds(f0, FW)],
            buf.at[s],
            lsems[s],
        )

    def store_copy(t, s):
        return pltpu.make_async_copy(
            buf.at[s],
            out_hbm.at[b, pl.ds(t * R, R), pl.ds(f0, FW)],
            ssems[s],
        )

    for k in range(LD):
        load_copy(k, k).start()

    def phase(t, s, carry):
        load_copy(t, s).wait()

        sl = (s + LD) % NS

        @pl.when(t + LD < NT)
        def _():
            @pl.when(t >= NS - LD)
            def _():
                store_copy(t - (NS - LD), sl).wait()

            load_copy(t + LD, sl).start()

        def row(r, acc):
            new = []
            for j in range(NV):
                v = acc[j] + buf[s, r, pl.ds(16 * j, 16)]
                buf[s, r, pl.ds(16 * j, 16)] = v
                new.append(v)
            return tuple(new)

        carry = lax.fori_loop(0, R, row, carry, unroll=2)
        store_copy(t, s).start()
        return carry

    def ring(i, carry):
        t = i * NS
        for k in range(NS):
            carry = phase(t + k, k, carry)
        return carry

    zeros = tuple(jnp.zeros((16,), jnp.float32) for _ in range(NV))
    lax.fori_loop(0, NT // NS, ring, zeros)

    for t in range(NT - (NS - LD), NT):
        store_copy(t, t % NS).wait()


def kernel(x):
    return _sc_cumsum(x)

# --- scband reference (transcript-rebuilt; emitter-appended) ---
"""Pipeline reference for scband-cumsum-op-15994458210833 (READ-ONLY COPY).

The authoritative reference and input builder live on the scoring server;
editing this copy changes nothing except your own understanding.
"""

import jax, jax.numpy as jnp
import numpy as np

def setup_inputs(seed: int = 0) -> dict:
    key = jax.random.key(seed)
    x = jax.random.normal(key, (4, 8192, 2048), dtype=jnp.float32)
    return {"x": x}

def reference(x):
    return jnp.cumsum(x, axis=1)

if __name__ == "__main__":
    import jax
    _d = setup_inputs()
    print(jax.jit(kernel)(*tuple(_d.values())))

</pallas_src>

<mosaic_0001>
#map = affine_map<(d0, d1) -> (0, 0, 0)>
module attributes {stable_mosaic.version = 14 : i64} {
  func.func @_sc_cumsum(%arg0: i32, %arg1: i32, %arg2: memref<4x8192x2048xf32, #tpu.memory_space<hbm>>, %arg3: memref<4x8192x2048xf32, #tpu.memory_space<hbm>>, %arg4: memref<4x64x256xf32, #tpu.memory_space<vmem>>, %arg5: memref<!tpu.dma_semaphore, #tpu.memory_space<semaphore_mem>>, %arg6: memref<!tpu.dma_semaphore, #tpu.memory_space<semaphore_mem>>, %arg7: memref<!tpu.dma_semaphore, #tpu.memory_space<semaphore_mem>>, %arg8: memref<!tpu.dma_semaphore, #tpu.memory_space<semaphore_mem>>, %arg9: memref<!tpu.dma_semaphore, #tpu.memory_space<semaphore_mem>>, %arg10: memref<!tpu.dma_semaphore, #tpu.memory_space<semaphore_mem>>, %arg11: memref<!tpu.dma_semaphore, #tpu.memory_space<semaphore_mem>>, %arg12: memref<!tpu.dma_semaphore, #tpu.memory_space<semaphore_mem>>) attributes {dimension_semantics = [#tpu.dimension_semantics<core_parallel>, #tpu.dimension_semantics<subcore_parallel>], iteration_bounds = array<i64: 2, 16>, scalar_prefetch = 0 : i64, scratch_operands = 9 : i64, tpu.core_type = #tpu.core_type<sc_vector_subcore>, window_params = [{transform_indices = #map}, {transform_indices = #map}]} {
    %mul3A = arith.constant 2 : i32
    %mul3A_0 = arith.muli %arg1, %mul3A : i32
    %add3A = arith.addi %mul3A_0, %arg0 : i32
    %jit3A = arith.constant 8 : i32
    %div3A = arith.divsi %add3A, %jit3A : i32
    %sign3A = arith.constant 0 : i32
    %sign3A_1 = arith.cmpi sgt, %add3A, %sign3A : i32
    %sign3A_2 = arith.extui %sign3A_1 : i1 to i32
    %sign3A_3 = arith.constant 0 : i32
    %sign3A_4 = arith.cmpi slt, %add3A, %sign3A_3 : i32
    %sign3A_5 = arith.extui %sign3A_4 : i1 to i32
    %sign3A_6 = arith.subi %sign3A_2, %sign3A_5 : i32
    %sign3A_7 = arith.constant 0 : i32
    %sign3A_8 = arith.cmpi sgt, %jit3A, %sign3A_7 : i32
    %sign3A_9 = arith.extui %sign3A_8 : i1 to i32
    %sign3A_10 = arith.constant 0 : i32
    %sign3A_11 = arith.cmpi slt, %jit3A, %sign3A_10 : i32
    %sign3A_12 = arith.extui %sign3A_11 : i1 to i32
    %sign3A_13 = arith.subi %sign3A_9, %sign3A_12 : i32
    %ne3A = arith.cmpi ne, %sign3A_6, %sign3A_13 : i32
    %rem3A = arith.remsi %add3A, %jit3A : i32
    %ne3A_14 = arith.constant 0 : i32
    %ne3A_15 = arith.cmpi ne, %rem3A, %ne3A_14 : i32
    %and3A = arith.andi %ne3A, %ne3A_15 : i1
    %sub3A = arith.constant 1 : i32
    %sub3A_16 = arith.subi %div3A, %sub3A : i32
    %select_n3A = arith.select %and3A, %sub3A_16, %div3A : i32
    %jit3A_17 = arith.constant 8 : i32
    %eq3A = arith.constant 0 : i32
    %eq3A_18 = arith.cmpi eq, %jit3A_17, %eq3A : i32
    %jit3A_19 = arith.constant 1 : i32
    %select_n3A_20 = arith.select %eq3A_18, %jit3A_19, %jit3A_17 : i32
    %rem3A_21 = arith.remsi %add3A, %select_n3A_20 : i32
    %ne3A_22 = arith.constant 0 : i32
    %ne3A_23 = arith.cmpi ne, %rem3A_21, %ne3A_22 : i32
    %lt3A = arith.constant 0 : i32
    %lt3A_24 = arith.cmpi slt, %rem3A_21, %lt3A : i32
    %lt3A_25 = arith.constant 0 : i32
    %lt3A_26 = arith.cmpi slt, %select_n3A_20, %lt3A_25 : i32
    %ne3A_27 = arith.xori %lt3A_24, %lt3A_26 : i1
    %and3A_28 = arith.andi %ne3A_27, %ne3A_23 : i1
    %add3A_29 = arith.addi %rem3A_21, %select_n3A_20 : i32
    %select_n3A_30 = arith.select %and3A_28, %add3A_29, %rem3A_21 : i32
    %mul3A_31 = arith.constant 256 : i32
    %mul3A_32 = arith.muli %select_n3A_30, %mul3A_31 : i32
    %dma_start3A = arith.constant 0 : i32
    %dma_start3A_33 = arith.constant 0 : i32
    %dma_start3A_34 = arith.constant 0 : i32
    %dma_start3A_35 = tpu.memref_slice %arg4[%dma_start3A, %dma_start3A_33, %dma_start3A_34] : memref<4x64x256xf32, #tpu.memory_space<vmem>> -> memref<1x64x256xf32, #tpu.memory_space<vmem>>
    %dma_start3A_36 = tpu.memref_squeeze %dma_start3A_35 : memref<1x64x256xf32, #tpu.memory_space<vmem>> -> memref<64x256xf32, #tpu.memory_space<vmem>>
    %dma_start3A_37 = arith.constant 0 : i32
    %dma_start3A_38 = tpu.memref_slice %arg2[%select_n3A, %dma_start3A_37, %mul3A_32] : memref<4x8192x2048xf32, #tpu.memory_space<hbm>> -> memref<1x64x256xf32, #tpu.memory_space<hbm>>
    %dma_start3A_39 = tpu.memref_squeeze %dma_start3A_38 : memref<1x64x256xf32, #tpu.memory_space<hbm>> -> memref<64x256xf32, #tpu.memory_space<hbm>>
    %dma_start3A_40 = arith.constant 0 : i32
    %dma_start3A_41 = arith.constant 0 : i32
    %dma_start3A_42 = tpu.memref_slice %arg4[%dma_start3A, %dma_start3A_40, %dma_start3A_41] : memref<4x64x256xf32, #tpu.memory_space<vmem>> -> memref<1x64x256xf32, #tpu.memory_space<vmem>>
    %dma_start3A_43 = tpu.memref_squeeze %dma_start3A_42 : memref<1x64x256xf32, #tpu.memory_space<vmem>> -> memref<64x256xf32, #tpu.memory_space<vmem>>
    %dma_start3A_44 = arith.constant 0 : i32
    %dma_start3A_45 = tpu.memref_slice %arg2[%select_n3A, %dma_start3A_44, %mul3A_32] : memref<4x8192x2048xf32, #tpu.memory_space<hbm>> -> memref<1x64x256xf32, #tpu.memory_space<hbm>>
    %dma_start3A_46 = tpu.memref_squeeze %dma_start3A_45 : memref<1x64x256xf32, #tpu.memory_space<hbm>> -> memref<64x256xf32, #tpu.memory_space<hbm>>
    tpu.enqueue_dma source(%dma_start3A_46 : memref<64x256xf32, #tpu.memory_space<hbm>>) target(%dma_start3A_43 : memref<64x256xf32, #tpu.memory_space<vmem>>) target_semaphore(%arg5 : memref<!tpu.dma_semaphore, #tpu.memory_space<semaphore_mem>>)
    %dma_start3A_47 = arith.constant 1 : i32
    %dma_start3A_48 = arith.constant 0 : i32
    %dma_start3A_49 = arith.constant 0 : i32
    %dma_start3A_50 = tpu.memref_slice %arg4[%dma_start3A_47, %dma_start3A_48, %dma_start3A_49] : memref<4x64x256xf32, #tpu.memory_space<vmem>> -> memref<1x64x256xf32, #tpu.memory_space<vmem>>
    %dma_start3A_51 = tpu.memref_squeeze %dma_start3A_50 : memref<1x64x256xf32, #tpu.memory_space<vmem>> -> memref<64x256xf32, #tpu.memory_space<vmem>>
    %dma_start3A_52 = arith.constant 64 : i32
    %dma_start3A_53 = tpu.memref_slice %arg2[%select_n3A, %dma_start3A_52, %mul3A_32] : memref<4x8192x2048xf32, #tpu.memory_space<hbm>> -> memref<1x64x256xf32, #tpu.memory_space<hbm>>
    %dma_start3A_54 = tpu.memref_squeeze %dma_start3A_53 : memref<1x64x256xf32, #tpu.memory_space<hbm>> -> memref<64x256xf32, #tpu.memory_space<hbm>>
    %dma_start3A_55 = arith.constant 0 : i32
    %dma_start3A_56 = arith.constant 0 : i32
    %dma_start3A_57 = tpu.memref_slice %arg4[%dma_start3A_47, %dma_start3A_55, %dma_start3A_56] : memref<4x64x256xf32, #tpu.memory_space<vmem>> -> memref<1x64x256xf32, #tpu.memory_space<vmem>>
    %dma_start3A_58 = tpu.memref_squeeze %dma_start3A_57 : memref<1x64x256xf32, #tpu.memory_space<vmem>> -> memref<64x256xf32, #tpu.memory_space<vmem>>
    %dma_start3A_59 = arith.constant 64 : i32
    %dma_start3A_60 = tpu.memref_slice %arg2[%select_n3A, %dma_start3A_59, %mul3A_32] : memref<4x8192x2048xf32, #tpu.memory_space<hbm>> -> memref<1x64x256xf32, #tpu.memory_space<hbm>>
    %dma_start3A_61 = tpu.memref_squeeze %dma_start3A_60 : memref<1x64x256xf32, #tpu.memory_space<hbm>> -> memref<64x256xf32, #tpu.memory_space<hbm>>
    tpu.enqueue_dma source(%dma_start3A_61 : memref<64x256xf32, #tpu.memory_space<hbm>>) target(%dma_start3A_58 : memref<64x256xf32, #tpu.memory_space<vmem>>) target_semaphore(%arg6 : memref<!tpu.dma_semaphore, #tpu.memory_space<semaphore_mem>>)
    %broadcast_in_dim3A = arith.constant 0.000000e+00 : f32
    %broadcast_in_dim3A_62 = vector.broadcast %broadcast_in_dim3A : f32 to vector<16xf32>
    %broadcast_in_dim3A_63 = arith.constant 0.000000e+00 : f32
    %broadcast_in_dim3A_64 = vector.broadcast %broadcast_in_dim3A_63 : f32 to vector<16xf32>
    %broadcast_in_dim3A_65 = arith.constant 0.000000e+00 : f32
    %broadcast_in_dim3A_66 = vector.broadcast %broadcast_in_dim3A_65 : f32 to vector<16xf32>
    %broadcast_in_dim3A_67 = arith.constant 0.000000e+00 : f32
    %broadcast_in_dim3A_68 = vector.broadcast %broadcast_in_dim3A_67 : f32 to vector<16xf32>
    %broadcast_in_dim3A_69 = arith.constant 0.000000e+00 : f32
    %broadcast_in_dim3A_70 = vector.broadcast %broadcast_in_dim3A_69 : f32 to vector<16xf32>
    %broadcast_in_dim3A_71 = arith.constant 0.000000e+00 : f32
    %broadcast_in_dim3A_72 = vector.broadcast %broadcast_in_dim3A_71 : f32 to vector<16xf32>
    %broadcast_in_dim3A_73 = arith.constant 0.000000e+00 : f32
    %broadcast_in_dim3A_74 = vector.broadcast %broadcast_in_dim3A_73 : f32 to vector<16xf32>
    %broadcast_in_dim3A_75 = arith.constant 0.000000e+00 : f32
    %broadcast_in_dim3A_76 = vector.broadcast %broadcast_in_dim3A_75 : f32 to vector<16xf32>
    %broadcast_in_dim3A_77 = arith.constant 0.000000e+00 : f32
    %broadcast_in_dim3A_78 = vector.broadcast %broadcast_in_dim3A_77 : f32 to vector<16xf32>
    %broadcast_in_dim3A_79 = arith.constant 0.000000e+00 : f32
    %broadcast_in_dim3A_80 = vector.broadcast %broadcast_in_dim3A_79 : f32 to vector<16xf32>
    %broadcast_in_dim3A_81 = arith.constant 0.000000e+00 : f32
    %broadcast_in_dim3A_82 = vector.broadcast %broadcast_in_dim3A_81 : f32 to vector<16xf32>
    %broadcast_in_dim3A_83 = arith.constant 0.000000e+00 : f32
    %broadcast_in_dim3A_84 = vector.broadcast %broadcast_in_dim3A_83 : f32 to vector<16xf32>
    %broadcast_in_dim3A_85 = arith.constant 0.000000e+00 : f32
    %broadcast_in_dim3A_86 = vector.broadcast %broadcast_in_dim3A_85 : f32 to vector<16xf32>
    %broadcast_in_dim3A_87 = arith.constant 0.000000e+00 : f32
    %broadcast_in_dim3A_88 = vector.broadcast %broadcast_in_dim3A_87 : f32 to vector<16xf32>
    %broadcast_in_dim3A_89 = arith.constant 0.000000e+00 : f32
    %broadcast_in_dim3A_90 = vector.broadcast %broadcast_in_dim3A_89 : f32 to vector<16xf32>
    %broadcast_in_dim3A_91 = arith.constant 0.000000e+00 : f32
    %broadcast_in_dim3A_92 = vector.broadcast %broadcast_in_dim3A_91 : f32 to vector<16xf32>
    %scan3A = arith.constant 0 : i32
    %scan3A_93 = arith.constant 32 : i32
    %scan3A_94 = arith.addi %scan3A, %scan3A_93 : i32
    %scan3A_95 = arith.constant 1 : i32
    %scan3A_96:16 = scf.for %scan3A_127 = %scan3A to %scan3A_94 step %scan3A_95 iter_args(%scan3A_128 = %broadcast_in_dim3A_62, %scan3A_129 = %broadcast_in_dim3A_64, %scan3A_130 = %broadcast_in_dim3A_66, %scan3A_131 = %broadcast_in_dim3A_68, %scan3A_132 = %broadcast_in_dim3A_70, %scan3A_133 = %broadcast_in_dim3A_72, %scan3A_134 = %broadcast_in_dim3A_74, %scan3A_135 = %broadcast_in_dim3A_76, %scan3A_136 = %broadcast_in_dim3A_78, %scan3A_137 = %broadcast_in_dim3A_80, %scan3A_138 = %broadcast_in_dim3A_82, %scan3A_139 = %broadcast_in_dim3A_84, %scan3A_140 = %broadcast_in_dim3A_86, %scan3A_141 = %broadcast_in_dim3A_88, %scan3A_142 = %broadcast_in_dim3A_90, %scan3A_143 = %broadcast_in_dim3A_92) -> (vector<16xf32>, vector<16xf32>, vector<16xf32>, vector<16xf32>, vector<16xf32>, vector<16xf32>, vector<16xf32>, vector<16xf32>, vector<16xf32>, vector<16xf32>, vector<16xf32>, vector<16xf32>, vector<16xf32>, vector<16xf32>, vector<16xf32>, vector<16xf32>)  : i32 {
      %mul3A_144 = arith.constant 4 : i32
      %mul3A_145 = arith.muli %scan3A_127, %mul3A_144 : i32
      %add3A_146 = arith.constant 0 : i32
      %add3A_147 = arith.addi %mul3A_145, %add3A_146 : i32
      %mul3A_148 = arith.constant 64 : i32
      %mul3A_149 = arith.muli %add3A_147, %mul3A_148 : i32
      %dma_wait3A_150 = arith.constant 0 : i32
      %dma_wait3A_151 = arith.constant 0 : i32
      %dma_wait3A_152 = arith.constant 0 : i32
      %dma_wait3A_153 = tpu.memref_slice %arg4[%dma_wait3A_150, %dma_wait3A_151, %dma_wait3A_152] : memref<4x64x256xf32, #tpu.memory_space<vmem>> -> memref<1x64x256xf32, #tpu.memory_space<vmem>>
      %dma_wait3A_154 = tpu.memref_squeeze %dma_wait3A_153 : memref<1x64x256xf32, #tpu.memory_space<vmem>> -> memref<64x256xf32, #tpu.memory_space<vmem>>
      %dma_wait3A_155 = tpu.memref_slice %arg2[%select_n3A, %mul3A_149, %mul3A_32] : memref<4x8192x2048xf32, #tpu.memory_space<hbm>> -> memref<1x64x256xf32, #tpu.memory_space<hbm>>
      %dma_wait3A_156 = tpu.memref_squeeze %dma_wait3A_155 : memref<1x64x256xf32, #tpu.memory_space<hbm>> -> memref<64x256xf32, #tpu.memory_space<hbm>>
      %dma_wait3A_157 = arith.constant 0 : i32
      %dma_wait3A_158 = arith.constant 0 : i32
      %dma_wait3A_159 = tpu.memref_slice %arg4[%dma_wait3A_150, %dma_wait3A_157, %dma_wait3A_158] : memref<4x64x256xf32, #tpu.memory_space<vmem>> -> memref<1x64x256xf32, #tpu.memory_space<vmem>>
      %dma_wait3A_160 = tpu.memref_squeeze %dma_wait3A_159 : memref<1x64x256xf32, #tpu.memory_space<vmem>> -> memref<64x256xf32, #tpu.memory_space<vmem>>
      %dma_wait3A_161 = tpu.memref_slice %arg2[%select_n3A, %mul3A_149, %mul3A_32] : memref<4x8192x2048xf32, #tpu.memory_space<hbm>> -> memref<1x64x256xf32, #tpu.memory_space<hbm>>
      %dma_wait3A_162 = tpu.memref_squeeze %dma_wait3A_161 : memref<1x64x256xf32, #tpu.memory_space<hbm>> -> memref<64x256xf32, #tpu.memory_space<hbm>>
      tpu.wait_dma2 semaphore(%arg5 : memref<!tpu.dma_semaphore, #tpu.memory_space<semaphore_mem>>) src(%dma_wait3A_162 : memref<64x256xf32, #tpu.memory_space<hbm>>) dst(%dma_wait3A_160 : memref<64x256xf32, #tpu.memory_space<vmem>>)
      %add3A_163 = arith.constant 2 : i32
      %add3A_164 = arith.addi %add3A_147, %add3A_163 : i32
      %lt3A_165 = arith.constant 128 : i32
      %lt3A_166 = arith.cmpi slt, %add3A_164, %lt3A_165 : i32
      %convert_element_type3A = arith.extui %lt3A_166 : i1 to i32
      %cond3A = arith.constant 0 : i32
      %cond3A_167 = arith.cmpi ne, %convert_element_type3A, %cond3A : i32
      scf.if %cond3A_167 {
        %ge3A = arith.constant 2 : i32
        %ge3A_324 = arith.cmpi sge, %add3A_147, %ge3A : i32
        %convert_element_type3A_325 = arith.extui %ge3A_324 : i1 to i32
        %cond3A_326 = arith.constant 0 : i32
        %cond3A_327 = arith.cmpi ne, %convert_element_type3A_325, %cond3A_326 : i32
        scf.if %cond3A_327 {
          %sub3A_345 = arith.constant 2 : i32
          %sub3A_346 = arith.subi %add3A_147, %sub3A_345 : i32
          %mul3A_347 = arith.constant 64 : i32
          %mul3A_348 = arith.muli %sub3A_346, %mul3A_347 : i32
          %dma_wait3A_349 = arith.constant 2 : i32
          %dma_wait3A_350 = arith.constant 0 : i32
          %dma_wait3A_351 = arith.constant 0 : i32
          %dma_wait3A_352 = tpu.memref_slice %arg4[%dma_wait3A_349, %dma_wait3A_350, %dma_wait3A_351] : memref<4x64x256xf32, #tpu.memory_space<vmem>> -> memref<1x64x256xf32, #tpu.memory_space<vmem>>
          %dma_wait3A_353 = tpu.memref_squeeze %dma_wait3A_352 : memref<1x64x256xf32, #tpu.memory_space<vmem>> -> memref<64x256xf32, #tpu.memory_space<vmem>>
          %dma_wait3A_354 = tpu.memref_slice %arg3[%select_n3A, %mul3A_348, %mul3A_32] : memref<4x8192x2048xf32, #tpu.memory_space<hbm>> -> memref<1x64x256xf32, #tpu.memory_space<hbm>>
          %dma_wait3A_355 = tpu.memref_squeeze %dma_wait3A_354 : memref<1x64x256xf32, #tpu.memory_space<hbm>> -> memref<64x256xf32, #tpu.memory_space<hbm>>
          %dma_wait3A_356 = tpu.memref_slice %arg3[%select_n3A, %mul3A_348, %mul3A_32] : memref<4x8192x2048xf32, #tpu.memory_space<hbm>> -> memref<1x64x256xf32, #tpu.memory_space<hbm>>
          %dma_wait3A_357 = tpu.memref_squeeze %dma_wait3A_356 : memref<1x64x256xf32, #tpu.memory_space<hbm>> -> memref<64x256xf32, #tpu.memory_space<hbm>>
          %dma_wait3A_358 = arith.constant 0 : i32
          %dma_wait3A_359 = arith.constant 0 : i32
          %dma_wait3A_360 = tpu.memref_slice %arg4[%dma_wait3A_349, %dma_wait3A_358, %dma_wait3A_359] : memref<4x64x256xf32, #tpu.memory_space<vmem>> -> memref<1x64x256xf32, #tpu.memory_space<vmem>>
          %dma_wait3A_361 = tpu.memref_squeeze %dma_wait3A_360 : memref<1x64x256xf32, #tpu.memory_space<vmem>> -> memref<64x256xf32, #tpu.memory_space<vmem>>
          tpu.wait_dma2 semaphore(%arg11 : memref<!tpu.dma_semaphore, #tpu.memory_space<semaphore_mem>>) src(%dma_wait3A_361 : memref<64x256xf32, #tpu.memory_space<vmem>>) dst(%dma_wait3A_357 : memref<64x256xf32, #tpu.memory_space<hbm>>)
        } else {
        }
        %add3A_328 = arith.constant 2 : i32
        %add3A_329 = arith.addi %add3A_147, %add3A_328 : i32
        %mul3A_330 = arith.constant 64 : i32
        %mul3A_331 = arith.muli %add3A_329, %mul3A_330 : i32
        %dma_start3A_332 = arith.constant 2 : i32
        %dma_start3A_333 = arith.constant 0 : i32
        %dma_start3A_334 = arith.constant 0 : i32
        %dma_start3A_335 = tpu.memref_slice %arg4[%dma_start3A_332, %dma_start3A_333, %dma_start3A_334] : memref<4x64x256xf32, #tpu.memory_space<vmem>> -> memref<1x64x256xf32, #tpu.memory_space<vmem>>
        %dma_start3A_336 = tpu.memref_squeeze %dma_start3A_335 : memref<1x64x256xf32, #tpu.memory_space<vmem>> -> memref<64x256xf32, #tpu.memory_space<vmem>>
        %dma_start3A_337 = tpu.memref_slice %arg2[%select_n3A, %mul3A_331, %mul3A_32] : memref<4x8192x2048xf32, #tpu.memory_space<hbm>> -> memref<1x64x256xf32, #tpu.memory_space<hbm>>
        %dma_start3A_338 = tpu.memref_squeeze %dma_start3A_337 : memref<1x64x256xf32, #tpu.memory_space<hbm>> -> memref<64x256xf32, #tpu.memory_space<hbm>>
        %dma_start3A_339 = arith.constant 0 : i32
        %dma_start3A_340 = arith.constant 0 : i32
        %dma_start3A_341 = tpu.memref_slice %arg4[%dma_start3A_332, %dma_start3A_339, %dma_start3A_340] : memref<4x64x256xf32, #tpu.memory_space<vmem>> -> memref<1x64x256xf32, #tpu.memory_space<vmem>>
        %dma_start3A_342 = tpu.memref_squeeze %dma_start3A_341 : memref<1x64x256xf32, #tpu.memory_space<vmem>> -> memref<64x256xf32, #tpu.memory_space<vmem>>
        %dma_start3A_343 = tpu.memref_slice %arg2[%select_n3A, %mul3A_331, %mul3A_32] : memref<4x8192x2048xf32, #tpu.memory_space<hbm>> -> memref<1x64x256xf32, #tpu.memory_space<hbm>>
        %dma_start3A_344 = tpu.memref_squeeze %dma_start3A_343 : memref<1x64x256xf32, #tpu.memory_space<hbm>> -> memref<64x256xf32, #tpu.memory_space<hbm>>
        tpu.enqueue_dma source(%dma_start3A_344 : memref<64x256xf32, #tpu.memory_space<hbm>>) target(%dma_start3A_342 : memref<64x256xf32, #tpu.memory_space<vmem>>) target_semaphore(%arg7 : memref<!tpu.dma_semaphore, #tpu.memory_space<semaphore_mem>>)
      } else {
      }
      %scan3A_168 = arith.constant 0 : i32
      %scan3A_169 = arith.constant 64 : i32
      %scan3A_170 = arith.addi %scan3A_168, %scan3A_169 : i32
      %scan3A_171 = arith.constant 2 : i32
      %scan3A_172:16 = scf.for %scan3A_324 = %scan3A_168 to %scan3A_170 step %scan3A_171 iter_args(%scan3A_325 = %scan3A_128, %scan3A_326 = %scan3A_129, %scan3A_327 = %scan3A_130, %scan3A_328 = %scan3A_131, %scan3A_329 = %scan3A_132, %scan3A_330 = %scan3A_133, %scan3A_331 = %scan3A_134, %scan3A_332 = %scan3A_135, %scan3A_333 = %scan3A_136, %scan3A_334 = %scan3A_137, %scan3A_335 = %scan3A_138, %scan3A_336 = %scan3A_139, %scan3A_337 = %scan3A_140, %scan3A_338 = %scan3A_141, %scan3A_339 = %scan3A_142, %scan3A_340 = %scan3A_143) -> (vector<16xf32>, vector<16xf32>, vector<16xf32>, vector<16xf32>, vector<16xf32>, vector<16xf32>, vector<16xf32>, vector<16xf32>, vector<16xf32>, vector<16xf32>, vector<16xf32>, vector<16xf32>, vector<16xf32>, vector<16xf32>, vector<16xf32>, vector<16xf32>)  : i32 {
        %get3A = arith.constant 0 : i32
        %get3A_341 = arith.index_cast %get3A : i32 to index
        %get3A_342 = arith.index_cast %scan3A_324 : i32 to index
        %get3A_343 = arith.constant 0 : index
        %get3A_344 = tpu.vector_load %arg4[%get3A_341, %get3A_342, %get3A_343] {strides = array<i32>} : memref<4x64x256xf32, #tpu.memory_space<vmem>>, vector<1x1x16xf32>,
        %get3A_345 = vector.shape_cast %get3A_344 : vector<1x1x16xf32> to vector<16xf32>
        %add3A_346 = arith.addf %scan3A_325, %get3A_345 : vector<16xf32>
        %swap3A = arith.constant 0 : i32
        %swap3A_347 = arith.index_cast %swap3A : i32 to index
        %swap3A_348 = arith.index_cast %scan3A_324 : i32 to index
        %swap3A_349 = arith.constant 0 : index
        %swap3A_350 = tpu.vector_load %arg4[%swap3A_347, %swap3A_348, %swap3A_349] {strides = array<i32>} : memref<4x64x256xf32, #tpu.memory_space<vmem>>, vector<1x1x16xf32>,
        %swap3A_351 = vector.shape_cast %swap3A_350 : vector<1x1x16xf32> to vector<16xf32>
        %swap3A_352 = vector.shape_cast %add3A_346 : vector<16xf32> to vector<1x1x16xf32>
        tpu.vector_store %arg4[%swap3A_347, %swap3A_348, %swap3A_349], %swap3A_352 {strides = array<i32>} : memref<4x64x256xf32, #tpu.memory_space<vmem>>, vector<1x1x16xf32>,
        %get3A_353 = arith.constant 0 : i32
        %get3A_354 = arith.index_cast %get3A_353 : i32 to index
        %get3A_355 = arith.index_cast %scan3A_324 : i32 to index
        %get3A_356 = arith.constant 16 : index
        %get3A_357 = tpu.vector_load %arg4[%get3A_354, %get3A_355, %get3A_356] {strides = array<i32>} : memref<4x64x256xf32, #tpu.memory_space<vmem>>, vector<1x1x16xf32>,
        %get3A_358 = vector.shape_cast %get3A_357 : vector<1x1x16xf32> to vector<16xf32>
        %add3A_359 = arith.addf %scan3A_326, %get3A_358 : vector<16xf32>
        %swap3A_360 = arith.constant 0 : i32
        %swap3A_361 = arith.index_cast %swap3A_360 : i32 to index
        %swap3A_362 = arith.index_cast %scan3A_324 : i32 to index
        %swap3A_363 = arith.constant 16 : index
        %swap3A_364 = tpu.vector_load %arg4[%swap3A_361, %swap3A_362, %swap3A_363] {strides = array<i32>} : memref<4x64x256xf32, #tpu.memory_space<vmem>>, vector<1x1x16xf32>,
        %swap3A_365 = vector.shape_cast %swap3A_364 : vector<1x1x16xf32> to vector<16xf32>
        %swap3A_366 = vector.shape_cast %add3A_359 : vector<16xf32> to vector<1x1x16xf32>
        tpu.vector_store %arg4[%swap3A_361, %swap3A_362, %swap3A_363], %swap3A_366 {strides = array<i32>} : memref<4x64x256xf32, #tpu.memory_space<vmem>>, vector<1x1x16xf32>,
        %get3A_367 = arith.constant 0 : i32
        %get3A_368 = arith.index_cast %get3A_367 : i32 to index
        %get3A_369 = arith.index_cast %scan3A_324 : i32 to index
        %get3A_370 = arith.constant 32 : index
        %get3A_371 = tpu.vector_load %arg4[%get3A_368, %get3A_369, %get3A_370] {strides = array<i32>} : memref<4x64x256xf32, #tpu.memory_space<vmem>>, vector<1x1x16xf32>,
        %get3A_372 = vector.shape_cast %get3A_371 : vector<1x1x16xf32> to vector<16xf32>
        %add3A_373 = arith.addf %scan3A_327, %get3A_372 : vector<16xf32>
        %swap3A_374 = arith.constant 0 : i32
        %swap3A_375 = arith.index_cast %swap3A_374 : i32 to index
        %swap3A_376 = arith.index_cast %scan3A_324 : i32 to index
        %swap3A_377 = arith.constant 32 : index
        %swap3A_378 = tpu.vector_load %arg4[%swap3A_375, %swap3A_376, %swap3A_377] {strides = array<i32>} : memref<4x64x256xf32, #tpu.memory_space<vmem>>, vector<1x1x16xf32>,
        %swap3A_379 = vector.shape_cast %swap3A_378 : vector<1x1x16xf32> to vector<16xf32>
        %swap3A_380 = vector.shape_cast %add3A_373 : vector<16xf32> to vector<1x1x16xf32>
        tpu.vector_store %arg4[%swap3A_375, %swap3A_376, %swap3A_377], %swap3A_380 {strides = array<i32>} : memref<4x64x256xf32, #tpu.memory_space<vmem>>, vector<1x1x16xf32>,
        %get3A_381 = arith.constant 0 : i32
        %get3A_382 = arith.index_cast %get3A_381 : i32 to index
        %get3A_383 = arith.index_cast %scan3A_324 : i32 to index
        %get3A_384 = arith.constant 48 : index
        %get3A_385 = tpu.vector_load %arg4[%get3A_382, %get3A_383, %get3A_384] {strides = array<i32>} : memref<4x64x256xf32, #tpu.memory_space<vmem>>, vector<1x1x16xf32>,
        %get3A_386 = vector.shape_cast %get3A_385 : vector<1x1x16xf32> to vector<16xf32>
        %add3A_387 = arith.addf %scan3A_328, %get3A_386 : vector<16xf32>
        %swap3A_388 = arith.constant 0 : i32
        %swap3A_389 = arith.index_cast %swap3A_388 : i32 to index
        %swap3A_390 = arith.index_cast %scan3A_324 : i32 to index
        %swap3A_391 = arith.constant 48 : index
        %swap3A_392 = tpu.vector_load %arg4[%swap3A_389, %swap3A_390, %swap3A_391] {strides = array<i32>} : memref<4x64x256xf32, #tpu.memory_space<vmem>>, vector<1x1x16xf32>,
        %swap3A_393 = vector.shape_cast %swap3A_392 : vector<1x1x16xf32> to vector<16xf32>
        %swap3A_394 = vector.shape_cast %add3A_387 : vector<16xf32> to vector<1x1x16xf32>
        tpu.vector_store %arg4[%swap3A_389, %swap3A_390, %swap3A_391], %swap3A_394 {strides = array<i32>} : memref<4x64x256xf32, #tpu.memory_space<vmem>>, vector<1x1x16xf32>,
        %get3A_395 = arith.constant 0 : i32
        %get3A_396 = arith.index_cast %get3A_395 : i32 to index
        %get3A_397 = arith.index_cast %scan3A_324 : i32 to index
        %get3A_398 = arith.constant 64 : index
        %get3A_399 = tpu.vector_load %arg4[%get3A_396, %get3A_397, %get3A_398] {strides = array<i32>} : memref<4x64x256xf32, #tpu.memory_space<vmem>>, vector<1x1x16xf32>,
        %get3A_400 = vector.shape_cast %get3A_399 : vector<1x1x16xf32> to vector<16xf32>
        %add3A_401 = arith.addf %scan3A_329, %get3A_400 : vector<16xf32>
        %swap3A_402 = arith.constant 0 : i32
        %swap3A_403 = arith.index_cast %swap3A_402 : i32 to index
        %swap3A_404 = arith.index_cast %scan3A_324 : i32 to index
        %swap3A_405 = arith.constant 64 : index
        %swap3A_406 = tpu.vector_load %arg4[%swap3A_403, %swap3A_404, %swap3A_405] {strides = array<i32>} : memref<4x64x256xf32, #tpu.memory_space<vmem>>, vector<1x1x16xf32>,
        %swap3A_407 = vector.shape_cast %swap3A_406 : vector<1x1x16xf32> to vector<16xf32>
        %swap3A_408 = vector.shape_cast %add3A_401 : vector<16xf32> to vector<1x1x16xf32>
        tpu.vector_store %arg4[%swap3A_403, %swap3A_404, %swap3A_405], %swap3A_408 {strides = array<i32>} : memref<4x64x256xf32, #tpu.memory_space<vmem>>, vector<1x1x16xf32>,
        %get3A_409 = arith.constant 0 : i32
        %get3A_410 = arith.index_cast %get3A_409 : i32 to index
        %get3A_411 = arith.index_cast %scan3A_324 : i32 to index
        %get3A_412 = arith.constant 80 : index
        %get3A_413 = tpu.vector_load %arg4[%get3A_410, %get3A_411, %get3A_412] {strides = array<i32>} : memref<4x64x256xf32, #tpu.memory_space<vmem>>, vector<1x1x16xf32>,
        %get3A_414 = vector.shape_cast %get3A_413 : vector<1x1x16xf32> to vector<16xf32>
        %add3A_415 = arith.addf %scan3A_330, %get3A_414 : vector<16xf32>
        %swap3A_416 = arith.constant 0 : i32
        %swap3A_417 = arith.index_cast %swap3A_416 : i32 to index
        %swap3A_418 = arith.index_cast %scan3A_324 : i32 to index
        %swap3A_419 = arith.constant 80 : index
        %swap3A_420 = tpu.vector_load %arg4[%swap3A_417, %swap3A_418, %swap3A_419] {strides = array<i32>} : memref<4x64x256xf32, #tpu.memory_space<vmem>>, vector<1x1x16xf32>,
        %swap3A_421 = vector.shape_cast %swap3A_420 : vector<1x1x16xf32> to vector<16xf32>
        %swap3A_422 = vector.shape_cast %add3A_415 : vector<16xf32> to vector<1x1x16xf32>
        tpu.vector_store %arg4[%swap3A_417, %swap3A_418, %swap3A_419], %swap3A_422 {strides = array<i32>} : memref<4x64x256xf32, #tpu.memory_space<vmem>>, vector<1x1x16xf32>,
        %get3A_423 = arith.constant 0 : i32
        %get3A_424 = arith.index_cast %get3A_423 : i32 to index
        %get3A_425 = arith.index_cast %scan3A_324 : i32 to index
        %get3A_426 = arith.constant 96 : index
        %get3A_427 = tpu.vector_load %arg4[%get3A_424, %get3A_425, %get3A_426] {strides = array<i32>} : memref<4x64x256xf32, #tpu.memory_space<vmem>>, vector<1x1x16xf32>,
        %get3A_428 = vector.shape_cast %get3A_427 : vector<1x1x16xf32> to vector<16xf32>
        %add3A_429 = arith.addf %scan3A_331, %get3A_428 : vector<16xf32>
        %swap3A_430 = arith.constant 0 : i32
        %swap3A_431 = arith.index_cast %swap3A_430 : i32 to index
        %swap3A_432 = arith.index_cast %scan3A_324 : i32 to index
        %swap3A_433 = arith.constant 96 : index
        %swap3A_434 = tpu.vector_load %arg4[%swap3A_431, %swap3A_432, %swap3A_433] {strides = array<i32>} : memref<4x64x256xf32, #tpu.memory_space<vmem>>, vector<1x1x16xf32>,
        %swap3A_435 = vector.shape_cast %swap3A_434 : vector<1x1x16xf32> to vector<16xf32>
        %swap3A_436 = vector.shape_cast %add3A_429 : vector<16xf32> to vector<1x1x16xf32>
        tpu.vector_store %arg4[%swap3A_431, %swap3A_432, %swap3A_433], %swap3A_436 {strides = array<i32>} : memref<4x64x256xf32, #tpu.memory_space<vmem>>, vector<1x1x16xf32>,
        %get3A_437 = arith.constant 0 : i32
        %get3A_438 = arith.index_cast %get3A_437 : i32 to index
        %get3A_439 = arith.index_cast %scan3A_324 : i32 to index
        %get3A_440 = arith.constant 112 : index
        %get3A_441 = tpu.vector_load %arg4[%get3A_438, %get3A_439, %get3A_440] {strides = array<i32>} : memref<4x64x256xf32, #tpu.memory_space<vmem>>, vector<1x1x16xf32>,
        %get3A_442 = vector.shape_cast %get3A_441 : vector<1x1x16xf32> to vector<16xf32>
        %add3A_443 = arith.addf %scan3A_332, %get3A_442 : vector<16xf32>
        %swap3A_444 = arith.constant 0 : i32
        %swap3A_445 = arith.index_cast %swap3A_444 : i32 to index
        %swap3A_446 = arith.index_cast %scan3A_324 : i32 to index
        %swap3A_447 = arith.constant 112 : index
        %swap3A_448 = tpu.vector_load %arg4[%swap3A_445, %swap3A_446, %swap3A_447] {strides = array<i32>} : memref<4x64x256xf32, #tpu.memory_space<vmem>>, vector<1x1x16xf32>,
        %swap3A_449 = vector.shape_cast %swap3A_448 : vector<1x1x16xf32> to vector<16xf32>
        %swap3A_450 = vector.shape_cast %add3A_443 : vector<16xf32> to vector<1x1x16xf32>
        tpu.vector_store %arg4[%swap3A_445, %swap3A_446, %swap3A_447], %swap3A_450 {strides = array<i32>} : memref<4x64x256xf32, #tpu.memory_space<vmem>>, vector<1x1x16xf32>,
        %get3A_451 = arith.constant 0 : i32
        %get3A_452 = arith.index_cast %get3A_451 : i32 to index
        %get3A_453 = arith.index_cast %scan3A_324 : i32 to index
        %get3A_454 = arith.constant 128 : index
        %get3A_455 = tpu.vector_load %arg4[%get3A_452, %get3A_453, %get3A_454] {strides = array<i32>} : memref<4x64x256xf32, #tpu.memory_space<vmem>>, vector<1x1x16xf32>,
        %get3A_456 = vector.shape_cast %get3A_455 : vector<1x1x16xf32> to vector<16xf32>
        %add3A_457 = arith.addf %scan3A_333, %get3A_456 : vector<16xf32>
        %swap3A_458 = arith.constant 0 : i32
        %swap3A_459 = arith.index_cast %swap3A_458 : i32 to index
        %swap3A_460 = arith.index_cast %scan3A_324 : i32 to index
        %swap3A_461 = arith.constant 128 : index
        %swap3A_462 = tpu.vector_load %arg4[%swap3A_459, %swap3A_460, %swap3A_461] {strides = array<i32>} : memref<4x64x256xf32, #tpu.memory_space<vmem>>, vector<1x1x16xf32>,
        %swap3A_463 = vector.shape_cast %swap3A_462 : vector<1x1x16xf32> to vector<16xf32>
        %swap3A_464 = vector.shape_cast %add3A_457 : vector<16xf32> to vector<1x1x16xf32>
        tpu.vector_store %arg4[%swap3A_459, %swap3A_460, %swap3A_461], %swap3A_464 {strides = array<i32>} : memref<4x64x256xf32, #tpu.memory_space<vmem>>, vector<1x1x16xf32>,
        %get3A_465 = arith.constant 0 : i32
        %get3A_466 = arith.index_cast %get3A_465 : i32 to index
        %get3A_467 = arith.index_cast %scan3A_324 : i32 to index
        %get3A_468 = arith.constant 144 : index
        %get3A_469 = tpu.vector_load %arg4[%get3A_466, %get3A_467, %get3A_468] {strides = array<i32>} : memref<4x64x256xf32, #tpu.memory_space<vmem>>, vector<1x1x16xf32>,
        %get3A_470 = vector.shape_cast %get3A_469 : vector<1x1x16xf32> to vector<16xf32>
        %add3A_471 = arith.addf %scan3A_334, %get3A_470 : vector<16xf32>
        %swap3A_472 = arith.constant 0 : i32
        %swap3A_473 = arith.index_cast %swap3A_472 : i32 to index
        %swap3A_474 = arith.index_cast %scan3A_324 : i32 to index
        %swap3A_475 = arith.constant 144 : index
        %swap3A_476 = tpu.vector_load %arg4[%swap3A_473, %swap3A_474, %swap3A_475] {strides = array<i32>} : memref<4x64x256xf32, #tpu.memory_space<vmem>>, vector<1x1x16xf32>,
        %swap3A_477 = vector.shape_cast %swap3A_476 : vector<1x1x16xf32> to vector<16xf32>
        %swap3A_478 = vector.shape_cast %add3A_471 : vector<16xf32> to vector<1x1x16xf32>
        tpu.vector_store %arg4[%swap3A_473, %swap3A_474, %swap3A_475], %swap3A_478 {strides = array<i32>} : memref<4x64x256xf32, #tpu.memory_space<vmem>>, vector<1x1x16xf32>,
        %get3A_479 = arith.constant 0 : i32
        %get3A_480 = arith.index_cast %get3A_479 : i32 to index
        %get3A_481 = arith.index_cast %scan3A_324 : i32 to index
        %get3A_482 = arith.constant 160 : index
        %get3A_483 = tpu.vector_load %arg4[%get3A_480, %get3A_481, %get3A_482] {strides = array<i32>} : memref<4x64x256xf32, #tpu.memory_space<vmem>>, vector<1x1x16xf32>,
        %get3A_484 = vector.shape_cast %get3A_483 : vector<1x1x16xf32> to vector<16xf32>
        %add3A_485 = arith.addf %scan3A_335, %get3A_484 : vector<16xf32>
        %swap3A_486 = arith.constant 0 : i32
        %swap3A_487 = arith.index_cast %swap3A_486 : i32 to index
        %swap3A_488 = arith.index_cast %scan3A_324 : i32 to index
        %swap3A_489 = arith.constant 160 : index
        %swap3A_490 = tpu.vector_load %arg4[%swap3A_487, %swap3A_488, %swap3A_489] {strides = array<i32>} : memref<4x64x256xf32, #tpu.memory_space<vmem>>, vector<1x1x16xf32>,
        %swap3A_491 = vector.shape_cast %swap3A_490 : vector<1x1x16xf32> to vector<16xf32>
        %swap3A_492 = vector.shape_cast %add3A_485 : vector<16xf32> to vector<1x1x16xf32>
        tpu.vector_store %arg4[%swap3A_487, %swap3A_488, %swap3A_489], %swap3A_492 {strides = array<i32>} : memref<4x64x256xf32, #tpu.memory_space<vmem>>, vector<1x1x16xf32>,
        %get3A_493 = arith.constant 0 : i32
        %get3A_494 = arith.index_cast %get3A_493 : i32 to index
        %get3A_495 = arith.index_cast %scan3A_324 : i32 to index
        %get3A_496 = arith.constant 176 : index
        %get3A_497 = tpu.vector_load %arg4[%get3A_494, %get3A_495, %get3A_496] {strides = array<i32>} : memref<4x64x256xf32, #tpu.memory_space<vmem>>, vector<1x1x16xf32>,
        %get3A_498 = vector.shape_cast %get3A_497 : vector<1x1x16xf32> to vector<16xf32>
        %add3A_499 = arith.addf %scan3A_336, %get3A_498 : vector<16xf32>
        %swap3A_500 = arith.constant 0 : i32
        %swap3A_501 = arith.index_cast %swap3A_500 : i32 to index
        %swap3A_502 = arith.index_cast %scan3A_324 : i32 to index
        %swap3A_503 = arith.constant 176 : index
        %swap3A_504 = tpu.vector_load %arg4[%swap3A_501, %swap3A_502, %swap3A_503] {strides = array<i32>} : memref<4x64x256xf32, #tpu.memory_space<vmem>>, vector<1x1x16xf32>,
        %swap3A_505 = vector.shape_cast %swap3A_504 : vector<1x1x16xf32> to vector<16xf32>
        %swap3A_506 = vector.shape_cast %add3A_499 : vector<16xf32> to vector<1x1x16xf32>
        tpu.vector_store %arg4[%swap3A_501, %swap3A_502, %swap3A_503], %swap3A_506 {strides = array<i32>} : memref<4x64x256xf32, #tpu.memory_space<vmem>>, vector<1x1x16xf32>,
        %get3A_507 = arith.constant 0 : i32
        %get3A_508 = arith.index_cast %get3A_507 : i32 to index
        %get3A_509 = arith.index_cast %scan3A_324 : i32 to index
        %get3A_510 = arith.constant 192 : index
        %get3A_511 = tpu.vector_load %arg4[%get3A_508, %get3A_509, %get3A_510] {strides = array<i32>} : memref<4x64x256xf32, #tpu.memory_space<vmem>>, vector<1x1x16xf32>,
        %get3A_512 = vector.shape_cast %get3A_511 : vector<1x1x16xf32> to vector<16xf32>
        %add3A_513 = arith.addf %scan3A_337, %get3A_512 : vector<16xf32>
        %swap3A_514 = arith.constant 0 : i32
        %swap3A_515 = arith.index_cast %swap3A_514 : i32 to index
        %swap3A_516 = arith.index_cast %scan3A_324 : i32 to index
        %swap3A_517 = arith.constant 192 : index
        %swap3A_518 = tpu.vector_load %arg4[%swap3A_515, %swap3A_516, %swap3A_517] {strides = array<i32>} : memref<4x64x256xf32, #tpu.memory_space<vmem>>, vector<1x1x16xf32>,
        %swap3A_519 = vector.shape_cast %swap3A_518 : vector<1x1x16xf32> to vector<16xf32>
        %swap3A_520 = vector.shape_cast %add3A_513 : vector<16xf32> to vector<1x1x16xf32>
        tpu.vector_store %arg4[%swap3A_515, %swap3A_516, %swap3A_517], %swap3A_520 {strides = array<i32>} : memref<4x64x256xf32, #tpu.memory_space<vmem>>, vector<1x1x16xf32>,
        %get3A_521 = arith.constant 0 : i32
        %get3A_522 = arith.index_cast %get3A_521 : i32 to index
        %get3A_523 = arith.index_cast %scan3A_324 : i32 to index
        %get3A_524 = arith.constant 208 : index
        %get3A_525 = tpu.vector_load %arg4[%get3A_522, %get3A_523, %get3A_524] {strides = array<i32>} : memref<4x64x256xf32, #tpu.memory_space<vmem>>, vector<1x1x16xf32>,
        %get3A_526 = vector.shape_cast %get3A_525 : vector<1x1x16xf32> to vector<16xf32>
        %add3A_527 = arith.addf %scan3A_338, %get3A_526 : vector<16xf32>
        %swap3A_528 = arith.constant 0 : i32
        %swap3A_529 = arith.index_cast %swap3A_528 : i32 to index
        %swap3A_530 = arith.index_cast %scan3A_324 : i32 to index
        %swap3A_531 = arith.constant 208 : index
        %swap3A_532 = tpu.vector_load %arg4[%swap3A_529, %swap3A_530, %swap3A_531] {strides = array<i32>} : memref<4x64x256xf32, #tpu.memory_space<vmem>>, vector<1x1x16xf32>,
        %swap3A_533 = vector.shape_cast %swap3A_532 : vector<1x1x16xf32> to vector<16xf32>
        %swap3A_534 = vector.shape_cast %add3A_527 : vector<16xf32> to vector<1x1x16xf32>
        tpu.vector_store %arg4[%swap3A_529, %swap3A_530, %swap3A_531], %swap3A_534 {strides = array<i32>} : memref<4x64x256xf32, #tpu.memory_space<vmem>>, vector<1x1x16xf32>,
        %get3A_535 = arith.constant 0 : i32
        %get3A_536 = arith.index_cast %get3A_535 : i32 to index
        %get3A_537 = arith.index_cast %scan3A_324 : i32 to index
        %get3A_538 = arith.constant 224 : index
        %get3A_539 = tpu.vector_load %arg4[%get3A_536, %get3A_537, %get3A_538] {strides = array<i32>} : memref<4x64x256xf32, #tpu.memory_space<vmem>>, vector<1x1x16xf32>,
        %get3A_540 = vector.shape_cast %get3A_539 : vector<1x1x16xf32> to vector<16xf32>
        %add3A_541 = arith.addf %scan3A_339, %get3A_540 : vector<16xf32>
        %swap3A_542 = arith.constant 0 : i32
        %swap3A_543 = arith.index_cast %swap3A_542 : i32 to index
        %swap3A_544 = arith.index_cast %scan3A_324 : i32 to index
        %swap3A_545 = arith.constant 224 : index
        %swap3A_546 = tpu.vector_load %arg4[%swap3A_543, %swap3A_544, %swap3A_545] {strides = array<i32>} : memref<4x64x256xf32, #tpu.memory_space<vmem>>, vector<1x1x16xf32>,
        %swap3A_547 = vector.shape_cast %swap3A_546 : vector<1x1x16xf32> to vector<16xf32>
        %swap3A_548 = vector.shape_cast %add3A_541 : vector<16xf32> to vector<1x1x16xf32>
        tpu.vector_store %arg4[%swap3A_543, %swap3A_544, %swap3A_545], %swap3A_548 {strides = array<i32>} : memref<4x64x256xf32, #tpu.memory_space<vmem>>, vector<1x1x16xf32>,
        %get3A_549 = arith.constant 0 : i32
        %get3A_550 = arith.index_cast %get3A_549 : i32 to index
        %get3A_551 = arith.index_cast %scan3A_324 : i32 to index
        %get3A_552 = arith.constant 240 : index
        %get3A_553 = tpu.vector_load %arg4[%get3A_550, %get3A_551, %get3A_552] {strides = array<i32>} : memref<4x64x256xf32, #tpu.memory_space<vmem>>, vector<1x1x16xf32>,
        %get3A_554 = vector.shape_cast %get3A_553 : vector<1x1x16xf32> to vector<16xf32>
        %add3A_555 = arith.addf %scan3A_340, %get3A_554 : vector<16xf32>
        %swap3A_556 = arith.constant 0 : i32
        %swap3A_557 = arith.index_cast %swap3A_556 : i32 to index
        %swap3A_558 = arith.index_cast %scan3A_324 : i32 to index
        %swap3A_559 = arith.constant 240 : index
        %swap3A_560 = tpu.vector_load %arg4[%swap3A_557, %swap3A_558, %swap3A_559] {strides = array<i32>} : memref<4x64x256xf32, #tpu.memory_space<vmem>>, vector<1x1x16xf32>,
        %swap3A_561 = vector.shape_cast %swap3A_560 : vector<1x1x16xf32> to vector<16xf32>
        %swap3A_562 = vector.shape_cast %add3A_555 : vector<16xf32> to vector<1x1x16xf32>
        tpu.vector_store %arg4[%swap3A_557, %swap3A_558, %swap3A_559], %swap3A_562 {strides = array<i32>} : memref<4x64x256xf32, #tpu.memory_space<vmem>>, vector<1x1x16xf32>,
        %scan3A_563 = arith.constant 1 : i32
        %scan3A_564 = arith.addi %scan3A_324, %scan3A_563 : i32
        %get3A_565 = arith.constant 0 : i32
        %get3A_566 = arith.index_cast %get3A_565 : i32 to index
        %get3A_567 = arith.index_cast %scan3A_564 : i32 to index
        %get3A_568 = arith.constant 0 : index
        %get3A_569 = tpu.vector_load %arg4[%get3A_566, %get3A_567, %get3A_568] {strides = array<i32>} : memref<4x64x256xf32, #tpu.memory_space<vmem>>, vector<1x1x16xf32>,
        %get3A_570 = vector.shape_cast %get3A_569 : vector<1x1x16xf32> to vector<16xf32>
        %add3A_571 = arith.addf %add3A_346, %get3A_570 : vector<16xf32>
        %swap3A_572 = arith.constant 0 : i32
        %swap3A_573 = arith.index_cast %swap3A_572 : i32 to index
        %swap3A_574 = arith.index_cast %scan3A_564 : i32 to index
        %swap3A_575 = arith.constant 0 : index
        %swap3A_576 = tpu.vector_load %arg4[%swap3A_573, %swap3A_574, %swap3A_575] {strides = array<i32>} : memref<4x64x256xf32, #tpu.memory_space<vmem>>, vector<1x1x16xf32>,
        %swap3A_577 = vector.shape_cast %swap3A_576 : vector<1x1x16xf32> to vector<16xf32>
        %swap3A_578 = vector.shape_cast %add3A_571 : vector<16xf32> to vector<1x1x16xf32>
        tpu.vector_store %arg4[%swap3A_573, %swap3A_574, %swap3A_575], %swap3A_578 {strides = array<i32>} : memref<4x64x256xf32, #tpu.memory_space<vmem>>, vector<1x1x16xf32>,
        %get3A_579 = arith.constant 0 : i32
        %get3A_580 = arith.index_cast %get3A_579 : i32 to index
        %get3A_581 = arith.index_cast %scan3A_564 : i32 to index
        %get3A_582 = arith.constant 16 : index
        %get3A_583 = tpu.vector_load %arg4[%get3A_580, %get3A_581, %get3A_582] {strides = array<i32>} : memref<4x64x256xf32, #tpu.memory_space<vmem>>, vector<1x1x16xf32>,
        %get3A_584 = vector.shape_cast %get3A_583 : vector<1x1x16xf32> to vector<16xf32>
        %add3A_585 = arith.addf %add3A_359, %get3A_584 : vector<16xf32>
        %swap3A_586 = arith.constant 0 : i32
        %swap3A_587 = arith.index_cast %swap3A_586 : i32 to index
        %swap3A_588 = arith.index_cast %scan3A_564 : i32 to index
        %swap3A_589 = arith.constant 16 : index
        %swap3A_590 = tpu.vector_load %arg4[%swap3A_587, %swap3A_588, %swap3A_589] {strides = array<i32>} : memref<4x64x256xf32, #tpu.memory_space<vmem>>, vector<1x1x16xf32>,
        %swap3A_591 = vector.shape_cast %swap3A_590 : vector<1x1x16xf32> to vector<16xf32>
        %swap3A_592 = vector.shape_cast %add3A_585 : vector<16xf32> to vector<1x1x16xf32>
        tpu.vector_store %arg4[%swap3A_587, %swap3A_588, %swap3A_589], %swap3A_592 {strides = array<i32>} : memref<4x64x256xf32, #tpu.memory_space<vmem>>, vector<1x1x16xf32>,
        %get3A_593 = arith.constant 0 : i32
        %get3A_594 = arith.index_cast %get3A_593 : i32 to index
        %get3A_595 = arith.index_cast %scan3A_564 : i32 to index
        %get3A_596 = arith.constant 32 : index
        %get3A_597 = tpu.vector_load %arg4[%get3A_594, %get3A_595, %get3A_596] {strides = array<i32>} : memref<4x64x256xf32, #tpu.memory_space<vmem>>, vector<1x1x16xf32>,
        %get3A_598 = vector.shape_cast %get3A_597 : vector<1x1x16xf32> to vector<16xf32>
        %add3A_599 = arith.addf %add3A_373, %get3A_598 : vector<16xf32>
        %swap3A_600 = arith.constant 0 : i32
        %swap3A_601 = arith.index_cast %swap3A_600 : i32 to index
        %swap3A_602 = arith.index_cast %scan3A_564 : i32 to index
        %swap3A_603 = arith.constant 32 : index
        %swap3A_604 = tpu.vector_load %arg4[%swap3A_601, %swap3A_602, %swap3A_603] {strides = array<i32>} : memref<4x64x256xf32, #tpu.memory_space<vmem>>, vector<1x1x16xf32>,
        %swap3A_605 = vector.shape_cast %swap3A_604 : vector<1x1x16xf32> to vector<16xf32>
        %swap3A_606 = vector.shape_cast %add3A_599 : vector<16xf32> to vector<1x1x16xf32>
        tpu.vector_store %arg4[%swap3A_601, %swap3A_602, %swap3A_603], %swap3A_606 {strides = array<i32>} : memref<4x64x256xf32, #tpu.memory_space<vmem>>, vector<1x1x16xf32>,
        %get3A_607 = arith.constant 0 : i32
        %get3A_608 = arith.index_cast %get3A_607 : i32 to index
        %get3A_609 = arith.index_cast %scan3A_564 : i32 to index
        %get3A_610 = arith.constant 48 : index
        %get3A_611 = tpu.vector_load %arg4[%get3A_608, %get3A_609, %get3A_610] {strides = array<i32>} : memref<4x64x256xf32, #tpu.memory_space<vmem>>, vector<1x1x16xf32>,
        %get3A_612 = vector.shape_cast %get3A_611 : vector<1x1x16xf32> to vector<16xf32>
        %add3A_613 = arith.addf %add3A_387, %get3A_612 : vector<16xf32>
        %swap3A_614 = arith.constant 0 : i32
        %swap3A_615 = arith.index_cast %swap3A_614 : i32 to index
        %swap3A_616 = arith.index_cast %scan3A_564 : i32 to index
        %swap3A_617 = arith.constant 48 : index
        %swap3A_618 = tpu.vector_load %arg4[%swap3A_615, %swap3A_616, %swap3A_617] {strides = array<i32>} : memref<4x64x256xf32, #tpu.memory_space<vmem>>, vector<1x1x16xf32>,
        %swap3A_619 = vector.shape_cast %swap3A_618 : vector<1x1x16xf32> to vector<16xf32>
        %swap3A_620 = vector.shape_cast %add3A_613 : vector<16xf32> to vector<1x1x16xf32>
        tpu.vector_store %arg4[%swap3A_615, %swap3A_616, %swap3A_617], %swap3A_620 {strides = array<i32>} : memref<4x64x256xf32, #tpu.memory_space<vmem>>, vector<1x1x16xf32>,
        %get3A_621 = arith.constant 0 : i32
        %get3A_622 = arith.index_cast %get3A_621 : i32 to index
        %get3A_623 = arith.index_cast %scan3A_564 : i32 to index
        %get3A_624 = arith.constant 64 : index
        %get3A_625 = tpu.vector_load %arg4[%get3A_622, %get3A_623, %get3A_624] {strides = array<i32>} : memref<4x64x256xf32, #tpu.memory_space<vmem>>, vector<1x1x16xf32>,
        %get3A_626 = vector.shape_cast %get3A_625 : vector<1x1x16xf32> to vector<16xf32>
        %add3A_627 = arith.addf %add3A_401, %get3A_626 : vector<16xf32>
        %swap3A_628 = arith.constant 0 : i32
        %swap3A_629 = arith.index_cast %swap3A_628 : i32 to index
        %swap3A_630 = arith.index_cast %scan3A_564 : i32 to index
        %swap3A_631 = arith.constant 64 : index
        %swap3A_632 = tpu.vector_load %arg4[%swap3A_629, %swap3A_630, %swap3A_631] {strides = array<i32>} : memref<4x64x256xf32, #tpu.memory_space<vmem>>, vector<1x1x16xf32>,
        %swap3A_633 = vector.shape_cast %swap3A_632 : vector<1x1x16xf32> to vector<16xf32>
        %swap3A_634 = vector.shape_cast %add3A_627 : vector<16xf32> to vector<1x1x16xf32>
        tpu.vector_store %arg4[%swap3A_629, %swap3A_630, %swap3A_631], %swap3A_634 {strides = array<i32>} : memref<4x64x256xf32, #tpu.memory_space<vmem>>, vector<1x1x16xf32>,
        %get3A_635 = arith.constant 0 : i32
        %get3A_636 = arith.index_cast %get3A_635 : i32 to index
        %get3A_637 = arith.index_cast %scan3A_564 : i32 to index
        %get3A_638 = arith.constant 80 : index
        %get3A_639 = tpu.vector_load %arg4[%get3A_636, %get3A_637, %get3A_638] {strides = array<i32>} : memref<4x64x256xf32, #tpu.memory_space<vmem>>, vector<1x1x16xf32>,
        %get3A_640 = vector.shape_cast %get3A_639 : vector<1x1x16xf32> to vector<16xf32>
        %add3A_641 = arith.addf %add3A_415, %get3A_640 : vector<16xf32>
        %swap3A_642 = arith.constant 0 : i32
        %swap3A_643 = arith.index_cast %swap3A_642 : i32 to index
        %swap3A_644 = arith.index_cast %scan3A_564 : i32 to index
        %swap3A_645 = arith.constant 80 : index
        %swap3A_646 = tpu.vector_load %arg4[%swap3A_643, %swap3A_644, %swap3A_645] {strides = array<i32>} : memref<4x64x256xf32, #tpu.memory_space<vmem>>, vector<1x1x16xf32>,
        %swap3A_647 = vector.shape_cast %swap3A_646 : vector<1x1x16xf32> to vector<16xf32>
        %swap3A_648 = vector.shape_cast %add3A_641 : vector<16xf32> to vector<1x1x16xf32>
        tpu.vector_store %arg4[%swap3A_643, %swap3A_644, %swap3A_645], %swap3A_648 {strides = array<i32>} : memref<4x64x256xf32, #tpu.memory_space<vmem>>, vector<1x1x16xf32>,
        %get3A_649 = arith.constant 0 : i32
        %get3A_650 = arith.index_cast %get3A_649 : i32 to index
        %get3A_651 = arith.index_cast %scan3A_564 : i32 to index
        %get3A_652 = arith.constant 96 : index
        %get3A_653 = tpu.vector_load %arg4[%get3A_650, %get3A_651, %get3A_652] {strides = array<i32>} : memref<4x64x256xf32, #tpu.memory_space<vmem>>, vector<1x1x16xf32>,
        %get3A_654 = vector.shape_cast %get3A_653 : vector<1x1x16xf32> to vector<16xf32>
        %add3A_655 = arith.addf %add3A_429, %get3A_654 : vector<16xf32>
        %swap3A_656 = arith.constant 0 : i32
        %swap3A_657 = arith.index_cast %swap3A_656 : i32 to index
        %swap3A_658 = arith.index_cast %scan3A_564 : i32 to index
        %swap3A_659 = arith.constant 96 : index
        %swap3A_660 = tpu.vector_load %arg4[%swap3A_657, %swap3A_658, %swap3A_659] {strides = array<i32>} : memref<4x64x256xf32, #tpu.memory_space<vmem>>, vector<1x1x16xf32>,
        %swap3A_661 = vector.shape_cast %swap3A_660 : vector<1x1x16xf32> to vector<16xf32>
        %swap3A_662 = vector.shape_cast %add3A_655 : vector<16xf32> to vector<1x1x16xf32>
        tpu.vector_store %arg4[%swap3A_657, %swap3A_658, %swap3A_659], %swap3A_662 {strides = array<i32>} : memref<4x64x256xf32, #tpu.memory_space<vmem>>, vector<1x1x16xf32>,
        %get3A_663 = arith.constant 0 : i32
        %get3A_664 = arith.index_cast %get3A_663 : i32 to index
        %get3A_665 = arith.index_cast %scan3A_564 : i32 to index
        %get3A_666 = arith.constant 112 : index
        %get3A_667 = tpu.vector_load %arg4[%get3A_664, %get3A_665, %get3A_666] {strides = array<i32>} : memref<4x64x256xf32, #tpu.memory_space<vmem>>, vector<1x1x16xf32>,
        %get3A_668 = vector.shape_cast %get3A_667 : vector<1x1x16xf32> to vector<16xf32>
        %add3A_669 = arith.addf %add3A_443, %get3A_668 : vector<16xf32>
        %swap3A_670 = arith.constant 0 : i32
        %swap3A_671 = arith.index_cast %swap3A_670 : i32 to index
        %swap3A_672 = arith.index_cast %scan3A_564 : i32 to index
        %swap3A_673 = arith.constant 112 : index
        %swap3A_674 = tpu.vector_load %arg4[%swap3A_671, %swap3A_672, %swap3A_673] {strides = array<i32>} : memref<4x64x256xf32, #tpu.memory_space<vmem>>, vector<1x1x16xf32>,
        %swap3A_675 = vector.shape_cast %swap3A_674 : vector<1x1x16xf32> to vector<16xf32>
        %swap3A_676 = vector.shape_cast %add3A_669 : vector<16xf32> to vector<1x1x16xf32>
        tpu.vector_store %arg4[%swap3A_671, %swap3A_672, %swap3A_673], %swap3A_676 {strides = array<i32>} : memref<4x64x256xf32, #tpu.memory_space<vmem>>, vector<1x1x16xf32>,
        %get3A_677 = arith.constant 0 : i32
        %get3A_678 = arith.index_cast %get3A_677 : i32 to index
        %get3A_679 = arith.index_cast %scan3A_564 : i32 to index
        %get3A_680 = arith.constant 128 : index
        %get3A_681 = tpu.vector_load %arg4[%get3A_678, %get3A_679, %get3A_680] {strides = array<i32>} : memref<4x64x256xf32, #tpu.memory_space<vmem>>, vector<1x1x16xf32>,
        %get3A_682 = vector.shape_cast %get3A_681 : vector<1x1x16xf32> to vector<16xf32>
        %add3A_683 = arith.addf %add3A_457, %get3A_682 : vector<16xf32>
        %swap3A_684 = arith.constant 0 : i32
        %swap3A_685 = arith.index_cast %swap3A_684 : i32 to index
        %swap3A_686 = arith.index_cast %scan3A_564 : i32 to index
        %swap3A_687 = arith.constant 128 : index
        %swap3A_688 = tpu.vector_load %arg4[%swap3A_685, %swap3A_686, %swap3A_687] {strides = array<i32>} : memref<4x64x256xf32, #tpu.memory_space<vmem>>, vector<1x1x16xf32>,
        %swap3A_689 = vector.shape_cast %swap3A_688 : vector<1x1x16xf32> to vector<16xf32>
        %swap3A_690 = vector.shape_cast %add3A_683 : vector<16xf32> to vector<1x1x16xf32>
        tpu.vector_store %arg4[%swap3A_685, %swap3A_686, %swap3A_687], %swap3A_690 {strides = array<i32>} : memref<4x64x256xf32, #tpu.memory_space<vmem>>, vector<1x1x16xf32>,
        %get3A_691 = arith.constant 0 : i32
        %get3A_692 = arith.index_cast %get3A_691 : i32 to index
        %get3A_693 = arith.index_cast %scan3A_564 : i32 to index
        %get3A_694 = arith.constant 144 : index
        %get3A_695 = tpu.vector_load %arg4[%get3A_692, %get3A_693, %get3A_694] {strides = array<i32>} : memref<4x64x256xf32, #tpu.memory_space<vmem>>, vector<1x1x16xf32>,
        %get3A_696 = vector.shape_cast %get3A_695 : vector<1x1x16xf32> to vector<16xf32>
        %add3A_697 = arith.addf %add3A_471, %get3A_696 : vector<16xf32>
        %swap3A_698 = arith.constant 0 : i32
        %swap3A_699 = arith.index_cast %swap3A_698 : i32 to index
        %swap3A_700 = arith.index_cast %scan3A_564 : i32 to index
        %swap3A_701 = arith.constant 144 : index
        %swap3A_702 = tpu.vector_load %arg4[%swap3A_699, %swap3A_700, %swap3A_701] {strides = array<i32>} : memref<4x64x256xf32, #tpu.memory_space<vmem>>, vector<1x1x16xf32>,
        %swap3A_703 = vector.shape_cast %swap3A_702 : vector<1x1x16xf32> to vector<16xf32>
        %swap3A_704 = vector.shape_cast %add3A_697 : vector<16xf32> to vector<1x1x16xf32>
        tpu.vector_store %arg4[%swap3A_699, %swap3A_700, %swap3A_701], %swap3A_704 {strides = array<i32>} : memref<4x64x256xf32, #tpu.memory_space<vmem>>, vector<1x1x16xf32>,
        %get3A_705 = arith.constant 0 : i32
        %get3A_706 = arith.index_cast %get3A_705 : i32 to index
        %get3A_707 = arith.index_cast %scan3A_564 : i32 to index
        %get3A_708 = arith.constant 160 : index
        %get3A_709 = tpu.vector_load %arg4[%get3A_706, %get3A_707, %get3A_708] {strides = array<i32>} : memref<4x64x256xf32, #tpu.memory_space<vmem>>, vector<1x1x16xf32>,
        %get3A_710 = vector.shape_cast %get3A_709 : vector<1x1x16xf32> to vector<16xf32>
        %add3A_711 = arith.addf %add3A_485, %get3A_710 : vector<16xf32>
        %swap3A_712 = arith.constant 0 : i32
        %swap3A_713 = arith.index_cast %swap3A_712 : i32 to index
        %swap3A_714 = arith.index_cast %scan3A_564 : i32 to index
        %swap3A_715 = arith.constant 160 : index
        %swap3A_716 = tpu.vector_load %arg4[%swap3A_713, %swap3A_714, %swap3A_715] {strides = array<i32>} : memref<4x64x256xf32, #tpu.memory_space<vmem>>, vector<1x1x16xf32>,
        %swap3A_717 = vector.shape_cast %swap3A_716 : vector<1x1x16xf32> to vector<16xf32>
        %swap3A_718 = vector.shape_cast %add3A_711 : vector<16xf32> to vector<1x1x16xf32>
        tpu.vector_store %arg4[%swap3A_713, %swap3A_714, %swap3A_715], %swap3A_718 {strides = array<i32>} : memref<4x64x256xf32, #tpu.memory_space<vmem>>, vector<1x1x16xf32>,
        %get3A_719 = arith.constant 0 : i32
        %get3A_720 = arith.index_cast %get3A_719 : i32 to index
        %get3A_721 = arith.index_cast %scan3A_564 : i32 to index
        %get3A_722 = arith.constant 176 : index
        %get3A_723 = tpu.vector_load %arg4[%get3A_720, %get3A_721, %get3A_722] {strides = array<i32>} : memref<4x64x256xf32, #tpu.memory_space<vmem>>, vector<1x1x16xf32>,
        %get3A_724 = vector.shape_cast %get3A_723 : vector<1x1x16xf32> to vector<16xf32>
        %add3A_725 = arith.addf %add3A_499, %get3A_724 : vector<16xf32>
        %swap3A_726 = arith.constant 0 : i32
        %swap3A_727 = arith.index_cast %swap3A_726 : i32 to index
        %swap3A_728 = arith.index_cast %scan3A_564 : i32 to index
        %swap3A_729 = arith.constant 176 : index
        %swap3A_730 = tpu.vector_load %arg4[%swap3A_727, %swap3A_728, %swap3A_729] {strides = array<i32>} : memref<4x64x256xf32, #tpu.memory_space<vmem>>, vector<1x1x16xf32>,
        %swap3A_731 = vector.shape_cast %swap3A_730 : vector<1x1x16xf32> to vector<16xf32>
        %swap3A_732 = vector.shape_cast %add3A_725 : vector<16xf32> to vector<1x1x16xf32>
        tpu.vector_store %arg4[%swap3A_727, %swap3A_728, %swap3A_729], %swap3A_732 {strides = array<i32>} : memref<4x64x256xf32, #tpu.memory_space<vmem>>, vector<1x1x16xf32>,
        %get3A_733 = arith.constant 0 : i32
        %get3A_734 = arith.index_cast %get3A_733 : i32 to index
        %get3A_735 = arith.index_cast %scan3A_564 : i32 to index
        %get3A_736 = arith.constant 192 : index
        %get3A_737 = tpu.vector_load %arg4[%get3A_734, %get3A_735, %get3A_736] {strides = array<i32>} : memref<4x64x256xf32, #tpu.memory_space<vmem>>, vector<1x1x16xf32>,
        %get3A_738 = vector.shape_cast %get3A_737 : vector<1x1x16xf32> to vector<16xf32>
        %add3A_739 = arith.addf %add3A_513, %get3A_738 : vector<16xf32>
        %swap3A_740 = arith.constant 0 : i32
        %swap3A_741 = arith.index_cast %swap3A_740 : i32 to index
        %swap3A_742 = arith.index_cast %scan3A_564 : i32 to index
        %swap3A_743 = arith.constant 192 : index
        %swap3A_744 = tpu.vector_load %arg4[%swap3A_741, %swap3A_742, %swap3A_743] {strides = array<i32>} : memref<4x64x256xf32, #tpu.memory_space<vmem>>, vector<1x1x16xf32>,
        %swap3A_745 = vector.shape_cast %swap3A_744 : vector<1x1x16xf32> to vector<16xf32>
        %swap3A_746 = vector.shape_cast %add3A_739 : vector<16xf32> to vector<1x1x16xf32>
        tpu.vector_store %arg4[%swap3A_741, %swap3A_742, %swap3A_743], %swap3A_746 {strides = array<i32>} : memref<4x64x256xf32, #tpu.memory_space<vmem>>, vector<1x1x16xf32>,
        %get3A_747 = arith.constant 0 : i32
        %get3A_748 = arith.index_cast %get3A_747 : i32 to index
        %get3A_749 = arith.index_cast %scan3A_564 : i32 to index
        %get3A_750 = arith.constant 208 : index
        %get3A_751 = tpu.vector_load %arg4[%get3A_748, %get3A_749, %get3A_750] {strides = array<i32>} : memref<4x64x256xf32, #tpu.memory_space<vmem>>, vector<1x1x16xf32>,
        %get3A_752 = vector.shape_cast %get3A_751 : vector<1x1x16xf32> to vector<16xf32>
        %add3A_753 = arith.addf %add3A_527, %get3A_752 : vector<16xf32>
        %swap3A_754 = arith.constant 0 : i32
        %swap3A_755 = arith.index_cast %swap3A_754 : i32 to index
        %swap3A_756 = arith.index_cast %scan3A_564 : i32 to index
        %swap3A_757 = arith.constant 208 : index
        %swap3A_758 = tpu.vector_load %arg4[%swap3A_755, %swap3A_756, %swap3A_757] {strides = array<i32>} : memref<4x64x256xf32, #tpu.memory_space<vmem>>, vector<1x1x16xf32>,
        %swap3A_759 = vector.shape_cast %swap3A_758 : vector<1x1x16xf32> to vector<16xf32>
        %swap3A_760 = vector.shape_cast %add3A_753 : vector<16xf32> to vector<1x1x16xf32>
        tpu.vector_store %arg4[%swap3A_755, %swap3A_756, %swap3A_757], %swap3A_760 {strides = array<i32>} : memref<4x64x256xf32, #tpu.memory_space<vmem>>, vector<1x1x16xf32>,
        %get3A_761 = arith.constant 0 : i32
        %get3A_762 = arith.index_cast %get3A_761 : i32 to index
        %get3A_763 = arith.index_cast %scan3A_564 : i32 to index
        %get3A_764 = arith.constant 224 : index
        %get3A_765 = tpu.vector_load %arg4[%get3A_762, %get3A_763, %get3A_764] {strides = array<i32>} : memref<4x64x256xf32, #tpu.memory_space<vmem>>, vector<1x1x16xf32>,
        %get3A_766 = vector.shape_cast %get3A_765 : vector<1x1x16xf32> to vector<16xf32>
        %add3A_767 = arith.addf %add3A_541, %get3A_766 : vector<16xf32>
        %swap3A_768 = arith.constant 0 : i32
        %swap3A_769 = arith.index_cast %swap3A_768 : i32 to index
        %swap3A_770 = arith.index_cast %scan3A_564 : i32 to index
        %swap3A_771 = arith.constant 224 : index
        %swap3A_772 = tpu.vector_load %arg4[%swap3A_769, %swap3A_770, %swap3A_771] {strides = array<i32>} : memref<4x64x256xf32, #tpu.memory_space<vmem>>, vector<1x1x16xf32>,
        %swap3A_773 = vector.shape_cast %swap3A_772 : vector<1x1x16xf32> to vector<16xf32>
        %swap3A_774 = vector.shape_cast %add3A_767 : vector<16xf32> to vector<1x1x16xf32>
        tpu.vector_store %arg4[%swap3A_769, %swap3A_770, %swap3A_771], %swap3A_774 {strides = array<i32>} : memref<4x64x256xf32, #tpu.memory_space<vmem>>, vector<1x1x16xf32>,
        %get3A_775 = arith.constant 0 : i32
        %get3A_776 = arith.index_cast %get3A_775 : i32 to index
        %get3A_777 = arith.index_cast %scan3A_564 : i32 to index
        %get3A_778 = arith.constant 240 : index
        %get3A_779 = tpu.vector_load %arg4[%get3A_776, %get3A_777, %get3A_778] {strides = array<i32>} : memref<4x64x256xf32, #tpu.memory_space<vmem>>, vector<1x1x16xf32>,
        %get3A_780 = vector.shape_cast %get3A_779 : vector<1x1x16xf32> to vector<16xf32>
        %add3A_781 = arith.addf %add3A_555, %get3A_780 : vector<16xf32>
        %swap3A_782 = arith.constant 0 : i32
        %swap3A_783 = arith.index_cast %swap3A_782 : i32 to index
        %swap3A_784 = arith.index_cast %scan3A_564 : i32 to index
        %swap3A_785 = arith.constant 240 : index
        %swap3A_786 = tpu.vector_load %arg4[%swap3A_783, %swap3A_784, %swap3A_785] {strides = array<i32>} : memref<4x64x256xf32, #tpu.memory_space<vmem>>, vector<1x1x16xf32>,
        %swap3A_787 = vector.shape_cast %swap3A_786 : vector<1x1x16xf32> to vector<16xf32>
        %swap3A_788 = vector.shape_cast %add3A_781 : vector<16xf32> to vector<1x1x16xf32>
        tpu.vector_store %arg4[%swap3A_783, %swap3A_784, %swap3A_785], %swap3A_788 {strides = array<i32>} : memref<4x64x256xf32, #tpu.memory_space<vmem>>, vector<1x1x16xf32>,
        scf.yield %add3A_571, %add3A_585, %add3A_599, %add3A_613, %add3A_627, %add3A_641, %add3A_655, %add3A_669, %add3A_683, %add3A_697, %add3A_711, %add3A_725, %add3A_739, %add3A_753, %add3A_767, %add3A_781 : vector<16xf32>, vector<16xf32>, vector<16xf32>, vector<16xf32>, vector<16xf32>, vector<16xf32>, vector<16xf32>, vector<16xf32>, vector<16xf32>, vector<16xf32>, vector<16xf32>, vector<16xf32>, vector<16xf32>, vector<16xf32>, vector<16xf32>, vector<16xf32>
      }
      %scan3A_173 = arith.constant 64 : i32
      %mul3A_174 = arith.constant 64 : i32
      %mul3A_175 = arith.muli %add3A_147, %mul3A_174 : i32
      %dma_start3A_176 = arith.constant 0 : i32
      %dma_start3A_177 = arith.constant 0 : i32
      %dma_start3A_178 = arith.constant 0 : i32
      %dma_start3A_179 = tpu.memref_slice %arg4[%dma_start3A_176, %dma_start3A_177, %dma_start3A_178] : memref<4x64x256xf32, #tpu.memory_space<vmem>> -> memref<1x64x256xf32, #tpu.memory_space<vmem>>
      %dma_start3A_180 = tpu.memref_squeeze %dma_start3A_179 : memref<1x64x256xf32, #tpu.memory_space<vmem>> -> memref<64x256xf32, #tpu.memory_space<vmem>>
      %dma_start3A_181 = tpu.memref_slice %arg3[%select_n3A, %mul3A_175, %mul3A_32] : memref<4x8192x2048xf32, #tpu.memory_space<hbm>> -> memref<1x64x256xf32, #tpu.memory_space<hbm>>
      %dma_start3A_182 = tpu.memref_squeeze %dma_start3A_181 : memref<1x64x256xf32, #tpu.memory_space<hbm>> -> memref<64x256xf32, #tpu.memory_space<hbm>>
      %dma_start3A_183 = tpu.memref_slice %arg3[%select_n3A, %mul3A_175, %mul3A_32] : memref<4x8192x2048xf32, #tpu.memory_space<hbm>> -> memref<1x64x256xf32, #tpu.memory_space<hbm>>
      %dma_start3A_184 = tpu.memref_squeeze %dma_start3A_183 : memref<1x64x256xf32, #tpu.memory_space<hbm>> -> memref<64x256xf32, #tpu.memory_space<hbm>>
      %dma_start3A_185 = arith.constant 0 : i32
      %dma_start3A_186 = arith.constant 0 : i32
      %dma_start3A_187 = tpu.memref_slice %arg4[%dma_start3A_176, %dma_start3A_185, %dma_start3A_186] : memref<4x64x256xf32, #tpu.memory_space<vmem>> -> memref<1x64x256xf32, #tpu.memory_space<vmem>>
      %dma_start3A_188 = tpu.memref_squeeze %dma_start3A_187 : memref<1x64x256xf32, #tpu.memory_space<vmem>> -> memref<64x256xf32, #tpu.memory_space<vmem>>
      tpu.enqueue_dma source(%dma_start3A_188 : memref<64x256xf32, #tpu.memory_space<vmem>>) target(%dma_start3A_184 : memref<64x256xf32, #tpu.memory_space<hbm>>) target_semaphore(%arg9 : memref<!tpu.dma_semaphore, #tpu.memory_space<semaphore_mem>>)
      %add3A_189 = arith.constant 1 : i32
      %add3A_190 = arith.addi %mul3A_145, %add3A_189 : i32
      %mul3A_191 = arith.constant 64 : i32
      %mul3A_192 = arith.muli %add3A_190, %mul3A_191 : i32
      %dma_wait3A_193 = arith.constant 1 : i32
      %dma_wait3A_194 = arith.constant 0 : i32
      %dma_wait3A_195 = arith.constant 0 : i32
      %dma_wait3A_196 = tpu.memref_slice %arg4[%dma_wait3A_193, %dma_wait3A_194, %dma_wait3A_195] : memref<4x64x256xf32, #tpu.memory_space<vmem>> -> memref<1x64x256xf32, #tpu.memory_space<vmem>>
      %dma_wait3A_197 = tpu.memref_squeeze %dma_wait3A_196 : memref<1x64x256xf32, #tpu.memory_space<vmem>> -> memref<64x256xf32, #tpu.memory_space<vmem>>
      %dma_wait3A_198 = tpu.memref_slice %arg2[%select_n3A, %mul3A_192, %mul3A_32] : memref<4x8192x2048xf32, #tpu.memory_space<hbm>> -> memref<1x64x256xf32, #tpu.memory_space<hbm>>
      %dma_wait3A_199 = tpu.memref_squeeze %dma_wait3A_198 : memref<1x64x256xf32, #tpu.memory_space<hbm>> -> memref<64x256xf32, #tpu.memory_space<hbm>>
      %dma_wait3A_200 = arith.constant 0 : i32
      %dma_wait3A_201 = arith.constant 0 : i32
      %dma_wait3A_202 = tpu.memref_slice %arg4[%dma_wait3A_193, %dma_wait3A_200, %dma_wait3A_201] : memref<4x64x256xf32, #tpu.memory_space<vmem>> -> memref<1x64x256xf32, #tpu.memory_space<vmem>>
      %dma_wait3A_203 = tpu.memref_squeeze %dma_wait3A_202 : memref<1x64x256xf32, #tpu.memory_space<vmem>> -> memref<64x256xf32, #tpu.memory_space<vmem>>
      %dma_wait3A_204 = tpu.memref_slice %arg2[%select_n3A, %mul3A_192, %mul3A_32] : memref<4x8192x2048xf32, #tpu.memory_space<hbm>> -> memref<1x64x256xf32, #tpu.memory_space<hbm>>
      %dma_wait3A_205 = tpu.memref_squeeze %dma_wait3A_204 : memref<1x64x256xf32, #tpu.memory_space<hbm>> -> memref<64x256xf32, #tpu.memory_space<hbm>>
      tpu.wait_dma2 semaphore(%arg6 : memref<!tpu.dma_semaphore, #tpu.memory_space<semaphore_mem>>) src(%dma_wait3A_205 : memref<64x256xf32, #tpu.memory_space<hbm>>) dst(%dma_wait3A_203 : memref<64x256xf32, #tpu.memory_space<vmem>>)
      %add3A_206 = arith.constant 2 : i32
      %add3A_207 = arith.addi %add3A_190, %add3A_206 : i32
      %lt3A_208 = arith.constant 128 : i32
      %lt3A_209 = arith.cmpi slt, %add3A_207, %lt3A_208 : i32
      %convert_element_type3A_210 = arith.extui %lt3A_209 : i1 to i32
      %cond3A_211 = arith.constant 0 : i32
      %cond3A_212 = arith.cmpi ne, %convert_element_type3A_210, %cond3A_211 : i32
      scf.if %cond3A_212 {
        %ge3A = arith.constant 2 : i32
        %ge3A_324 = arith.cmpi sge, %add3A_190, %ge3A : i32
        %convert_element_type3A_325 = arith.extui %ge3A_324 : i1 to i32
        %cond3A_326 = arith.constant 0 : i32
        %cond3A_327 = arith.cmpi ne, %convert_element_type3A_325, %cond3A_326 : i32
        scf.if %cond3A_327 {
          %sub3A_345 = arith.constant 2 : i32
          %sub3A_346 = arith.subi %add3A_190, %sub3A_345 : i32
          %mul3A_347 = arith.constant 64 : i32
          %mul3A_348 = arith.muli %sub3A_346, %mul3A_347 : i32
          %dma_wait3A_349 = arith.constant 3 : i32
          %dma_wait3A_350 = arith.constant 0 : i32
          %dma_wait3A_351 = arith.constant 0 : i32
          %dma_wait3A_352 = tpu.memref_slice %arg4[%dma_wait3A_349, %dma_wait3A_350, %dma_wait3A_351] : memref<4x64x256xf32, #tpu.memory_space<vmem>> -> memref<1x64x256xf32, #tpu.memory_space<vmem>>
          %dma_wait3A_353 = tpu.memref_squeeze %dma_wait3A_352 : memref<1x64x256xf32, #tpu.memory_space<vmem>> -> memref<64x256xf32, #tpu.memory_space<vmem>>
          %dma_wait3A_354 = tpu.memref_slice %arg3[%select_n3A, %mul3A_348, %mul3A_32] : memref<4x8192x2048xf32, #tpu.memory_space<hbm>> -> memref<1x64x256xf32, #tpu.memory_space<hbm>>
          %dma_wait3A_355 = tpu.memref_squeeze %dma_wait3A_354 : memref<1x64x256xf32, #tpu.memory_space<hbm>> -> memref<64x256xf32, #tpu.memory_space<hbm>>
          %dma_wait3A_356 = tpu.memref_slice %arg3[%select_n3A, %mul3A_348, %mul3A_32] : memref<4x8192x2048xf32, #tpu.memory_space<hbm>> -> memref<1x64x256xf32, #tpu.memory_space<hbm>>
          %dma_wait3A_357 = tpu.memref_squeeze %dma_wait3A_356 : memref<1x64x256xf32, #tpu.memory_space<hbm>> -> memref<64x256xf32, #tpu.memory_space<hbm>>
          %dma_wait3A_358 = arith.constant 0 : i32
          %dma_wait3A_359 = arith.constant 0 : i32
          %dma_wait3A_360 = tpu.memref_slice %arg4[%dma_wait3A_349, %dma_wait3A_358, %dma_wait3A_359] : memref<4x64x256xf32, #tpu.memory_space<vmem>> -> memref<1x64x256xf32, #tpu.memory_space<vmem>>
          %dma_wait3A_361 = tpu.memref_squeeze %dma_wait3A_360 : memref<1x64x256xf32, #tpu.memory_space<vmem>> -> memref<64x256xf32, #tpu.memory_space<vmem>>
          tpu.wait_dma2 semaphore(%arg12 : memref<!tpu.dma_semaphore, #tpu.memory_space<semaphore_mem>>) src(%dma_wait3A_361 : memref<64x256xf32, #tpu.memory_space<vmem>>) dst(%dma_wait3A_357 : memref<64x256xf32, #tpu.memory_space<hbm>>)
        } else {
        }
        %add3A_328 = arith.constant 2 : i32
        %add3A_329 = arith.addi %add3A_190, %add3A_328 : i32
        %mul3A_330 = arith.constant 64 : i32
        %mul3A_331 = arith.muli %add3A_329, %mul3A_330 : i32
        %dma_start3A_332 = arith.constant 3 : i32
        %dma_start3A_333 = arith.constant 0 : i32
        %dma_start3A_334 = arith.constant 0 : i32
        %dma_start3A_335 = tpu.memref_slice %arg4[%dma_start3A_332, %dma_start3A_333, %dma_start3A_334] : memref<4x64x256xf32, #tpu.memory_space<vmem>> -> memref<1x64x256xf32, #tpu.memory_space<vmem>>
        %dma_start3A_336 = tpu.memref_squeeze %dma_start3A_335 : memref<1x64x256xf32, #tpu.memory_space<vmem>> -> memref<64x256xf32, #tpu.memory_space<vmem>>
        %dma_start3A_337 = tpu.memref_slice %arg2[%select_n3A, %mul3A_331, %mul3A_32] : memref<4x8192x2048xf32, #tpu.memory_space<hbm>> -> memref<1x64x256xf32, #tpu.memory_space<hbm>>
        %dma_start3A_338 = tpu.memref_squeeze %dma_start3A_337 : memref<1x64x256xf32, #tpu.memory_space<hbm>> -> memref<64x256xf32, #tpu.memory_space<hbm>>
        %dma_start3A_339 = arith.constant 0 : i32
        %dma_start3A_340 = arith.constant 0 : i32
        %dma_start3A_341 = tpu.memref_slice %arg4[%dma_start3A_332, %dma_start3A_339, %dma_start3A_340] : memref<4x64x256xf32, #tpu.memory_space<vmem>> -> memref<1x64x256xf32, #tpu.memory_space<vmem>>
        %dma_start3A_342 = tpu.memref_squeeze %dma_start3A_341 : memref<1x64x256xf32, #tpu.memory_space<vmem>> -> memref<64x256xf32, #tpu.memory_space<vmem>>
        %dma_start3A_343 = tpu.memref_slice %arg2[%select_n3A, %mul3A_331, %mul3A_32] : memref<4x8192x2048xf32, #tpu.memory_space<hbm>> -> memref<1x64x256xf32, #tpu.memory_space<hbm>>
        %dma_start3A_344 = tpu.memref_squeeze %dma_start3A_343 : memref<1x64x256xf32, #tpu.memory_space<hbm>> -> memref<64x256xf32, #tpu.memory_space<hbm>>
        tpu.enqueue_dma source(%dma_start3A_344 : memref<64x256xf32, #tpu.memory_space<hbm>>) target(%dma_start3A_342 : memref<64x256xf32, #tpu.memory_space<vmem>>) target_semaphore(%arg8 : memref<!tpu.dma_semaphore, #tpu.memory_space<semaphore_mem>>)
      } else {
      }
      %scan3A_213 = arith.constant 0 : i32
      %scan3A_214 = arith.constant 64 : i32
      %scan3A_215 = arith.addi %scan3A_213, %scan3A_214 : i32
      %scan3A_216 = arith.constant 2 : i32
      %scan3A_217:16 = scf.for %scan3A_324 = %scan3A_213 to %scan3A_215 step %scan3A_216 iter_args(%scan3A_325 = %scan3A_172#0, %scan3A_326 = %scan3A_172#1, %scan3A_327 = %scan3A_172#2, %scan3A_328 = %scan3A_172#3, %scan3A_329 = %scan3A_172#4, %scan3A_330 = %scan3A_172#5, %scan3A_331 = %scan3A_172#6, %scan3A_332 = %scan3A_172#7, %scan3A_333 = %scan3A_172#8, %scan3A_334 = %scan3A_172#9, %scan3A_335 = %scan3A_172#10, %scan3A_336 = %scan3A_172#11, %scan3A_337 = %scan3A_172#12, %scan3A_338 = %scan3A_172#13, %scan3A_339 = %scan3A_172#14, %scan3A_340 = %scan3A_172#15) -> (vector<16xf32>, vector<16xf32>, vector<16xf32>, vector<16xf32>, vector<16xf32>, vector<16xf32>, vector<16xf32>, vector<16xf32>, vector<16xf32>, vector<16xf32>, vector<16xf32>, vector<16xf32>, vector<16xf32>, vector<16xf32>, vector<16xf32>, vector<16xf32>)  : i32 {
        %get3A = arith.constant 1 : i32
        %get3A_341 = arith.index_cast %get3A : i32 to index
        %get3A_342 = arith.index_cast %scan3A_324 : i32 to index
        %get3A_343 = arith.constant 0 : index
        %get3A_344 = tpu.vector_load %arg4[%get3A_341, %get3A_342, %get3A_343] {strides = array<i32>} : memref<4x64x256xf32, #tpu.memory_space<vmem>>, vector<1x1x16xf32>,
        %get3A_345 = vector.shape_cast %get3A_344 : vector<1x1x16xf32> to vector<16xf32>
        %add3A_346 = arith.addf %scan3A_325, %get3A_345 : vector<16xf32>
        %swap3A = arith.constant 1 : i32
        %swap3A_347 = arith.index_cast %swap3A : i32 to index
        %swap3A_348 = arith.index_cast %scan3A_324 : i32 to index
        %swap3A_349 = arith.constant 0 : index
        %swap3A_350 = tpu.vector_load %arg4[%swap3A_347, %swap3A_348, %swap3A_349] {strides = array<i32>} : memref<4x64x256xf32, #tpu.memory_space<vmem>>, vector<1x1x16xf32>,
        %swap3A_351 = vector.shape_cast %swap3A_350 : vector<1x1x16xf32> to vector<16xf32>
        %swap3A_352 = vector.shape_cast %add3A_346 : vector<16xf32> to vector<1x1x16xf32>
        tpu.vector_store %arg4[%swap3A_347, %swap3A_348, %swap3A_349], %swap3A_352 {strides = array<i32>} : memref<4x64x256xf32, #tpu.memory_space<vmem>>, vector<1x1x16xf32>,
        %get3A_353 = arith.constant 1 : i32
        %get3A_354 = arith.index_cast %get3A_353 : i32 to index
        %get3A_355 = arith.index_cast %scan3A_324 : i32 to index
        %get3A_356 = arith.constant 16 : index
        %get3A_357 = tpu.vector_load %arg4[%get3A_354, %get3A_355, %get3A_356] {strides = array<i32>} : memref<4x64x256xf32, #tpu.memory_space<vmem>>, vector<1x1x16xf32>,
        %get3A_358 = vector.shape_cast %get3A_357 : vector<1x1x16xf32> to vector<16xf32>
        %add3A_359 = arith.addf %scan3A_326, %get3A_358 : vector<16xf32>
        %swap3A_360 = arith.constant 1 : i32
        %swap3A_361 = arith.index_cast %swap3A_360 : i32 to index
        %swap3A_362 = arith.index_cast %scan3A_324 : i32 to index
        %swap3A_363 = arith.constant 16 : index
        %swap3A_364 = tpu.vector_load %arg4[%swap3A_361, %swap3A_362, %swap3A_363] {strides = array<i32>} : memref<4x64x256xf32, #tpu.memory_space<vmem>>, vector<1x1x16xf32>,
        %swap3A_365 = vector.shape_cast %swap3A_364 : vector<1x1x16xf32> to vector<16xf32>
        %swap3A_366 = vector.shape_cast %add3A_359 : vector<16xf32> to vector<1x1x16xf32>
        tpu.vector_store %arg4[%swap3A_361, %swap3A_362, %swap3A_363], %swap3A_366 {strides = array<i32>} : memref<4x64x256xf32, #tpu.memory_space<vmem>>, vector<1x1x16xf32>,
        %get3A_367 = arith.constant 1 : i32
        %get3A_368 = arith.index_cast %get3A_367 : i32 to index
        %get3A_369 = arith.index_cast %scan3A_324 : i32 to index
        %get3A_370 = arith.constant 32 : index
        %get3A_371 = tpu.vector_load %arg4[%get3A_368, %get3A_369, %get3A_370] {strides = array<i32>} : memref<4x64x256xf32, #tpu.memory_space<vmem>>, vector<1x1x16xf32>,
        %get3A_372 = vector.shape_cast %get3A_371 : vector<1x1x16xf32> to vector<16xf32>
        %add3A_373 = arith.addf %scan3A_327, %get3A_372 : vector<16xf32>
        %swap3A_374 = arith.constant 1 : i32
        %swap3A_375 = arith.index_cast %swap3A_374 : i32 to index
        %swap3A_376 = arith.index_cast %scan3A_324 : i32 to index
        %swap3A_377 = arith.constant 32 : index
        %swap3A_378 = tpu.vector_load %arg4[%swap3A_375, %swap3A_376, %swap3A_377] {strides = array<i32>} : memref<4x64x256xf32, #tpu.memory_space<vmem>>, vector<1x1x16xf32>,
        %swap3A_379 = vector.shape_cast %swap3A_378 : vector<1x1x16xf32> to vector<16xf32>
        %swap3A_380 = vector.shape_cast %add3A_373 : vector<16xf32> to vector<1x1x16xf32>
        tpu.vector_store %arg4[%swap3A_375, %swap3A_376, %swap3A_377], %swap3A_380 {strides = array<i32>} : memref<4x64x256xf32, #tpu.memory_space<vmem>>, vector<1x1x16xf32>,
        %get3A_381 = arith.constant 1 : i32
        %get3A_382 = arith.index_cast %get3A_381 : i32 to index
        %get3A_383 = arith.index_cast %scan3A_324 : i32 to index
        %get3A_384 = arith.constant 48 : index
        %get3A_385 = tpu.vector_load %arg4[%get3A_382, %get3A_383, %get3A_384] {strides = array<i32>} : memref<4x64x256xf32, #tpu.memory_space<vmem>>, vector<1x1x16xf32>,
        %get3A_386 = vector.shape_cast %get3A_385 : vector<1x1x16xf32> to vector<16xf32>
        %add3A_387 = arith.addf %scan3A_328, %get3A_386 : vector<16xf32>
        %swap3A_388 = arith.constant 1 : i32
        %swap3A_389 = arith.index_cast %swap3A_388 : i32 to index
        %swap3A_390 = arith.index_cast %scan3A_324 : i32 to index
        %swap3A_391 = arith.constant 48 : index
        %swap3A_392 = tpu.vector_load %arg4[%swap3A_389, %swap3A_390, %swap3A_391] {strides = array<i32>} : memref<4x64x256xf32, #tpu.memory_space<vmem>>, vector<1x1x16xf32>,
        %swap3A_393 = vector.shape_cast %swap3A_392 : vector<1x1x16xf32> to vector<16xf32>
        %swap3A_394 = vector.shape_cast %add3A_387 : vector<16xf32> to vector<1x1x16xf32>
        tpu.vector_store %arg4[%swap3A_389, %swap3A_390, %swap3A_391], %swap3A_394 {strides = array<i32>} : memref<4x64x256xf32, #tpu.memory_space<vmem>>, vector<1x1x16xf32>,
        %get3A_395 = arith.constant 1 : i32
        %get3A_396 = arith.index_cast %get3A_395 : i32 to index
        %get3A_397 = arith.index_cast %scan3A_324 : i32 to index
        %get3A_398 = arith.constant 64 : index
        %get3A_399 = tpu.vector_load %arg4[%get3A_396, %get3A_397, %get3A_398] {strides = array<i32>} : memref<4x64x256xf32, #tpu.memory_space<vmem>>, vector<1x1x16xf32>,
        %get3A_400 = vector.shape_cast %get3A_399 : vector<1x1x16xf32> to vector<16xf32>
        %add3A_401 = arith.addf %scan3A_329, %get3A_400 : vector<16xf32>
        %swap3A_402 = arith.constant 1 : i32
        %swap3A_403 = arith.index_cast %swap3A_402 : i32 to index
        %swap3A_404 = arith.index_cast %scan3A_324 : i32 to index
        %swap3A_405 = arith.constant 64 : index
        %swap3A_406 = tpu.vector_load %arg4[%swap3A_403, %swap3A_404, %swap3A_405] {strides = array<i32>} : memref<4x64x256xf32, #tpu.memory_space<vmem>>, vector<1x1x16xf32>,
        %swap3A_407 = vector.shape_cast %swap3A_406 : vector<1x1x16xf32> to vector<16xf32>
        %swap3A_408 = vector.shape_cast %add3A_401 : vector<16xf32> to vector<1x1x16xf32>
        tpu.vector_store %arg4[%swap3A_403, %swap3A_404, %swap3A_405], %swap3A_408 {strides = array<i32>} : memref<4x64x256xf32, #tpu.memory_space<vmem>>, vector<1x1x16xf32>,
        %get3A_409 = arith.constant 1 : i32
        %get3A_410 = arith.index_cast %get3A_409 : i32 to index
        %get3A_411 = arith.index_cast %scan3A_324 : i32 to index
        %get3A_412 = arith.constant 80 : index
        %get3A_413 = tpu.vector_load %arg4[%get3A_410, %get3A_411, %get3A_412] {strides = array<i32>} : memref<4x64x256xf32, #tpu.memory_space<vmem>>, vector<1x1x16xf32>,
        %get3A_414 = vector.shape_cast %get3A_413 : vector<1x1x16xf32> to vector<16xf32>
        %add3A_415 = arith.addf %scan3A_330, %get3A_414 : vector<16xf32>
        %swap3A_416 = arith.constant 1 : i32
        %swap3A_417 = arith.index_cast %swap3A_416 : i32 to index
        %swap3A_418 = arith.index_cast %scan3A_324 : i32 to index
        %swap3A_419 = arith.constant 80 : index
        %swap3A_420 = tpu.vector_load %arg4[%swap3A_417, %swap3A_418, %swap3A_419] {strides = array<i32>} : memref<4x64x256xf32, #tpu.memory_space<vmem>>, vector<1x1x16xf32>,
        %swap3A_421 = vector.shape_cast %swap3A_420 : vector<1x1x16xf32> to vector<16xf32>
        %swap3A_422 = vector.shape_cast %add3A_415 : vector<16xf32> to vector<1x1x16xf32>
        tpu.vector_store %arg4[%swap3A_417, %swap3A_418, %swap3A_419], %swap3A_422 {strides = array<i32>} : memref<4x64x256xf32, #tpu.memory_space<vmem>>, vector<1x1x16xf32>,
        %get3A_423 = arith.constant 1 : i32
        %get3A_424 = arith.index_cast %get3A_423 : i32 to index
        %get3A_425 = arith.index_cast %scan3A_324 : i32 to index
        %get3A_426 = arith.constant 96 : index
        %get3A_427 = tpu.vector_load %arg4[%get3A_424, %get3A_425, %get3A_426] {strides = array<i32>} : memref<4x64x256xf32, #tpu.memory_space<vmem>>, vector<1x1x16xf32>,
        %get3A_428 = vector.shape_cast %get3A_427 : vector<1x1x16xf32> to vector<16xf32>
        %add3A_429 = arith.addf %scan3A_331, %get3A_428 : vector<16xf32>
        %swap3A_430 = arith.constant 1 : i32
        %swap3A_431 = arith.index_cast %swap3A_430 : i32 to index
        %swap3A_432 = arith.index_cast %scan3A_324 : i32 to index
        %swap3A_433 = arith.constant 96 : index
        %swap3A_434 = tpu.vector_load %arg4[%swap3A_431, %swap3A_432, %swap3A_433] {strides = array<i32>} : memref<4x64x256xf32, #tpu.memory_space<vmem>>, vector<1x1x16xf32>,
        %swap3A_435 = vector.shape_cast %swap3A_434 : vector<1x1x16xf32> to vector<16xf32>
        %swap3A_436 = vector.shape_cast %add3A_429 : vector<16xf32> to vector<1x1x16xf32>
        tpu.vector_store %arg4[%swap3A_431, %swap3A_432, %swap3A_433], %swap3A_436 {strides = array<i32>} : memref<4x64x256xf32, #tpu.memory_space<vmem>>, vector<1x1x16xf32>,
        %get3A_437 = arith.constant 1 : i32
        %get3A_438 = arith.index_cast %get3A_437 : i32 to index
        %get3A_439 = arith.index_cast %scan3A_324 : i32 to index
        %get3A_440 = arith.constant 112 : index
        %get3A_441 = tpu.vector_load %arg4[%get3A_438, %get3A_439, %get3A_440] {strides = array<i32>} : memref<4x64x256xf32, #tpu.memory_space<vmem>>, vector<1x1x16xf32>,
        %get3A_442 = vector.shape_cast %get3A_441 : vector<1x1x16xf32> to vector<16xf32>
        %add3A_443 = arith.addf %scan3A_332, %get3A_442 : vector<16xf32>
        %swap3A_444 = arith.constant 1 : i32
        %swap3A_445 = arith.index_cast %swap3A_444 : i32 to index
        %swap3A_446 = arith.index_cast %scan3A_324 : i32 to index
        %swap3A_447 = arith.constant 112 : index
        %swap3A_448 = tpu.vector_load %arg4[%swap3A_445, %swap3A_446, %swap3A_447] {strides = array<i32>} : memref<4x64x256xf32, #tpu.memory_space<vmem>>, vector<1x1x16xf32>,
        %swap3A_449 = vector.shape_cast %swap3A_448 : vector<1x1x16xf32> to vector<16xf32>
        %swap3A_450 = vector.shape_cast %add3A_443 : vector<16xf32> to vector<1x1x16xf32>
        tpu.vector_store %arg4[%swap3A_445, %swap3A_446, %swap3A_447], %swap3A_450 {strides = array<i32>} : memref<4x64x256xf32, #tpu.memory_space<vmem>>, vector<1x1x16xf32>,
        %get3A_451 = arith.constant 1 : i32
        %get3A_452 = arith.index_cast %get3A_451 : i32 to index
        %get3A_453 = arith.index_cast %scan3A_324 : i32 to index
        %get3A_454 = arith.constant 128 : index
        %get3A_455 = tpu.vector_load %arg4[%get3A_452, %get3A_453, %get3A_454] {strides = array<i32>} : memref<4x64x256xf32, #tpu.memory_space<vmem>>, vector<1x1x16xf32>,
        %get3A_456 = vector.shape_cast %get3A_455 : vector<1x1x16xf32> to vector<16xf32>
        %add3A_457 = arith.addf %scan3A_333, %get3A_456 : vector<16xf32>
        %swap3A_458 = arith.constant 1 : i32
        %swap3A_459 = arith.index_cast %swap3A_458 : i32 to index
        %swap3A_460 = arith.index_cast %scan3A_324 : i32 to index
        %swap3A_461 = arith.constant 128 : index
        %swap3A_462 = tpu.vector_load %arg4[%swap3A_459, %swap3A_460, %swap3A_461] {strides = array<i32>} : memref<4x64x256xf32, #tpu.memory_space<vmem>>, vector<1x1x16xf32>,
        %swap3A_463 = vector.shape_cast %swap3A_462 : vector<1x1x16xf32> to vector<16xf32>
        %swap3A_464 = vector.shape_cast %add3A_457 : vector<16xf32> to vector<1x1x16xf32>
        tpu.vector_store %arg4[%swap3A_459, %swap3A_460, %swap3A_461], %swap3A_464 {strides = array<i32>} : memref<4x64x256xf32, #tpu.memory_space<vmem>>, vector<1x1x16xf32>,
        %get3A_465 = arith.constant 1 : i32
        %get3A_466 = arith.index_cast %get3A_465 : i32 to index
        %get3A_467 = arith.index_cast %scan3A_324 : i32 to index
        %get3A_468 = arith.constant 144 : index
        %get3A_469 = tpu.vector_load %arg4[%get3A_466, %get3A_467, %get3A_468] {strides = array<i32>} : memref<4x64x256xf32, #tpu.memory_space<vmem>>, vector<1x1x16xf32>,
        %get3A_470 = vector.shape_cast %get3A_469 : vector<1x1x16xf32> to vector<16xf32>
        %add3A_471 = arith.addf %scan3A_334, %get3A_470 : vector<16xf32>
        %swap3A_472 = arith.constant 1 : i32
        %swap3A_473 = arith.index_cast %swap3A_472 : i32 to index
        %swap3A_474 = arith.index_cast %scan3A_324 : i32 to index
        %swap3A_475 = arith.constant 144 : index
        %swap3A_476 = tpu.vector_load %arg4[%swap3A_473, %swap3A_474, %swap3A_475] {strides = array<i32>} : memref<4x64x256xf32, #tpu.memory_space<vmem>>, vector<1x1x16xf32>,
        %swap3A_477 = vector.shape_cast %swap3A_476 : vector<1x1x16xf32> to vector<16xf32>
        %swap3A_478 = vector.shape_cast %add3A_471 : vector<16xf32> to vector<1x1x16xf32>
        tpu.vector_store %arg4[%swap3A_473, %swap3A_474, %swap3A_475], %swap3A_478 {strides = array<i32>} : memref<4x64x256xf32, #tpu.memory_space<vmem>>, vector<1x1x16xf32>,
        %get3A_479 = arith.constant 1 : i32
        %get3A_480 = arith.index_cast %get3A_479 : i32 to index
        %get3A_481 = arith.index_cast %scan3A_324 : i32 to index
        %get3A_482 = arith.constant 160 : index
        %get3A_483 = tpu.vector_load %arg4[%get3A_480, %get3A_481, %get3A_482] {strides = array<i32>} : memref<4x64x256xf32, #tpu.memory_space<vmem>>, vector<1x1x16xf32>,
        %get3A_484 = vector.shape_cast %get3A_483 : vector<1x1x16xf32> to vector<16xf32>
        %add3A_485 = arith.addf %scan3A_335, %get3A_484 : vector<16xf32>
        %swap3A_486 = arith.constant 1 : i32
        %swap3A_487 = arith.index_cast %swap3A_486 : i32 to index
        %swap3A_488 = arith.index_cast %scan3A_324 : i32 to index
        %swap3A_489 = arith.constant 160 : index
        %swap3A_490 = tpu.vector_load %arg4[%swap3A_487, %swap3A_488, %swap3A_489] {strides = array<i32>} : memref<4x64x256xf32, #tpu.memory_space<vmem>>, vector<1x1x16xf32>,
        %swap3A_491 = vector.shape_cast %swap3A_490 : vector<1x1x16xf32> to vector<16xf32>
        %swap3A_492 = vector.shape_cast %add3A_485 : vector<16xf32> to vector<1x1x16xf32>
        tpu.vector_store %arg4[%swap3A_487, %swap3A_488, %swap3A_489], %swap3A_492 {strides = array<i32>} : memref<4x64x256xf32, #tpu.memory_space<vmem>>, vector<1x1x16xf32>,
        %get3A_493 = arith.constant 1 : i32
        %get3A_494 = arith.index_cast %get3A_493 : i32 to index
        %get3A_495 = arith.index_cast %scan3A_324 : i32 to index
        %get3A_496 = arith.constant 176 : index
        %get3A_497 = tpu.vector_load %arg4[%get3A_494, %get3A_495, %get3A_496] {strides = array<i32>} : memref<4x64x256xf32, #tpu.memory_space<vmem>>, vector<1x1x16xf32>,
        %get3A_498 = vector.shape_cast %get3A_497 : vector<1x1x16xf32> to vector<16xf32>
        %add3A_499 = arith.addf %scan3A_336, %get3A_498 : vector<16xf32>
        %swap3A_500 = arith.constant 1 : i32
        %swap3A_501 = arith.index_cast %swap3A_500 : i32 to index
        %swap3A_502 = arith.index_cast %scan3A_324 : i32 to index
        %swap3A_503 = arith.constant 176 : index
        %swap3A_504 = tpu.vector_load %arg4[%swap3A_501, %swap3A_502, %swap3A_503] {strides = array<i32>} : memref<4x64x256xf32, #tpu.memory_space<vmem>>, vector<1x1x16xf32>,
        %swap3A_505 = vector.shape_cast %swap3A_504 : vector<1x1x16xf32> to vector<16xf32>
        %swap3A_506 = vector.shape_cast %add3A_499 : vector<16xf32> to vector<1x1x16xf32>
        tpu.vector_store %arg4[%swap3A_501, %swap3A_502, %swap3A_503], %swap3A_506 {strides = array<i32>} : memref<4x64x256xf32, #tpu.memory_space<vmem>>, vector<1x1x16xf32>,
        %get3A_507 = arith.constant 1 : i32
        %get3A_508 = arith.index_cast %get3A_507 : i32 to index
        %get3A_509 = arith.index_cast %scan3A_324 : i32 to index
        %get3A_510 = arith.constant 192 : index
        %get3A_511 = tpu.vector_load %arg4[%get3A_508, %get3A_509, %get3A_510] {strides = array<i32>} : memref<4x64x256xf32, #tpu.memory_space<vmem>>, vector<1x1x16xf32>,
        %get3A_512 = vector.shape_cast %get3A_511 : vector<1x1x16xf32> to vector<16xf32>
        %add3A_513 = arith.addf %scan3A_337, %get3A_512 : vector<16xf32>
        %swap3A_514 = arith.constant 1 : i32
        %swap3A_515 = arith.index_cast %swap3A_514 : i32 to index
        %swap3A_516 = arith.index_cast %scan3A_324 : i32 to index
        %swap3A_517 = arith.constant 192 : index
        %swap3A_518 = tpu.vector_load %arg4[%swap3A_515, %swap3A_516, %swap3A_517] {strides = array<i32>} : memref<4x64x256xf32, #tpu.memory_space<vmem>>, vector<1x1x16xf32>,
        %swap3A_519 = vector.shape_cast %swap3A_518 : vector<1x1x16xf32> to vector<16xf32>
        %swap3A_520 = vector.shape_cast %add3A_513 : vector<16xf32> to vector<1x1x16xf32>
        tpu.vector_store %arg4[%swap3A_515, %swap3A_516, %swap3A_517], %swap3A_520 {strides = array<i32>} : memref<4x64x256xf32, #tpu.memory_space<vmem>>, vector<1x1x16xf32>,
        %get3A_521 = arith.constant 1 : i32
        %get3A_522 = arith.index_cast %get3A_521 : i32 to index
        %get3A_523 = arith.index_cast %scan3A_324 : i32 to index
        %get3A_524 = arith.constant 208 : index
        %get3A_525 = tpu.vector_load %arg4[%get3A_522, %get3A_523, %get3A_524] {strides = array<i32>} : memref<4x64x256xf32, #tpu.memory_space<vmem>>, vector<1x1x16xf32>,
        %get3A_526 = vector.shape_cast %get3A_525 : vector<1x1x16xf32> to vector<16xf32>
        %add3A_527 = arith.addf %scan3A_338, %get3A_526 : vector<16xf32>
        %swap3A_528 = arith.constant 1 : i32
        %swap3A_529 = arith.index_cast %swap3A_528 : i32 to index
        %swap3A_530 = arith.index_cast %scan3A_324 : i32 to index
        %swap3A_531 = arith.constant 208 : index
        %swap3A_532 = tpu.vector_load %arg4[%swap3A_529, %swap3A_530, %swap3A_531] {strides = array<i32>} : memref<4x64x256xf32, #tpu.memory_space<vmem>>, vector<1x1x16xf32>,
        %swap3A_533 = vector.shape_cast %swap3A_532 : vector<1x1x16xf32> to vector<16xf32>
        %swap3A_534 = vector.shape_cast %add3A_527 : vector<16xf32> to vector<1x1x16xf32>
        tpu.vector_store %arg4[%swap3A_529, %swap3A_530, %swap3A_531], %swap3A_534 {strides = array<i32>} : memref<4x64x256xf32, #tpu.memory_space<vmem>>, vector<1x1x16xf32>,
        %get3A_535 = arith.constant 1 : i32
        %get3A_536 = arith.index_cast %get3A_535 : i32 to index
        %get3A_537 = arith.index_cast %scan3A_324 : i32 to index
        %get3A_538 = arith.constant 224 : index
        %get3A_539 = tpu.vector_load %arg4[%get3A_536, %get3A_537, %get3A_538] {strides = array<i32>} : memref<4x64x256xf32, #tpu.memory_space<vmem>>, vector<1x1x16xf32>,
        %get3A_540 = vector.shape_cast %get3A_539 : vector<1x1x16xf32> to vector<16xf32>
        %add3A_541 = arith.addf %scan3A_339, %get3A_540 : vector<16xf32>
        %swap3A_542 = arith.constant 1 : i32
        %swap3A_543 = arith.index_cast %swap3A_542 : i32 to index
        %swap3A_544 = arith.index_cast %scan3A_324 : i32 to index
        %swap3A_545 = arith.constant 224 : index
        %swap3A_546 = tpu.vector_load %arg4[%swap3A_543, %swap3A_544, %swap3A_545] {strides = array<i32>} : memref<4x64x256xf32, #tpu.memory_space<vmem>>, vector<1x1x16xf32>,
        %swap3A_547 = vector.shape_cast %swap3A_546 : vector<1x1x16xf32> to vector<16xf32>
        %swap3A_548 = vector.shape_cast %add3A_541 : vector<16xf32> to vector<1x1x16xf32>
        tpu.vector_store %arg4[%swap3A_543, %swap3A_544, %swap3A_545], %swap3A_548 {strides = array<i32>} : memref<4x64x256xf32, #tpu.memory_space<vmem>>, vector<1x1x16xf32>,
        %get3A_549 = arith.constant 1 : i32
        %get3A_550 = arith.index_cast %get3A_549 : i32 to index
        %get3A_551 = arith.index_cast %scan3A_324 : i32 to index
        %get3A_552 = arith.constant 240 : index
        %get3A_553 = tpu.vector_load %arg4[%get3A_550, %get3A_551, %get3A_552] {strides = array<i32>} : memref<4x64x256xf32, #tpu.memory_space<vmem>>, vector<1x1x16xf32>,
        %get3A_554 = vector.shape_cast %get3A_553 : vector<1x1x16xf32> to vector<16xf32>
        %add3A_555 = arith.addf %scan3A_340, %get3A_554 : vector<16xf32>
        %swap3A_556 = arith.constant 1 : i32
        %swap3A_557 = arith.index_cast %swap3A_556 : i32 to index
        %swap3A_558 = arith.index_cast %scan3A_324 : i32 to index
        %swap3A_559 = arith.constant 240 : index
        %swap3A_560 = tpu.vector_load %arg4[%swap3A_557, %swap3A_558, %swap3A_559] {strides = array<i32>} : memref<4x64x256xf32, #tpu.memory_space<vmem>>, vector<1x1x16xf32>,
        %swap3A_561 = vector.shape_cast %swap3A_560 : vector<1x1x16xf32> to vector<16xf32>
        %swap3A_562 = vector.shape_cast %add3A_555 : vector<16xf32> to vector<1x1x16xf32>
        tpu.vector_store %arg4[%swap3A_557, %swap3A_558, %swap3A_559], %swap3A_562 {strides = array<i32>} : memref<4x64x256xf32, #tpu.memory_space<vmem>>, vector<1x1x16xf32>,
        %scan3A_563 = arith.constant 1 : i32
        %scan3A_564 = arith.addi %scan3A_324, %scan3A_563 : i32
        %get3A_565 = arith.constant 1 : i32
        %get3A_566 = arith.index_cast %get3A_565 : i32 to index
        %get3A_567 = arith.index_cast %scan3A_564 : i32 to index
        %get3A_568 = arith.constant 0 : index
        %get3A_569 = tpu.vector_load %arg4[%get3A_566, %get3A_567, %get3A_568] {strides = array<i32>} : memref<4x64x256xf32, #tpu.memory_space<vmem>>, vector<1x1x16xf32>,
        %get3A_570 = vector.shape_cast %get3A_569 : vector<1x1x16xf32> to vector<16xf32>
        %add3A_571 = arith.addf %add3A_346, %get3A_570 : vector<16xf32>
        %swap3A_572 = arith.constant 1 : i32
        %swap3A_573 = arith.index_cast %swap3A_572 : i32 to index
        %swap3A_574 = arith.index_cast %scan3A_564 : i32 to index
        %swap3A_575 = arith.constant 0 : index
        %swap3A_576 = tpu.vector_load %arg4[%swap3A_573, %swap3A_574, %swap3A_575] {strides = array<i32>} : memref<4x64x256xf32, #tpu.memory_space<vmem>>, vector<1x1x16xf32>,
        %swap3A_577 = vector.shape_cast %swap3A_576 : vector<1x1x16xf32> to vector<16xf32>
        %swap3A_578 = vector.shape_cast %add3A_571 : vector<16xf32> to vector<1x1x16xf32>
        tpu.vector_store %arg4[%swap3A_573, %swap3A_574, %swap3A_575], %swap3A_578 {strides = array<i32>} : memref<4x64x256xf32, #tpu.memory_space<vmem>>, vector<1x1x16xf32>,
        %get3A_579 = arith.constant 1 : i32
        %get3A_580 = arith.index_cast %get3A_579 : i32 to index
        %get3A_581 = arith.index_cast %scan3A_564 : i32 to index
        %get3A_582 = arith.constant 16 : index
        %get3A_583 = tpu.vector_load %arg4[%get3A_580, %get3A_581, %get3A_582] {strides = array<i32>} : memref<4x64x256xf32, #tpu.memory_space<vmem>>, vector<1x1x16xf32>,
        %get3A_584 = vector.shape_cast %get3A_583 : vector<1x1x16xf32> to vector<16xf32>
        %add3A_585 = arith.addf %add3A_359, %get3A_584 : vector<16xf32>
        %swap3A_586 = arith.constant 1 : i32
        %swap3A_587 = arith.index_cast %swap3A_586 : i32 to index
        %swap3A_588 = arith.index_cast %scan3A_564 : i32 to index
        %swap3A_589 = arith.constant 16 : index
        %swap3A_590 = tpu.vector_load %arg4[%swap3A_587, %swap3A_588, %swap3A_589] {strides = array<i32>} : memref<4x64x256xf32, #tpu.memory_space<vmem>>, vector<1x1x16xf32>,
        %swap3A_591 = vector.shape_cast %swap3A_590 : vector<1x1x16xf32> to vector<16xf32>
        %swap3A_592 = vector.shape_cast %add3A_585 : vector<16xf32> to vector<1x1x16xf32>
        tpu.vector_store %arg4[%swap3A_587, %swap3A_588, %swap3A_589], %swap3A_592 {strides = array<i32>} : memref<4x64x256xf32, #tpu.memory_space<vmem>>, vector<1x1x16xf32>,
        %get3A_593 = arith.constant 1 : i32
        %get3A_594 = arith.index_cast %get3A_593 : i32 to index
        %get3A_595 = arith.index_cast %scan3A_564 : i32 to index
        %get3A_596 = arith.constant 32 : index
        %get3A_597 = tpu.vector_load %arg4[%get3A_594, %get3A_595, %get3A_596] {strides = array<i32>} : memref<4x64x256xf32, #tpu.memory_space<vmem>>, vector<1x1x16xf32>,
        %get3A_598 = vector.shape_cast %get3A_597 : vector<1x1x16xf32> to vector<16xf32>
        %add3A_599 = arith.addf %add3A_373, %get3A_598 : vector<16xf32>
        %swap3A_600 = arith.constant 1 : i32
        %swap3A_601 = arith.index_cast %swap3A_600 : i32 to index
        %swap3A_602 = arith.index_cast %scan3A_564 : i32 to index
        %swap3A_603 = arith.constant 32 : index
        %swap3A_604 = tpu.vector_load %arg4[%swap3A_601, %swap3A_602, %swap3A_603] {strides = array<i32>} : memref<4x64x256xf32, #tpu.memory_space<vmem>>, vector<1x1x16xf32>,
        %swap3A_605 = vector.shape_cast %swap3A_604 : vector<1x1x16xf32> to vector<16xf32>
        %swap3A_606 = vector.shape_cast %add3A_599 : vector<16xf32> to vector<1x1x16xf32>
        tpu.vector_store %arg4[%swap3A_601, %swap3A_602, %swap3A_603], %swap3A_606 {strides = array<i32>} : memref<4x64x256xf32, #tpu.memory_space<vmem>>, vector<1x1x16xf32>,
        %get3A_607 = arith.constant 1 : i32
        %get3A_608 = arith.index_cast %get3A_607 : i32 to index
        %get3A_609 = arith.index_cast %scan3A_564 : i32 to index
        %get3A_610 = arith.constant 48 : index
        %get3A_611 = tpu.vector_load %arg4[%get3A_608, %get3A_609, %get3A_610] {strides = array<i32>} : memref<4x64x256xf32, #tpu.memory_space<vmem>>, vector<1x1x16xf32>,
        %get3A_612 = vector.shape_cast %get3A_611 : vector<1x1x16xf32> to vector<16xf32>
        %add3A_613 = arith.addf %add3A_387, %get3A_612 : vector<16xf32>
        %swap3A_614 = arith.constant 1 : i32
        %swap3A_615 = arith.index_cast %swap3A_614 : i32 to index
        %swap3A_616 = arith.index_cast %scan3A_564 : i32 to index
        %swap3A_617 = arith.constant 48 : index
        %swap3A_618 = tpu.vector_load %arg4[%swap3A_615, %swap3A_616, %swap3A_617] {strides = array<i32>} : memref<4x64x256xf32, #tpu.memory_space<vmem>>, vector<1x1x16xf32>,
        %swap3A_619 = vector.shape_cast %swap3A_618 : vector<1x1x16xf32> to vector<16xf32>
        %swap3A_620 = vector.shape_cast %add3A_613 : vector<16xf32> to vector<1x1x16xf32>
        tpu.vector_store %arg4[%swap3A_615, %swap3A_616, %swap3A_617], %swap3A_620 {strides = array<i32>} : memref<4x64x256xf32, #tpu.memory_space<vmem>>, vector<1x1x16xf32>,
        %get3A_621 = arith.constant 1 : i32
        %get3A_622 = arith.index_cast %get3A_621 : i32 to index
        %get3A_623 = arith.index_cast %scan3A_564 : i32 to index
        %get3A_624 = arith.constant 64 : index
        %get3A_625 = tpu.vector_load %arg4[%get3A_622, %get3A_623, %get3A_624] {strides = array<i32>} : memref<4x64x256xf32, #tpu.memory_space<vmem>>, vector<1x1x16xf32>,
        %get3A_626 = vector.shape_cast %get3A_625 : vector<1x1x16xf32> to vector<16xf32>
        %add3A_627 = arith.addf %add3A_401, %get3A_626 : vector<16xf32>
        %swap3A_628 = arith.constant 1 : i32
        %swap3A_629 = arith.index_cast %swap3A_628 : i32 to index
        %swap3A_630 = arith.index_cast %scan3A_564 : i32 to index
        %swap3A_631 = arith.constant 64 : index
        %swap3A_632 = tpu.vector_load %arg4[%swap3A_629, %swap3A_630, %swap3A_631] {strides = array<i32>} : memref<4x64x256xf32, #tpu.memory_space<vmem>>, vector<1x1x16xf32>,
        %swap3A_633 = vector.shape_cast %swap3A_632 : vector<1x1x16xf32> to vector<16xf32>
        %swap3A_634 = vector.shape_cast %add3A_627 : vector<16xf32> to vector<1x1x16xf32>
        tpu.vector_store %arg4[%swap3A_629, %swap3A_630, %swap3A_631], %swap3A_634 {strides = array<i32>} : memref<4x64x256xf32, #tpu.memory_space<vmem>>, vector<1x1x16xf32>,
        %get3A_635 = arith.constant 1 : i32
        %get3A_636 = arith.index_cast %get3A_635 : i32 to index
        %get3A_637 = arith.index_cast %scan3A_564 : i32 to index
        %get3A_638 = arith.constant 80 : index
        %get3A_639 = tpu.vector_load %arg4[%get3A_636, %get3A_637, %get3A_638] {strides = array<i32>} : memref<4x64x256xf32, #tpu.memory_space<vmem>>, vector<1x1x16xf32>,
        %get3A_640 = vector.shape_cast %get3A_639 : vector<1x1x16xf32> to vector<16xf32>
        %add3A_641 = arith.addf %add3A_415, %get3A_640 : vector<16xf32>
        %swap3A_642 = arith.constant 1 : i32
        %swap3A_643 = arith.index_cast %swap3A_642 : i32 to index
        %swap3A_644 = arith.index_cast %scan3A_564 : i32 to index
        %swap3A_645 = arith.constant 80 : index
        %swap3A_646 = tpu.vector_load %arg4[%swap3A_643, %swap3A_644, %swap3A_645] {strides = array<i32>} : memref<4x64x256xf32, #tpu.memory_space<vmem>>, vector<1x1x16xf32>,
        %swap3A_647 = vector.shape_cast %swap3A_646 : vector<1x1x16xf32> to vector<16xf32>
        %swap3A_648 = vector.shape_cast %add3A_641 : vector<16xf32> to vector<1x1x16xf32>
        tpu.vector_store %arg4[%swap3A_643, %swap3A_644, %swap3A_645], %swap3A_648 {strides = array<i32>} : memref<4x64x256xf32, #tpu.memory_space<vmem>>, vector<1x1x16xf32>,
        %get3A_649 = arith.constant 1 : i32
        %get3A_650 = arith.index_cast %get3A_649 : i32 to index
        %get3A_651 = arith.index_cast %scan3A_564 : i32 to index
        %get3A_652 = arith.constant 96 : index
        %get3A_653 = tpu.vector_load %arg4[%get3A_650, %get3A_651, %get3A_652] {strides = array<i32>} : memref<4x64x256xf32, #tpu.memory_space<vmem>>, vector<1x1x16xf32>,
        %get3A_654 = vector.shape_cast %get3A_653 : vector<1x1x16xf32> to vector<16xf32>
        %add3A_655 = arith.addf %add3A_429, %get3A_654 : vector<16xf32>
        %swap3A_656 = arith.constant 1 : i32
        %swap3A_657 = arith.index_cast %swap3A_656 : i32 to index
        %swap3A_658 = arith.index_cast %scan3A_564 : i32 to index
        %swap3A_659 = arith.constant 96 : index
        %swap3A_660 = tpu.vector_load %arg4[%swap3A_657, %swap3A_658, %swap3A_659] {strides = array<i32>} : memref<4x64x256xf32, #tpu.memory_space<vmem>>, vector<1x1x16xf32>,
        %swap3A_661 = vector.shape_cast %swap3A_660 : vector<1x1x16xf32> to vector<16xf32>
        %swap3A_662 = vector.shape_cast %add3A_655 : vector<16xf32> to vector<1x1x16xf32>
        tpu.vector_store %arg4[%swap3A_657, %swap3A_658, %swap3A_659], %swap3A_662 {strides = array<i32>} : memref<4x64x256xf32, #tpu.memory_space<vmem>>, vector<1x1x16xf32>,
        %get3A_663 = arith.constant 1 : i32
        %get3A_664 = arith.index_cast %get3A_663 : i32 to index
        %get3A_665 = arith.index_cast %scan3A_564 : i32 to index
        %get3A_666 = arith.constant 112 : index
        %get3A_667 = tpu.vector_load %arg4[%get3A_664, %get3A_665, %get3A_666] {strides = array<i32>} : memref<4x64x256xf32, #tpu.memory_space<vmem>>, vector<1x1x16xf32>,
        %get3A_668 = vector.shape_cast %get3A_667 : vector<1x1x16xf32> to vector<16xf32>
        %add3A_669 = arith.addf %add3A_443, %get3A_668 : vector<16xf32>
        %swap3A_670 = arith.constant 1 : i32
        %swap3A_671 = arith.index_cast %swap3A_670 : i32 to index
        %swap3A_672 = arith.index_cast %scan3A_564 : i32 to index
        %swap3A_673 = arith.constant 112 : index
        %swap3A_674 = tpu.vector_load %arg4[%swap3A_671, %swap3A_672, %swap3A_673] {strides = array<i32>} : memref<4x64x256xf32, #tpu.memory_space<vmem>>, vector<1x1x16xf32>,
        %swap3A_675 = vector.shape_cast %swap3A_674 : vector<1x1x16xf32> to vector<16xf32>
        %swap3A_676 = vector.shape_cast %add3A_669 : vector<16xf32> to vector<1x1x16xf32>
        tpu.vector_store %arg4[%swap3A_671, %swap3A_672, %swap3A_673], %swap3A_676 {strides = array<i32>} : memref<4x64x256xf32, #tpu.memory_space<vmem>>, vector<1x1x16xf32>,
        %get3A_677 = arith.constant 1 : i32
        %get3A_678 = arith.index_cast %get3A_677 : i32 to index
        %get3A_679 = arith.index_cast %scan3A_564 : i32 to index
        %get3A_680 = arith.constant 128 : index
        %get3A_681 = tpu.vector_load %arg4[%get3A_678, %get3A_679, %get3A_680] {strides = array<i32>} : memref<4x64x256xf32, #tpu.memory_space<vmem>>, vector<1x1x16xf32>,
        %get3A_682 = vector.shape_cast %get3A_681 : vector<1x1x16xf32> to vector<16xf32>
        %add3A_683 = arith.addf %add3A_457, %get3A_682 : vector<16xf32>
        %swap3A_684 = arith.constant 1 : i32
        %swap3A_685 = arith.index_cast %swap3A_684 : i32 to index
        %swap3A_686 = arith.index_cast %scan3A_564 : i32 to index
        %swap3A_687 = arith.constant 128 : index
        %swap3A_688 = tpu.vector_load %arg4[%swap3A_685, %swap3A_686, %swap3A_687] {strides = array<i32>} : memref<4x64x256xf32, #tpu.memory_space<vmem>>, vector<1x1x16xf32>,
        %swap3A_689 = vector.shape_cast %swap3A_688 : vector<1x1x16xf32> to vector<16xf32>
        %swap3A_690 = vector.shape_cast %add3A_683 : vector<16xf32> to vector<1x1x16xf32>
        tpu.vector_store %arg4[%swap3A_685, %swap3A_686, %swap3A_687], %swap3A_690 {strides = array<i32>} : memref<4x64x256xf32, #tpu.memory_space<vmem>>, vector<1x1x16xf32>,
        %get3A_691 = arith.constant 1 : i32
        %get3A_692 = arith.index_cast %get3A_691 : i32 to index
        %get3A_693 = arith.index_cast %scan3A_564 : i32 to index
        %get3A_694 = arith.constant 144 : index
        %get3A_695 = tpu.vector_load %arg4[%get3A_692, %get3A_693, %get3A_694] {strides = array<i32>} : memref<4x64x256xf32, #tpu.memory_space<vmem>>, vector<1x1x16xf32>,
        %get3A_696 = vector.shape_cast %get3A_695 : vector<1x1x16xf32> to vector<16xf32>
        %add3A_697 = arith.addf %add3A_471, %get3A_696 : vector<16xf32>
        %swap3A_698 = arith.constant 1 : i32
        %swap3A_699 = arith.index_cast %swap3A_698 : i32 to index
        %swap3A_700 = arith.index_cast %scan3A_564 : i32 to index
        %swap3A_701 = arith.constant 144 : index
        %swap3A_702 = tpu.vector_load %arg4[%swap3A_699, %swap3A_700, %swap3A_701] {strides = array<i32>} : memref<4x64x256xf32, #tpu.memory_space<vmem>>, vector<1x1x16xf32>,
        %swap3A_703 = vector.shape_cast %swap3A_702 : vector<1x1x16xf32> to vector<16xf32>
        %swap3A_704 = vector.shape_cast %add3A_697 : vector<16xf32> to vector<1x1x16xf32>
        tpu.vector_store %arg4[%swap3A_699, %swap3A_700, %swap3A_701], %swap3A_704 {strides = array<i32>} : memref<4x64x256xf32, #tpu.memory_space<vmem>>, vector<1x1x16xf32>,
        %get3A_705 = arith.constant 1 : i32
        %get3A_706 = arith.index_cast %get3A_705 : i32 to index
        %get3A_707 = arith.index_cast %scan3A_564 : i32 to index
        %get3A_708 = arith.constant 160 : index
        %get3A_709 = tpu.vector_load %arg4[%get3A_706, %get3A_707, %get3A_708] {strides = array<i32>} : memref<4x64x256xf32, #tpu.memory_space<vmem>>, vector<1x1x16xf32>,
        %get3A_710 = vector.shape_cast %get3A_709 : vector<1x1x16xf32> to vector<16xf32>
        %add3A_711 = arith.addf %add3A_485, %get3A_710 : vector<16xf32>
        %swap3A_712 = arith.constant 1 : i32
        %swap3A_713 = arith.index_cast %swap3A_712 : i32 to index
        %swap3A_714 = arith.index_cast %scan3A_564 : i32 to index
        %swap3A_715 = arith.constant 160 : index
        %swap3A_716 = tpu.vector_load %arg4[%swap3A_713, %swap3A_714, %swap3A_715] {strides = array<i32>} : memref<4x64x256xf32, #tpu.memory_space<vmem>>, vector<1x1x16xf32>,
        %swap3A_717 = vector.shape_cast %swap3A_716 : vector<1x1x16xf32> to vector<16xf32>
        %swap3A_718 = vector.shape_cast %add3A_711 : vector<16xf32> to vector<1x1x16xf32>
        tpu.vector_store %arg4[%swap3A_713, %swap3A_714, %swap3A_715], %swap3A_718 {strides = array<i32>} : memref<4x64x256xf32, #tpu.memory_space<vmem>>, vector<1x1x16xf32>,
        %get3A_719 = arith.constant 1 : i32
        %get3A_720 = arith.index_cast %get3A_719 : i32 to index
        %get3A_721 = arith.index_cast %scan3A_564 : i32 to index
        %get3A_722 = arith.constant 176 : index
        %get3A_723 = tpu.vector_load %arg4[%get3A_720, %get3A_721, %get3A_722] {strides = array<i32>} : memref<4x64x256xf32, #tpu.memory_space<vmem>>, vector<1x1x16xf32>,
        %get3A_724 = vector.shape_cast %get3A_723 : vector<1x1x16xf32> to vector<16xf32>
        %add3A_725 = arith.addf %add3A_499, %get3A_724 : vector<16xf32>
        %swap3A_726 = arith.constant 1 : i32
        %swap3A_727 = arith.index_cast %swap3A_726 : i32 to index
        %swap3A_728 = arith.index_cast %scan3A_564 : i32 to index
        %swap3A_729 = arith.constant 176 : index
        %swap3A_730 = tpu.vector_load %arg4[%swap3A_727, %swap3A_728, %swap3A_729] {strides = array<i32>} : memref<4x64x256xf32, #tpu.memory_space<vmem>>, vector<1x1x16xf32>,
        %swap3A_731 = vector.shape_cast %swap3A_730 : vector<1x1x16xf32> to vector<16xf32>
        %swap3A_732 = vector.shape_cast %add3A_725 : vector<16xf32> to vector<1x1x16xf32>
        tpu.vector_store %arg4[%swap3A_727, %swap3A_728, %swap3A_729], %swap3A_732 {strides = array<i32>} : memref<4x64x256xf32, #tpu.memory_space<vmem>>, vector<1x1x16xf32>,
        %get3A_733 = arith.constant 1 : i32
        %get3A_734 = arith.index_cast %get3A_733 : i32 to index
        %get3A_735 = arith.index_cast %scan3A_564 : i32 to index
        %get3A_736 = arith.constant 192 : index
        %get3A_737 = tpu.vector_load %arg4[%get3A_734, %get3A_735, %get3A_736] {strides = array<i32>} : memref<4x64x256xf32, #tpu.memory_space<vmem>>, vector<1x1x16xf32>,
        %get3A_738 = vector.shape_cast %get3A_737 : vector<1x1x16xf32> to vector<16xf32>
        %add3A_739 = arith.addf %add3A_513, %get3A_738 : vector<16xf32>
        %swap3A_740 = arith.constant 1 : i32
        %swap3A_741 = arith.index_cast %swap3A_740 : i32 to index
        %swap3A_742 = arith.index_cast %scan3A_564 : i32 to index
        %swap3A_743 = arith.constant 192 : index
        %swap3A_744 = tpu.vector_load %arg4[%swap3A_741, %swap3A_742, %swap3A_743] {strides = array<i32>} : memref<4x64x256xf32, #tpu.memory_space<vmem>>, vector<1x1x16xf32>,
        %swap3A_745 = vector.shape_cast %swap3A_744 : vector<1x1x16xf32> to vector<16xf32>
        %swap3A_746 = vector.shape_cast %add3A_739 : vector<16xf32> to vector<1x1x16xf32>
        tpu.vector_store %arg4[%swap3A_741, %swap3A_742, %swap3A_743], %swap3A_746 {strides = array<i32>} : memref<4x64x256xf32, #tpu.memory_space<vmem>>, vector<1x1x16xf32>,
        %get3A_747 = arith.constant 1 : i32
        %get3A_748 = arith.index_cast %get3A_747 : i32 to index
        %get3A_749 = arith.index_cast %scan3A_564 : i32 to index
        %get3A_750 = arith.constant 208 : index
        %get3A_751 = tpu.vector_load %arg4[%get3A_748, %get3A_749, %get3A_750] {strides = array<i32>} : memref<4x64x256xf32, #tpu.memory_space<vmem>>, vector<1x1x16xf32>,
        %get3A_752 = vector.shape_cast %get3A_751 : vector<1x1x16xf32> to vector<16xf32>
        %add3A_753 = arith.addf %add3A_527, %get3A_752 : vector<16xf32>
        %swap3A_754 = arith.constant 1 : i32
        %swap3A_755 = arith.index_cast %swap3A_754 : i32 to index
        %swap3A_756 = arith.index_cast %scan3A_564 : i32 to index
        %swap3A_757 = arith.constant 208 : index
        %swap3A_758 = tpu.vector_load %arg4[%swap3A_755, %swap3A_756, %swap3A_757] {strides = array<i32>} : memref<4x64x256xf32, #tpu.memory_space<vmem>>, vector<1x1x16xf32>,
        %swap3A_759 = vector.shape_cast %swap3A_758 : vector<1x1x16xf32> to vector<16xf32>
        %swap3A_760 = vector.shape_cast %add3A_753 : vector<16xf32> to vector<1x1x16xf32>
        tpu.vector_store %arg4[%swap3A_755, %swap3A_756, %swap3A_757], %swap3A_760 {strides = array<i32>} : memref<4x64x256xf32, #tpu.memory_space<vmem>>, vector<1x1x16xf32>,
        %get3A_761 = arith.constant 1 : i32
        %get3A_762 = arith.index_cast %get3A_761 : i32 to index
        %get3A_763 = arith.index_cast %scan3A_564 : i32 to index
        %get3A_764 = arith.constant 224 : index
        %get3A_765 = tpu.vector_load %arg4[%get3A_762, %get3A_763, %get3A_764] {strides = array<i32>} : memref<4x64x256xf32, #tpu.memory_space<vmem>>, vector<1x1x16xf32>,
        %get3A_766 = vector.shape_cast %get3A_765 : vector<1x1x16xf32> to vector<16xf32>
        %add3A_767 = arith.addf %add3A_541, %get3A_766 : vector<16xf32>
        %swap3A_768 = arith.constant 1 : i32
        %swap3A_769 = arith.index_cast %swap3A_768 : i32 to index
        %swap3A_770 = arith.index_cast %scan3A_564 : i32 to index
        %swap3A_771 = arith.constant 224 : index
        %swap3A_772 = tpu.vector_load %arg4[%swap3A_769, %swap3A_770, %swap3A_771] {strides = array<i32>} : memref<4x64x256xf32, #tpu.memory_space<vmem>>, vector<1x1x16xf32>,
        %swap3A_773 = vector.shape_cast %swap3A_772 : vector<1x1x16xf32> to vector<16xf32>
        %swap3A_774 = vector.shape_cast %add3A_767 : vector<16xf32> to vector<1x1x16xf32>
        tpu.vector_store %arg4[%swap3A_769, %swap3A_770, %swap3A_771], %swap3A_774 {strides = array<i32>} : memref<4x64x256xf32, #tpu.memory_space<vmem>>, vector<1x1x16xf32>,
        %get3A_775 = arith.constant 1 : i32
        %get3A_776 = arith.index_cast %get3A_775 : i32 to index
        %get3A_777 = arith.index_cast %scan3A_564 : i32 to index
        %get3A_778 = arith.constant 240 : index
        %get3A_779 = tpu.vector_load %arg4[%get3A_776, %get3A_777, %get3A_778] {strides = array<i32>} : memref<4x64x256xf32, #tpu.memory_space<vmem>>, vector<1x1x16xf32>,
        %get3A_780 = vector.shape_cast %get3A_779 : vector<1x1x16xf32> to vector<16xf32>
        %add3A_781 = arith.addf %add3A_555, %get3A_780 : vector<16xf32>
        %swap3A_782 = arith.constant 1 : i32
        %swap3A_783 = arith.index_cast %swap3A_782 : i32 to index
        %swap3A_784 = arith.index_cast %scan3A_564 : i32 to index
        %swap3A_785 = arith.constant 240 : index
        %swap3A_786 = tpu.vector_load %arg4[%swap3A_783, %swap3A_784, %swap3A_785] {strides = array<i32>} : memref<4x64x256xf32, #tpu.memory_space<vmem>>, vector<1x1x16xf32>,
        %swap3A_787 = vector.shape_cast %swap3A_786 : vector<1x1x16xf32> to vector<16xf32>
        %swap3A_788 = vector.shape_cast %add3A_781 : vector<16xf32> to vector<1x1x16xf32>
        tpu.vector_store %arg4[%swap3A_783, %swap3A_784, %swap3A_785], %swap3A_788 {strides = array<i32>} : memref<4x64x256xf32, #tpu.memory_space<vmem>>, vector<1x1x16xf32>,
        scf.yield %add3A_571, %add3A_585, %add3A_599, %add3A_613, %add3A_627, %add3A_641, %add3A_655, %add3A_669, %add3A_683, %add3A_697, %add3A_711, %add3A_725, %add3A_739, %add3A_753, %add3A_767, %add3A_781 : vector<16xf32>, vector<16xf32>, vector<16xf32>, vector<16xf32>, vector<16xf32>, vector<16xf32>, vector<16xf32>, vector<16xf32>, vector<16xf32>, vector<16xf32>, vector<16xf32>, vector<16xf32>, vector<16xf32>, vector<16xf32>, vector<16xf32>, vector<16xf32>
      }
      %scan3A_218 = arith.constant 64 : i32
      %mul3A_219 = arith.constant 64 : i32
      %mul3A_220 = arith.muli %add3A_190, %mul3A_219 : i32
      %dma_start3A_221 = arith.constant 1 : i32
      %dma_start3A_222 = arith.constant 0 : i32
      %dma_start3A_223 = arith.constant 0 : i32
      %dma_start3A_224 = tpu.memref_slice %arg4[%dma_start3A_221, %dma_start3A_222, %dma_start3A_223] : memref<4x64x256xf32, #tpu.memory_space<vmem>> -> memref<1x64x256xf32, #tpu.memory_space<vmem>>
      %dma_start3A_225 = tpu.memref_squeeze %dma_start3A_224 : memref<1x64x256xf32, #tpu.memory_space<vmem>> -> memref<64x256xf32, #tpu.memory_space<vmem>>
      %dma_start3A_226 = tpu.memref_slice %arg3[%select_n3A, %mul3A_220, %mul3A_32] : memref<4x8192x2048xf32, #tpu.memory_space<hbm>> -> memref<1x64x256xf32, #tpu.memory_space<hbm>>
      %dma_start3A_227 = tpu.memref_squeeze %dma_start3A_226 : memref<1x64x256xf32, #tpu.memory_space<hbm>> -> memref<64x256xf32, #tpu.memory_space<hbm>>
      %dma_start3A_228 = tpu.memref_slice %arg3[%select_n3A, %mul3A_220, %mul3A_32] : memref<4x8192x2048xf32, #tpu.memory_space<hbm>> -> memref<1x64x256xf32, #tpu.memory_space<hbm>>
      %dma_start3A_229 = tpu.memref_squeeze %dma_start3A_228 : memref<1x64x256xf32, #tpu.memory_space<hbm>> -> memref<64x256xf32, #tpu.memory_space<hbm>>
      %dma_start3A_230 = arith.constant 0 : i32
      %dma_start3A_231 = arith.constant 0 : i32
      %dma_start3A_232 = tpu.memref_slice %arg4[%dma_start3A_221, %dma_start3A_230, %dma_start3A_231] : memref<4x64x256xf32, #tpu.memory_space<vmem>> -> memref<1x64x256xf32, #tpu.memory_space<vmem>>
      %dma_start3A_233 = tpu.memref_squeeze %dma_start3A_232 : memref<1x64x256xf32, #tpu.memory_space<vmem>> -> memref<64x256xf32, #tpu.memory_space<vmem>>
      tpu.enqueue_dma source(%dma_start3A_233 : memref<64x256xf32, #tpu.memory_space<vmem>>) target(%dma_start3A_229 : memref<64x256xf32, #tpu.memory_space<hbm>>) target_semaphore(%arg10 : memref<!tpu.dma_semaphore, #tpu.memory_space<semaphore_mem>>)
      %add3A_234 = arith.constant 2 : i32
      %add3A_235 = arith.addi %mul3A_145, %add3A_234 : i32
      %mul3A_236 = arith.constant 64 : i32
      %mul3A_237 = arith.muli %add3A_235, %mul3A_236 : i32
      %dma_wait3A_238 = arith.constant 2 : i32
      %dma_wait3A_239 = arith.constant 0 : i32
      %dma_wait3A_240 = arith.constant 0 : i32
      %dma_wait3A_241 = tpu.memref_slice %arg4[%dma_wait3A_238, %dma_wait3A_239, %dma_wait3A_240] : memref<4x64x256xf32, #tpu.memory_space<vmem>> -> memref<1x64x256xf32, #tpu.memory_space<vmem>>
      %dma_wait3A_242 = tpu.memref_squeeze %dma_wait3A_241 : memref<1x64x256xf32, #tpu.memory_space<vmem>> -> memref<64x256xf32, #tpu.memory_space<vmem>>
      %dma_wait3A_243 = tpu.memref_slice %arg2[%select_n3A, %mul3A_237, %mul3A_32] : memref<4x8192x2048xf32, #tpu.memory_space<hbm>> -> memref<1x64x256xf32, #tpu.memory_space<hbm>>
      %dma_wait3A_244 = tpu.memref_squeeze %dma_wait3A_243 : memref<1x64x256xf32, #tpu.memory_space<hbm>> -> memref<64x256xf32, #tpu.memory_space<hbm>>
      %dma_wait3A_245 = arith.constant 0 : i32
      %dma_wait3A_246 = arith.constant 0 : i32
      %dma_wait3A_247 = tpu.memref_slice %arg4[%dma_wait3A_238, %dma_wait3A_245, %dma_wait3A_246] : memref<4x64x256xf32, #tpu.memory_space<vmem>> -> memref<1x64x256xf32, #tpu.memory_space<vmem>>
      %dma_wait3A_248 = tpu.memref_squeeze %dma_wait3A_247 : memref<1x64x256xf32, #tpu.memory_space<vmem>> -> memref<64x256xf32, #tpu.memory_space<vmem>>
      %dma_wait3A_249 = tpu.memref_slice %arg2[%select_n3A, %mul3A_237, %mul3A_32] : memref<4x8192x2048xf32, #tpu.memory_space<hbm>> -> memref<1x64x256xf32, #tpu.memory_space<hbm>>
      %dma_wait3A_250 = tpu.memref_squeeze %dma_wait3A_249 : memref<1x64x256xf32, #tpu.memory_space<hbm>> -> memref<64x256xf32, #tpu.memory_space<hbm>>
      tpu.wait_dma2 semaphore(%arg7 : memref<!tpu.dma_semaphore, #tpu.memory_space<semaphore_mem>>) src(%dma_wait3A_250 : memref<64x256xf32, #tpu.memory_space<hbm>>) dst(%dma_wait3A_248 : memref<64x256xf32, #tpu.memory_space<vmem>>)
      %add3A_251 = arith.constant 2 : i32
      %add3A_252 = arith.addi %add3A_235, %add3A_251 : i32
      %lt3A_253 = arith.constant 128 : i32
      %lt3A_254 = arith.cmpi slt, %add3A_252, %lt3A_253 : i32
      %convert_element_type3A_255 = arith.extui %lt3A_254 : i1 to i32
      %cond3A_256 = arith.constant 0 : i32
      %cond3A_257 = arith.cmpi ne, %convert_element_type3A_255, %cond3A_256 : i32
      scf.if %cond3A_257 {
        %ge3A = arith.constant 2 : i32
        %ge3A_324 = arith.cmpi sge, %add3A_235, %ge3A : i32
        %convert_element_type3A_325 = arith.extui %ge3A_324 : i1 to i32
        %cond3A_326 = arith.constant 0 : i32
        %cond3A_327 = arith.cmpi ne, %convert_element_type3A_325, %cond3A_326 : i32
        scf.if %cond3A_327 {
          %sub3A_345 = arith.constant 2 : i32
          %sub3A_346 = arith.subi %add3A_235, %sub3A_345 : i32
          %mul3A_347 = arith.constant 64 : i32
          %mul3A_348 = arith.muli %sub3A_346, %mul3A_347 : i32
          %dma_wait3A_349 = arith.constant 0 : i32
          %dma_wait3A_350 = arith.constant 0 : i32
          %dma_wait3A_351 = arith.constant 0 : i32
          %dma_wait3A_352 = tpu.memref_slice %arg4[%dma_wait3A_349, %dma_wait3A_350, %dma_wait3A_351] : memref<4x64x256xf32, #tpu.memory_space<vmem>> -> memref<1x64x256xf32, #tpu.memory_space<vmem>>
          %dma_wait3A_353 = tpu.memref_squeeze %dma_wait3A_352 : memref<1x64x256xf32, #tpu.memory_space<vmem>> -> memref<64x256xf32, #tpu.memory_space<vmem>>
          %dma_wait3A_354 = tpu.memref_slice %arg3[%select_n3A, %mul3A_348, %mul3A_32] : memref<4x8192x2048xf32, #tpu.memory_space<hbm>> -> memref<1x64x256xf32, #tpu.memory_space<hbm>>
          %dma_wait3A_355 = tpu.memref_squeeze %dma_wait3A_354 : memref<1x64x256xf32, #tpu.memory_space<hbm>> -> memref<64x256xf32, #tpu.memory_space<hbm>>
          %dma_wait3A_356 = tpu.memref_slice %arg3[%select_n3A, %mul3A_348, %mul3A_32] : memref<4x8192x2048xf32, #tpu.memory_space<hbm>> -> memref<1x64x256xf32, #tpu.memory_space<hbm>>
          %dma_wait3A_357 = tpu.memref_squeeze %dma_wait3A_356 : memref<1x64x256xf32, #tpu.memory_space<hbm>> -> memref<64x256xf32, #tpu.memory_space<hbm>>
          %dma_wait3A_358 = arith.constant 0 : i32
          %dma_wait3A_359 = arith.constant 0 : i32
          %dma_wait3A_360 = tpu.memref_slice %arg4[%dma_wait3A_349, %dma_wait3A_358, %dma_wait3A_359] : memref<4x64x256xf32, #tpu.memory_space<vmem>> -> memref<1x64x256xf32, #tpu.memory_space<vmem>>
          %dma_wait3A_361 = tpu.memref_squeeze %dma_wait3A_360 : memref<1x64x256xf32, #tpu.memory_space<vmem>> -> memref<64x256xf32, #tpu.memory_space<vmem>>
          tpu.wait_dma2 semaphore(%arg9 : memref<!tpu.dma_semaphore, #tpu.memory_space<semaphore_mem>>) src(%dma_wait3A_361 : memref<64x256xf32, #tpu.memory_space<vmem>>) dst(%dma_wait3A_357 : memref<64x256xf32, #tpu.memory_space<hbm>>)
        } else {
        }
        %add3A_328 = arith.constant 2 : i32
        %add3A_329 = arith.addi %add3A_235, %add3A_328 : i32
        %mul3A_330 = arith.constant 64 : i32
        %mul3A_331 = arith.muli %add3A_329, %mul3A_330 : i32
        %dma_start3A_332 = arith.constant 0 : i32
        %dma_start3A_333 = arith.constant 0 : i32
        %dma_start3A_334 = arith.constant 0 : i32
        %dma_start3A_335 = tpu.memref_slice %arg4[%dma_start3A_332, %dma_start3A_333, %dma_start3A_334] : memref<4x64x256xf32, #tpu.memory_space<vmem>> -> memref<1x64x256xf32, #tpu.memory_space<vmem>>
        %dma_start3A_336 = tpu.memref_squeeze %dma_start3A_335 : memref<1x64x256xf32, #tpu.memory_space<vmem>> -> memref<64x256xf32, #tpu.memory_space<vmem>>
        %dma_start3A_337 = tpu.memref_slice %arg2[%select_n3A, %mul3A_331, %mul3A_32] : memref<4x8192x2048xf32, #tpu.memory_space<hbm>> -> memref<1x64x256xf32, #tpu.memory_space<hbm>>
        %dma_start3A_338 = tpu.memref_squeeze %dma_start3A_337 : memref<1x64x256xf32, #tpu.memory_space<hbm>> -> memref<64x256xf32, #tpu.memory_space<hbm>>
        %dma_start3A_339 = arith.constant 0 : i32
        %dma_start3A_340 = arith.constant 0 : i32
        %dma_start3A_341 = tpu.memref_slice %arg4[%dma_start3A_332, %dma_start3A_339, %dma_start3A_340] : memref<4x64x256xf32, #tpu.memory_space<vmem>> -> memref<1x64x256xf32, #tpu.memory_space<vmem>>
        %dma_start3A_342 = tpu.memref_squeeze %dma_start3A_341 : memref<1x64x256xf32, #tpu.memory_space<vmem>> -> memref<64x256xf32, #tpu.memory_space<vmem>>
        %dma_start3A_343 = tpu.memref_slice %arg2[%select_n3A, %mul3A_331, %mul3A_32] : memref<4x8192x2048xf32, #tpu.memory_space<hbm>> -> memref<1x64x256xf32, #tpu.memory_space<hbm>>
        %dma_start3A_344 = tpu.memref_squeeze %dma_start3A_343 : memref<1x64x256xf32, #tpu.memory_space<hbm>> -> memref<64x256xf32, #tpu.memory_space<hbm>>
        tpu.enqueue_dma source(%dma_start3A_344 : memref<64x256xf32, #tpu.memory_space<hbm>>) target(%dma_start3A_342 : memref<64x256xf32, #tpu.memory_space<vmem>>) target_semaphore(%arg5 : memref<!tpu.dma_semaphore, #tpu.memory_space<semaphore_mem>>)
      } else {
      }
      %scan3A_258 = arith.constant 0 : i32
      %scan3A_259 = arith.constant 64 : i32
      %scan3A_260 = arith.addi %scan3A_258, %scan3A_259 : i32
      %scan3A_261 = arith.constant 2 : i32
      %scan3A_262:16 = scf.for %scan3A_324 = %scan3A_258 to %scan3A_260 step %scan3A_261 iter_args(%scan3A_325 = %scan3A_217#0, %scan3A_326 = %scan3A_217#1, %scan3A_327 = %scan3A_217#2, %scan3A_328 = %scan3A_217#3, %scan3A_329 = %scan3A_217#4, %scan3A_330 = %scan3A_217#5, %scan3A_331 = %scan3A_217#6, %scan3A_332 = %scan3A_217#7, %scan3A_333 = %scan3A_217#8, %scan3A_334 = %scan3A_217#9, %scan3A_335 = %scan3A_217#10, %scan3A_336 = %scan3A_217#11, %scan3A_337 = %scan3A_217#12, %scan3A_338 = %scan3A_217#13, %scan3A_339 = %scan3A_217#14, %scan3A_340 = %scan3A_217#15) -> (vector<16xf32>, vector<16xf32>, vector<16xf32>, vector<16xf32>, vector<16xf32>, vector<16xf32>, vector<16xf32>, vector<16xf32>, vector<16xf32>, vector<16xf32>, vector<16xf32>, vector<16xf32>, vector<16xf32>, vector<16xf32>, vector<16xf32>, vector<16xf32>)  : i32 {
        %get3A = arith.constant 2 : i32
        %get3A_341 = arith.index_cast %get3A : i32 to index
        %get3A_342 = arith.index_cast %scan3A_324 : i32 to index
        %get3A_343 = arith.constant 0 : index
        %get3A_344 = tpu.vector_load %arg4[%get3A_341, %get3A_342, %get3A_343] {strides = array<i32>} : memref<4x64x256xf32, #tpu.memory_space<vmem>>, vector<1x1x16xf32>,
        %get3A_345 = vector.shape_cast %get3A_344 : vector<1x1x16xf32> to vector<16xf32>
        %add3A_346 = arith.addf %scan3A_325, %get3A_345 : vector<16xf32>
        %swap3A = arith.constant 2 : i32
        %swap3A_347 = arith.index_cast %swap3A : i32 to index
        %swap3A_348 = arith.index_cast %scan3A_324 : i32 to index
        %swap3A_349 = arith.constant 0 : index
        %swap3A_350 = tpu.vector_load %arg4[%swap3A_347, %swap3A_348, %swap3A_349] {strides = array<i32>} : memref<4x64x256xf32, #tpu.memory_space<vmem>>, vector<1x1x16xf32>,
        %swap3A_351 = vector.shape_cast %swap3A_350 : vector<1x1x16xf32> to vector<16xf32>
        %swap3A_352 = vector.shape_cast %add3A_346 : vector<16xf32> to vector<1x1x16xf32>
        tpu.vector_store %arg4[%swap3A_347, %swap3A_348, %swap3A_349], %swap3A_352 {strides = array<i32>} : memref<4x64x256xf32, #tpu.memory_space<vmem>>, vector<1x1x16xf32>,
        %get3A_353 = arith.constant 2 : i32
        %get3A_354 = arith.index_cast %get3A_353 : i32 to index
        %get3A_355 = arith.index_cast %scan3A_324 : i32 to index
        %get3A_356 = arith.constant 16 : index
        %get3A_357 = tpu.vector_load %arg4[%get3A_354, %get3A_355, %get3A_356] {strides = array<i32>} : memref<4x64x256xf32, #tpu.memory_space<vmem>>, vector<1x1x16xf32>,
        %get3A_358 = vector.shape_cast %get3A_357 : vector<1x1x16xf32> to vector<16xf32>
        %add3A_359 = arith.addf %scan3A_326, %get3A_358 : vector<16xf32>
        %swap3A_360 = arith.constant 2 : i32
        %swap3A_361 = arith.index_cast %swap3A_360 : i32 to index
        %swap3A_362 = arith.index_cast %scan3A_324 : i32 to index
        %swap3A_363 = arith.constant 16 : index
        %swap3A_364 = tpu.vector_load %arg4[%swap3A_361, %swap3A_362, %swap3A_363] {strides = array<i32>} : memref<4x64x256xf32, #tpu.memory_space<vmem>>, vector<1x1x16xf32>,
        %swap3A_365 = vector.shape_cast %swap3A_364 : vector<1x1x16xf32> to vector<16xf32>
        %swap3A_366 = vector.shape_cast %add3A_359 : vector<16xf32> to vector<1x1x16xf32>
        tpu.vector_store %arg4[%swap3A_361, %swap3A_362, %swap3A_363], %swap3A_366 {strides = array<i32>} : memref<4x64x256xf32, #tpu.memory_space<vmem>>, vector<1x1x16xf32>,
        %get3A_367 = arith.constant 2 : i32
        %get3A_368 = arith.index_cast %get3A_367 : i32 to index
        %get3A_369 = arith.index_cast %scan3A_324 : i32 to index
        %get3A_370 = arith.constant 32 : index
        %get3A_371 = tpu.vector_load %arg4[%get3A_368, %get3A_369, %get3A_370] {strides = array<i32>} : memref<4x64x256xf32, #tpu.memory_space<vmem>>, vector<1x1x16xf32>,
        %get3A_372 = vector.shape_cast %get3A_371 : vector<1x1x16xf32> to vector<16xf32>
        %add3A_373 = arith.addf %scan3A_327, %get3A_372 : vector<16xf32>
        %swap3A_374 = arith.constant 2 : i32
        %swap3A_375 = arith.index_cast %swap3A_374 : i32 to index
        %swap3A_376 = arith.index_cast %scan3A_324 : i32 to index
        %swap3A_377 = arith.constant 32 : index
        %swap3A_378 = tpu.vector_load %arg4[%swap3A_375, %swap3A_376, %swap3A_377] {strides = array<i32>} : memref<4x64x256xf32, #tpu.memory_space<vmem>>, vector<1x1x16xf32>,
        %swap3A_379 = vector.shape_cast %swap3A_378 : vector<1x1x16xf32> to vector<16xf32>
        %swap3A_380 = vector.shape_cast %add3A_373 : vector<16xf32> to vector<1x1x16xf32>
        tpu.vector_store %arg4[%swap3A_375, %swap3A_376, %swap3A_377], %swap3A_380 {strides = array<i32>} : memref<4x64x256xf32, #tpu.memory_space<vmem>>, vector<1x1x16xf32>,
        %get3A_381 = arith.constant 2 : i32
        %get3A_382 = arith.index_cast %get3A_381 : i32 to index
        %get3A_383 = arith.index_cast %scan3A_324 : i32 to index
        %get3A_384 = arith.constant 48 : index
        %get3A_385 = tpu.vector_load %arg4[%get3A_382, %get3A_383, %get3A_384] {strides = array<i32>} : memref<4x64x256xf32, #tpu.memory_space<vmem>>, vector<1x1x16xf32>,
        %get3A_386 = vector.shape_cast %get3A_385 : vector<1x1x16xf32> to vector<16xf32>
        %add3A_387 = arith.addf %scan3A_328, %get3A_386 : vector<16xf32>
        %swap3A_388 = arith.constant 2 : i32
        %swap3A_389 = arith.index_cast %swap3A_388 : i32 to index
        %swap3A_390 = arith.index_cast %scan3A_324 : i32 to index
        %swap3A_391 = arith.constant 48 : index
        %swap3A_392 = tpu.vector_load %arg4[%swap3A_389, %swap3A_390, %swap3A_391] {strides = array<i32>} : memref<4x64x256xf32, #tpu.memory_space<vmem>>, vector<1x1x16xf32>,
        %swap3A_393 = vector.shape_cast %swap3A_392 : vector<1x1x16xf32> to vector<16xf32>
        %swap3A_394 = vector.shape_cast %add3A_387 : vector<16xf32> to vector<1x1x16xf32>
        tpu.vector_store %arg4[%swap3A_389, %swap3A_390, %swap3A_391], %swap3A_394 {strides = array<i32>} : memref<4x64x256xf32, #tpu.memory_space<vmem>>, vector<1x1x16xf32>,
        %get3A_395 = arith.constant 2 : i32
        %get3A_396 = arith.index_cast %get3A_395 : i32 to index
        %get3A_397 = arith.index_cast %scan3A_324 : i32 to index
        %get3A_398 = arith.constant 64 : index
        %get3A_399 = tpu.vector_load %arg4[%get3A_396, %get3A_397, %get3A_398] {strides = array<i32>} : memref<4x64x256xf32, #tpu.memory_space<vmem>>, vector<1x1x16xf32>,
        %get3A_400 = vector.shape_cast %get3A_399 : vector<1x1x16xf32> to vector<16xf32>
        %add3A_401 = arith.addf %scan3A_329, %get3A_400 : vector<16xf32>
        %swap3A_402 = arith.constant 2 : i32
        %swap3A_403 = arith.index_cast %swap3A_402 : i32 to index
        %swap3A_404 = arith.index_cast %scan3A_324 : i32 to index
        %swap3A_405 = arith.constant 64 : index
        %swap3A_406 = tpu.vector_load %arg4[%swap3A_403, %swap3A_404, %swap3A_405] {strides = array<i32>} : memref<4x64x256xf32, #tpu.memory_space<vmem>>, vector<1x1x16xf32>,
        %swap3A_407 = vector.shape_cast %swap3A_406 : vector<1x1x16xf32> to vector<16xf32>
        %swap3A_408 = vector.shape_cast %add3A_401 : vector<16xf32> to vector<1x1x16xf32>
        tpu.vector_store %arg4[%swap3A_403, %swap3A_404, %swap3A_405], %swap3A_408 {strides = array<i32>} : memref<4x64x256xf32, #tpu.memory_space<vmem>>, vector<1x1x16xf32>,
        %get3A_409 = arith.constant 2 : i32
        %get3A_410 = arith.index_cast %get3A_409 : i32 to index
        %get3A_411 = arith.index_cast %scan3A_324 : i32 to index
        %get3A_412 = arith.constant 80 : index
        %get3A_413 = tpu.vector_load %arg4[%get3A_410, %get3A_411, %get3A_412] {strides = array<i32>} : memref<4x64x256xf32, #tpu.memory_space<vmem>>, vector<1x1x16xf32>,
        %get3A_414 = vector.shape_cast %get3A_413 : vector<1x1x16xf32> to vector<16xf32>
        %add3A_415 = arith.addf %scan3A_330, %get3A_414 : vector<16xf32>
        %swap3A_416 = arith.constant 2 : i32
        %swap3A_417 = arith.index_cast %swap3A_416 : i32 to index
        %swap3A_418 = arith.index_cast %scan3A_324 : i32 to index
        %swap3A_419 = arith.constant 80 : index
        %swap3A_420 = tpu.vector_load %arg4[%swap3A_417, %swap3A_418, %swap3A_419] {strides = array<i32>} : memref<4x64x256xf32, #tpu.memory_space<vmem>>, vector<1x1x16xf32>,
        %swap3A_421 = vector.shape_cast %swap3A_420 : vector<1x1x16xf32> to vector<16xf32>
        %swap3A_422 = vector.shape_cast %add3A_415 : vector<16xf32> to vector<1x1x16xf32>
        tpu.vector_store %arg4[%swap3A_417, %swap3A_418, %swap3A_419], %swap3A_422 {strides = array<i32>} : memref<4x64x256xf32, #tpu.memory_space<vmem>>, vector<1x1x16xf32>,
        %get3A_423 = arith.constant 2 : i32
        %get3A_424 = arith.index_cast %get3A_423 : i32 to index
        %get3A_425 = arith.index_cast %scan3A_324 : i32 to index
        %get3A_426 = arith.constant 96 : index
        %get3A_427 = tpu.vector_load %arg4[%get3A_424, %get3A_425, %get3A_426] {strides = array<i32>} : memref<4x64x256xf32, #tpu.memory_space<vmem>>, vector<1x1x16xf32>,
        %get3A_428 = vector.shape_cast %get3A_427 : vector<1x1x16xf32> to vector<16xf32>
        %add3A_429 = arith.addf %scan3A_331, %get3A_428 : vector<16xf32>
        %swap3A_430 = arith.constant 2 : i32
        %swap3A_431 = arith.index_cast %swap3A_430 : i32 to index
        %swap3A_432 = arith.index_cast %scan3A_324 : i32 to index
        %swap3A_433 = arith.constant 96 : index
        %swap3A_434 = tpu.vector_load %arg4[%swap3A_431, %swap3A_432, %swap3A_433] {strides = array<i32>} : memref<4x64x256xf32, #tpu.memory_space<vmem>>, vector<1x1x16xf32>,
        %swap3A_435 = vector.shape_cast %swap3A_434 : vector<1x1x16xf32> to vector<16xf32>
        %swap3A_436 = vector.shape_cast %add3A_429 : vector<16xf32> to vector<1x1x16xf32>
        tpu.vector_store %arg4[%swap3A_431, %swap3A_432, %swap3A_433], %swap3A_436 {strides = array<i32>} : memref<4x64x256xf32, #tpu.memory_space<vmem>>, vector<1x1x16xf32>,
        %get3A_437 = arith.constant 2 : i32
        %get3A_438 = arith.index_cast %get3A_437 : i32 to index
        %get3A_439 = arith.index_cast %scan3A_324 : i32 to index
        %get3A_440 = arith.constant 112 : index
        %get3A_441 = tpu.vector_load %arg4[%get3A_438, %get3A_439, %get3A_440] {strides = array<i32>} : memref<4x64x256xf32, #tpu.memory_space<vmem>>, vector<1x1x16xf32>,
        %get3A_442 = vector.shape_cast %get3A_441 : vector<1x1x16xf32> to vector<16xf32>
        %add3A_443 = arith.addf %scan3A_332, %get3A_442 : vector<16xf32>
        %swap3A_444 = arith.constant 2 : i32
        %swap3A_445 = arith.index_cast %swap3A_444 : i32 to index
        %swap3A_446 = arith.index_cast %scan3A_324 : i32 to index
        %swap3A_447 = arith.constant 112 : index
        %swap3A_448 = tpu.vector_load %arg4[%swap3A_445, %swap3A_446, %swap3A_447] {strides = array<i32>} : memref<4x64x256xf32, #tpu.memory_space<vmem>>, vector<1x1x16xf32>,
        %swap3A_449 = vector.shape_cast %swap3A_448 : vector<1x1x16xf32> to vector<16xf32>
        %swap3A_450 = vector.shape_cast %add3A_443 : vector<16xf32> to vector<1x1x16xf32>
        tpu.vector_store %arg4[%swap3A_445, %swap3A_446, %swap3A_447], %swap3A_450 {strides = array<i32>} : memref<4x64x256xf32, #tpu.memory_space<vmem>>, vector<1x1x16xf32>,
        %get3A_451 = arith.constant 2 : i32
        %get3A_452 = arith.index_cast %get3A_451 : i32 to index
        %get3A_453 = arith.index_cast %scan3A_324 : i32 to index
        %get3A_454 = arith.constant 128 : index
        %get3A_455 = tpu.vector_load %arg4[%get3A_452, %get3A_453, %get3A_454] {strides = array<i32>} : memref<4x64x256xf32, #tpu.memory_space<vmem>>, vector<1x1x16xf32>,
        %get3A_456 = vector.shape_cast %get3A_455 : vector<1x1x16xf32> to vector<16xf32>
        %add3A_457 = arith.addf %scan3A_333, %get3A_456 : vector<16xf32>
        %swap3A_458 = arith.constant 2 : i32
        %swap3A_459 = arith.index_cast %swap3A_458 : i32 to index
        %swap3A_460 = arith.index_cast %scan3A_324 : i32 to index
        %swap3A_461 = arith.constant 128 : index
        %swap3A_462 = tpu.vector_load %arg4[%swap3A_459, %swap3A_460, %swap3A_461] {strides = array<i32>} : memref<4x64x256xf32, #tpu.memory_space<vmem>>, vector<1x1x16xf32>,
        %swap3A_463 = vector.shape_cast %swap3A_462 : vector<1x1x16xf32> to vector<16xf32>
        %swap3A_464 = vector.shape_cast %add3A_457 : vector<16xf32> to vector<1x1x16xf32>
        tpu.vector_store %arg4[%swap3A_459, %swap3A_460, %swap3A_461], %swap3A_464 {strides = array<i32>} : memref<4x64x256xf32, #tpu.memory_space<vmem>>, vector<1x1x16xf32>,
        %get3A_465 = arith.constant 2 : i32
        %get3A_466 = arith.index_cast %get3A_465 : i32 to index
        %get3A_467 = arith.index_cast %scan3A_324 : i32 to index
        %get3A_468 = arith.constant 144 : index
        %get3A_469 = tpu.vector_load %arg4[%get3A_466, %get3A_467, %get3A_468] {strides = array<i32>} : memref<4x64x256xf32, #tpu.memory_space<vmem>>, vector<1x1x16xf32>,
        %get3A_470 = vector.shape_cast %get3A_469 : vector<1x1x16xf32> to vector<16xf32>
        %add3A_471 = arith.addf %scan3A_334, %get3A_470 : vector<16xf32>
        %swap3A_472 = arith.constant 2 : i32
        %swap3A_473 = arith.index_cast %swap3A_472 : i32 to index
        %swap3A_474 = arith.index_cast %scan3A_324 : i32 to index
        %swap3A_475 = arith.constant 144 : index
        %swap3A_476 = tpu.vector_load %arg4[%swap3A_473, %swap3A_474, %swap3A_475] {strides = array<i32>} : memref<4x64x256xf32, #tpu.memory_space<vmem>>, vector<1x1x16xf32>,
        %swap3A_477 = vector.shape_cast %swap3A_476 : vector<1x1x16xf32> to vector<16xf32>
        %swap3A_478 = vector.shape_cast %add3A_471 : vector<16xf32> to vector<1x1x16xf32>
        tpu.vector_store %arg4[%swap3A_473, %swap3A_474, %swap3A_475], %swap3A_478 {strides = array<i32>} : memref<4x64x256xf32, #tpu.memory_space<vmem>>, vector<1x1x16xf32>,
        %get3A_479 = arith.constant 2 : i32
        %get3A_480 = arith.index_cast %get3A_479 : i32 to index
        %get3A_481 = arith.index_cast %scan3A_324 : i32 to index
        %get3A_482 = arith.constant 160 : index
        %get3A_483 = tpu.vector_load %arg4[%get3A_480, %get3A_481, %get3A_482] {strides = array<i32>} : memref<4x64x256xf32, #tpu.memory_space<vmem>>, vector<1x1x16xf32>,
        %get3A_484 = vector.shape_cast %get3A_483 : vector<1x1x16xf32> to vector<16xf32>
        %add3A_485 = arith.addf %scan3A_335, %get3A_484 : vector<16xf32>
        %swap3A_486 = arith.constant 2 : i32
        %swap3A_487 = arith.index_cast %swap3A_486 : i32 to index
        %swap3A_488 = arith.index_cast %scan3A_324 : i32 to index
        %swap3A_489 = arith.constant 160 : index
        %swap3A_490 = tpu.vector_load %arg4[%swap3A_487, %swap3A_488, %swap3A_489] {strides = array<i32>} : memref<4x64x256xf32, #tpu.memory_space<vmem>>, vector<1x1x16xf32>,
        %swap3A_491 = vector.shape_cast %swap3A_490 : vector<1x1x16xf32> to vector<16xf32>
        %swap3A_492 = vector.shape_cast %add3A_485 : vector<16xf32> to vector<1x1x16xf32>
        tpu.vector_store %arg4[%swap3A_487, %swap3A_488, %swap3A_489], %swap3A_492 {strides = array<i32>} : memref<4x64x256xf32, #tpu.memory_space<vmem>>, vector<1x1x16xf32>,
        %get3A_493 = arith.constant 2 : i32
        %get3A_494 = arith.index_cast %get3A_493 : i32 to index
        %get3A_495 = arith.index_cast %scan3A_324 : i32 to index
        %get3A_496 = arith.constant 176 : index
        %get3A_497 = tpu.vector_load %arg4[%get3A_494, %get3A_495, %get3A_496] {strides = array<i32>} : memref<4x64x256xf32, #tpu.memory_space<vmem>>, vector<1x1x16xf32>,
        %get3A_498 = vector.shape_cast %get3A_497 : vector<1x1x16xf32> to vector<16xf32>
        %add3A_499 = arith.addf %scan3A_336, %get3A_498 : vector<16xf32>
        %swap3A_500 = arith.constant 2 : i32
        %swap3A_501 = arith.index_cast %swap3A_500 : i32 to index
        %swap3A_502 = arith.index_cast %scan3A_324 : i32 to index
        %swap3A_503 = arith.constant 176 : index
        %swap3A_504 = tpu.vector_load %arg4[%swap3A_501, %swap3A_502, %swap3A_503] {strides = array<i32>} : memref<4x64x256xf32, #tpu.memory_space<vmem>>, vector<1x1x16xf32>,
        %swap3A_505 = vector.shape_cast %swap3A_504 : vector<1x1x16xf32> to vector<16xf32>
        %swap3A_506 = vector.shape_cast %add3A_499 : vector<16xf32> to vector<1x1x16xf32>
        tpu.vector_store %arg4[%swap3A_501, %swap3A_502, %swap3A_503], %swap3A_506 {strides = array<i32>} : memref<4x64x256xf32, #tpu.memory_space<vmem>>, vector<1x1x16xf32>,
        %get3A_507 = arith.constant 2 : i32
        %get3A_508 = arith.index_cast %get3A_507 : i32 to index
        %get3A_509 = arith.index_cast %scan3A_324 : i32 to index
        %get3A_510 = arith.constant 192 : index
        %get3A_511 = tpu.vector_load %arg4[%get3A_508, %get3A_509, %get3A_510] {strides = array<i32>} : memref<4x64x256xf32, #tpu.memory_space<vmem>>, vector<1x1x16xf32>,
        %get3A_512 = vector.shape_cast %get3A_511 : vector<1x1x16xf32> to vector<16xf32>
        %add3A_513 = arith.addf %scan3A_337, %get3A_512 : vector<16xf32>
        %swap3A_514 = arith.constant 2 : i32
        %swap3A_515 = arith.index_cast %swap3A_514 : i32 to index
        %swap3A_516 = arith.index_cast %scan3A_324 : i32 to index
        %swap3A_517 = arith.constant 192 : index
        %swap3A_518 = tpu.vector_load %arg4[%swap3A_515, %swap3A_516, %swap3A_517] {strides = array<i32>} : memref<4x64x256xf32, #tpu.memory_space<vmem>>, vector<1x1x16xf32>,
        %swap3A_519 = vector.shape_cast %swap3A_518 : vector<1x1x16xf32> to vector<16xf32>
        %swap3A_520 = vector.shape_cast %add3A_513 : vector<16xf32> to vector<1x1x16xf32>
        tpu.vector_store %arg4[%swap3A_515, %swap3A_516, %swap3A_517], %swap3A_520 {strides = array<i32>} : memref<4x64x256xf32, #tpu.memory_space<vmem>>, vector<1x1x16xf32>,
        %get3A_521 = arith.constant 2 : i32
        %get3A_522 = arith.index_cast %get3A_521 : i32 to index
        %get3A_523 = arith.index_cast %scan3A_324 : i32 to index
        %get3A_524 = arith.constant 208 : index
        %get3A_525 = tpu.vector_load %arg4[%get3A_522, %get3A_523, %get3A_524] {strides = array<i32>} : memref<4x64x256xf32, #tpu.memory_space<vmem>>, vector<1x1x16xf32>,
        %get3A_526 = vector.shape_cast %get3A_525 : vector<1x1x16xf32> to vector<16xf32>
        %add3A_527 = arith.addf %scan3A_338, %get3A_526 : vector<16xf32>
        %swap3A_528 = arith.constant 2 : i32
        %swap3A_529 = arith.index_cast %swap3A_528 : i32 to index
        %swap3A_530 = arith.index_cast %scan3A_324 : i32 to index
        %swap3A_531 = arith.constant 208 : index
        %swap3A_532 = tpu.vector_load %arg4[%swap3A_529, %swap3A_530, %swap3A_531] {strides = array<i32>} : memref<4x64x256xf32, #tpu.memory_space<vmem>>, vector<1x1x16xf32>,
        %swap3A_533 = vector.shape_cast %swap3A_532 : vector<1x1x16xf32> to vector<16xf32>
        %swap3A_534 = vector.shape_cast %add3A_527 : vector<16xf32> to vector<1x1x16xf32>
        tpu.vector_store %arg4[%swap3A_529, %swap3A_530, %swap3A_531], %swap3A_534 {strides = array<i32>} : memref<4x64x256xf32, #tpu.memory_space<vmem>>, vector<1x1x16xf32>,
        %get3A_535 = arith.constant 2 : i32
        %get3A_536 = arith.index_cast %get3A_535 : i32 to index
        %get3A_537 = arith.index_cast %scan3A_324 : i32 to index
        %get3A_538 = arith.constant 224 : index
        %get3A_539 = tpu.vector_load %arg4[%get3A_536, %get3A_537, %get3A_538] {strides = array<i32>} : memref<4x64x256xf32, #tpu.memory_space<vmem>>, vector<1x1x16xf32>,
        %get3A_540 = vector.shape_cast %get3A_539 : vector<1x1x16xf32> to vector<16xf32>
        %add3A_541 = arith.addf %scan3A_339, %get3A_540 : vector<16xf32>
        %swap3A_542 = arith.constant 2 : i32
        %swap3A_543 = arith.index_cast %swap3A_542 : i32 to index
        %swap3A_544 = arith.index_cast %scan3A_324 : i32 to index
        %swap3A_545 = arith.constant 224 : index
        %swap3A_546 = tpu.vector_load %arg4[%swap3A_543, %swap3A_544, %swap3A_545] {strides = array<i32>} : memref<4x64x256xf32, #tpu.memory_space<vmem>>, vector<1x1x16xf32>,
        %swap3A_547 = vector.shape_cast %swap3A_546 : vector<1x1x16xf32> to vector<16xf32>
        %swap3A_548 = vector.shape_cast %add3A_541 : vector<16xf32> to vector<1x1x16xf32>
        tpu.vector_store %arg4[%swap3A_543, %swap3A_544, %swap3A_545], %swap3A_548 {strides = array<i32>} : memref<4x64x256xf32, #tpu.memory_space<vmem>>, vector<1x1x16xf32>,
        %get3A_549 = arith.constant 2 : i32
        %get3A_550 = arith.index_cast %get3A_549 : i32 to index
        %get3A_551 = arith.index_cast %scan3A_324 : i32 to index
        %get3A_552 = arith.constant 240 : index
        %get3A_553 = tpu.vector_load %arg4[%get3A_550, %get3A_551, %get3A_552] {strides = array<i32>} : memref<4x64x256xf32, #tpu.memory_space<vmem>>, vector<1x1x16xf32>,
        %get3A_554 = vector.shape_cast %get3A_553 : vector<1x1x16xf32> to vector<16xf32>
        %add3A_555 = arith.addf %scan3A_340, %get3A_554 : vector<16xf32>
        %swap3A_556 = arith.constant 2 : i32
        %swap3A_557 = arith.index_cast %swap3A_556 : i32 to index
        %swap3A_558 = arith.index_cast %scan3A_324 : i32 to index
        %swap3A_559 = arith.constant 240 : index
        %swap3A_560 = tpu.vector_load %arg4[%swap3A_557, %swap3A_558, %swap3A_559] {strides = array<i32>} : memref<4x64x256xf32, #tpu.memory_space<vmem>>, vector<1x1x16xf32>,
        %swap3A_561 = vector.shape_cast %swap3A_560 : vector<1x1x16xf32> to vector<16xf32>
        %swap3A_562 = vector.shape_cast %add3A_555 : vector<16xf32> to vector<1x1x16xf32>
        tpu.vector_store %arg4[%swap3A_557, %swap3A_558, %swap3A_559], %swap3A_562 {strides = array<i32>} : memref<4x64x256xf32, #tpu.memory_space<vmem>>, vector<1x1x16xf32>,
        %scan3A_563 = arith.constant 1 : i32
        %scan3A_564 = arith.addi %scan3A_324, %scan3A_563 : i32
        %get3A_565 = arith.constant 2 : i32
        %get3A_566 = arith.index_cast %get3A_565 : i32 to index
        %get3A_567 = arith.index_cast %scan3A_564 : i32 to index
        %get3A_568 = arith.constant 0 : index
        %get3A_569 = tpu.vector_load %arg4[%get3A_566, %get3A_567, %get3A_568] {strides = array<i32>} : memref<4x64x256xf32, #tpu.memory_space<vmem>>, vector<1x1x16xf32>,
        %get3A_570 = vector.shape_cast %get3A_569 : vector<1x1x16xf32> to vector<16xf32>
        %add3A_571 = arith.addf %add3A_346, %get3A_570 : vector<16xf32>
        %swap3A_572 = arith.constant 2 : i32
        %swap3A_573 = arith.index_cast %swap3A_572 : i32 to index
        %swap3A_574 = arith.index_cast %scan3A_564 : i32 to index
        %swap3A_575 = arith.constant 0 : index
        %swap3A_576 = tpu.vector_load %arg4[%swap3A_573, %swap3A_574, %swap3A_575] {strides = array<i32>} : memref<4x64x256xf32, #tpu.memory_space<vmem>>, vector<1x1x16xf32>,
        %swap3A_577 = vector.shape_cast %swap3A_576 : vector<1x1x16xf32> to vector<16xf32>
        %swap3A_578 = vector.shape_cast %add3A_571 : vector<16xf32> to vector<1x1x16xf32>
        tpu.vector_store %arg4[%swap3A_573, %swap3A_574, %swap3A_575], %swap3A_578 {strides = array<i32>} : memref<4x64x256xf32, #tpu.memory_space<vmem>>, vector<1x1x16xf32>,
        %get3A_579 = arith.constant 2 : i32
        %get3A_580 = arith.index_cast %get3A_579 : i32 to index
        %get3A_581 = arith.index_cast %scan3A_564 : i32 to index
        %get3A_582 = arith.constant 16 : index
        %get3A_583 = tpu.vector_load %arg4[%get3A_580, %get3A_581, %get3A_582] {strides = array<i32>} : memref<4x64x256xf32, #tpu.memory_space<vmem>>, vector<1x1x16xf32>,
        %get3A_584 = vector.shape_cast %get3A_583 : vector<1x1x16xf32> to vector<16xf32>
        %add3A_585 = arith.addf %add3A_359, %get3A_584 : vector<16xf32>
        %swap3A_586 = arith.constant 2 : i32
        %swap3A_587 = arith.index_cast %swap3A_586 : i32 to index
        %swap3A_588 = arith.index_cast %scan3A_564 : i32 to index
        %swap3A_589 = arith.constant 16 : index
        %swap3A_590 = tpu.vector_load %arg4[%swap3A_587, %swap3A_588, %swap3A_589] {strides = array<i32>} : memref<4x64x256xf32, #tpu.memory_space<vmem>>, vector<1x1x16xf32>,
        %swap3A_591 = vector.shape_cast %swap3A_590 : vector<1x1x16xf32> to vector<16xf32>
        %swap3A_592 = vector.shape_cast %add3A_585 : vector<16xf32> to vector<1x1x16xf32>
        tpu.vector_store %arg4[%swap3A_587, %swap3A_588, %swap3A_589], %swap3A_592 {strides = array<i32>} : memref<4x64x256xf32, #tpu.memory_space<vmem>>, vector<1x1x16xf32>,
        %get3A_593 = arith.constant 2 : i32
        %get3A_594 = arith.index_cast %get3A_593 : i32 to index
        %get3A_595 = arith.index_cast %scan3A_564 : i32 to index
        %get3A_596 = arith.constant 32 : index
        %get3A_597 = tpu.vector_load %arg4[%get3A_594, %get3A_595, %get3A_596] {strides = array<i32>} : memref<4x64x256xf32, #tpu.memory_space<vmem>>, vector<1x1x16xf32>,
        %get3A_598 = vector.shape_cast %get3A_597 : vector<1x1x16xf32> to vector<16xf32>
        %add3A_599 = arith.addf %add3A_373, %get3A_598 : vector<16xf32>
        %swap3A_600 = arith.constant 2 : i32
        %swap3A_601 = arith.index_cast %swap3A_600 : i32 to index
        %swap3A_602 = arith.index_cast %scan3A_564 : i32 to index
        %swap3A_603 = arith.constant 32 : index
        %swap3A_604 = tpu.vector_load %arg4[%swap3A_601, %swap3A_602, %swap3A_603] {strides = array<i32>} : memref<4x64x256xf32, #tpu.memory_space<vmem>>, vector<1x1x16xf32>,
        %swap3A_605 = vector.shape_cast %swap3A_604 : vector<1x1x16xf32> to vector<16xf32>
        %swap3A_606 = vector.shape_cast %add3A_599 : vector<16xf32> to vector<1x1x16xf32>
        tpu.vector_store %arg4[%swap3A_601, %swap3A_602, %swap3A_603], %swap3A_606 {strides = array<i32>} : memref<4x64x256xf32, #tpu.memory_space<vmem>>, vector<1x1x16xf32>,
        %get3A_607 = arith.constant 2 : i32
        %get3A_608 = arith.index_cast %get3A_607 : i32 to index
        %get3A_609 = arith.index_cast %scan3A_564 : i32 to index
        %get3A_610 = arith.constant 48 : index
        %get3A_611 = tpu.vector_load %arg4[%get3A_608, %get3A_609, %get3A_610] {strides = array<i32>} : memref<4x64x256xf32, #tpu.memory_space<vmem>>, vector<1x1x16xf32>,
        %get3A_612 = vector.shape_cast %get3A_611 : vector<1x1x16xf32> to vector<16xf32>
        %add3A_613 = arith.addf %add3A_387, %get3A_612 : vector<16xf32>
        %swap3A_614 = arith.constant 2 : i32
        %swap3A_615 = arith.index_cast %swap3A_614 : i32 to index
        %swap3A_616 = arith.index_cast %scan3A_564 : i32 to index
        %swap3A_617 = arith.constant 48 : index
        %swap3A_618 = tpu.vector_load %arg4[%swap3A_615, %swap3A_616, %swap3A_617] {strides = array<i32>} : memref<4x64x256xf32, #tpu.memory_space<vmem>>, vector<1x1x16xf32>,
        %swap3A_619 = vector.shape_cast %swap3A_618 : vector<1x1x16xf32> to vector<16xf32>
        %swap3A_620 = vector.shape_cast %add3A_613 : vector<16xf32> to vector<1x1x16xf32>
        tpu.vector_store %arg4[%swap3A_615, %swap3A_616, %swap3A_617], %swap3A_620 {strides = array<i32>} : memref<4x64x256xf32, #tpu.memory_space<vmem>>, vector<1x1x16xf32>,
        %get3A_621 = arith.constant 2 : i32
        %get3A_622 = arith.index_cast %get3A_621 : i32 to index
        %get3A_623 = arith.index_cast %scan3A_564 : i32 to index
        %get3A_624 = arith.constant 64 : index
        %get3A_625 = tpu.vector_load %arg4[%get3A_622, %get3A_623, %get3A_624] {strides = array<i32>} : memref<4x64x256xf32, #tpu.memory_space<vmem>>, vector<1x1x16xf32>,
        %get3A_626 = vector.shape_cast %get3A_625 : vector<1x1x16xf32> to vector<16xf32>
        %add3A_627 = arith.addf %add3A_401, %get3A_626 : vector<16xf32>
        %swap3A_628 = arith.constant 2 : i32
        %swap3A_629 = arith.index_cast %swap3A_628 : i32 to index
        %swap3A_630 = arith.index_cast %scan3A_564 : i32 to index
        %swap3A_631 = arith.constant 64 : index
        %swap3A_632 = tpu.vector_load %arg4[%swap3A_629, %swap3A_630, %swap3A_631] {strides = array<i32>} : memref<4x64x256xf32, #tpu.memory_space<vmem>>, vector<1x1x16xf32>,
        %swap3A_633 = vector.shape_cast %swap3A_632 : vector<1x1x16xf32> to vector<16xf32>
        %swap3A_634 = vector.shape_cast %add3A_627 : vector<16xf32> to vector<1x1x16xf32>
        tpu.vector_store %arg4[%swap3A_629, %swap3A_630, %swap3A_631], %swap3A_634 {strides = array<i32>} : memref<4x64x256xf32, #tpu.memory_space<vmem>>, vector<1x1x16xf32>,
        %get3A_635 = arith.constant 2 : i32
        %get3A_636 = arith.index_cast %get3A_635 : i32 to index
        %get3A_637 = arith.index_cast %scan3A_564 : i32 to index
        %get3A_638 = arith.constant 80 : index
        %get3A_639 = tpu.vector_load %arg4[%get3A_636, %get3A_637, %get3A_638] {strides = array<i32>} : memref<4x64x256xf32, #tpu.memory_space<vmem>>, vector<1x1x16xf32>,
        %get3A_640 = vector.shape_cast %get3A_639 : vector<1x1x16xf32> to vector<16xf32>
        %add3A_641 = arith.addf %add3A_415, %get3A_640 : vector<16xf32>
        %swap3A_642 = arith.constant 2 : i32
        %swap3A_643 = arith.index_cast %swap3A_642 : i32 to index
        %swap3A_644 = arith.index_cast %scan3A_564 : i32 to index
        %swap3A_645 = arith.constant 80 : index
        %swap3A_646 = tpu.vector_load %arg4[%swap3A_643, %swap3A_644, %swap3A_645] {strides = array<i32>} : memref<4x64x256xf32, #tpu.memory_space<vmem>>, vector<1x1x16xf32>,
        %swap3A_647 = vector.shape_cast %swap3A_646 : vector<1x1x16xf32> to vector<16xf32>
        %swap3A_648 = vector.shape_cast %add3A_641 : vector<16xf32> to vector<1x1x16xf32>
        tpu.vector_store %arg4[%swap3A_643, %swap3A_644, %swap3A_645], %swap3A_648 {strides = array<i32>} : memref<4x64x256xf32, #tpu.memory_space<vmem>>, vector<1x1x16xf32>,
        %get3A_649 = arith.constant 2 : i32
        %get3A_650 = arith.index_cast %get3A_649 : i32 to index
        %get3A_651 = arith.index_cast %scan3A_564 : i32 to index
        %get3A_652 = arith.constant 96 : index
        %get3A_653 = tpu.vector_load %arg4[%get3A_650, %get3A_651, %get3A_652] {strides = array<i32>} : memref<4x64x256xf32, #tpu.memory_space<vmem>>, vector<1x1x16xf32>,
        %get3A_654 = vector.shape_cast %get3A_653 : vector<1x1x16xf32> to vector<16xf32>
        %add3A_655 = arith.addf %add3A_429, %get3A_654 : vector<16xf32>
        %swap3A_656 = arith.constant 2 : i32
        %swap3A_657 = arith.index_cast %swap3A_656 : i32 to index
        %swap3A_658 = arith.index_cast %scan3A_564 : i32 to index
        %swap3A_659 = arith.constant 96 : index
        %swap3A_660 = tpu.vector_load %arg4[%swap3A_657, %swap3A_658, %swap3A_659] {strides = array<i32>} : memref<4x64x256xf32, #tpu.memory_space<vmem>>, vector<1x1x16xf32>,
        %swap3A_661 = vector.shape_cast %swap3A_660 : vector<1x1x16xf32> to vector<16xf32>
        %swap3A_662 = vector.shape_cast %add3A_655 : vector<16xf32> to vector<1x1x16xf32>
        tpu.vector_store %arg4[%swap3A_657, %swap3A_658, %swap3A_659], %swap3A_662 {strides = array<i32>} : memref<4x64x256xf32, #tpu.memory_space<vmem>>, vector<1x1x16xf32>,
        %get3A_663 = arith.constant 2 : i32
        %get3A_664 = arith.index_cast %get3A_663 : i32 to index
        %get3A_665 = arith.index_cast %scan3A_564 : i32 to index
        %get3A_666 = arith.constant 112 : index
        %get3A_667 = tpu.vector_load %arg4[%get3A_664, %get3A_665, %get3A_666] {strides = array<i32>} : memref<4x64x256xf32, #tpu.memory_space<vmem>>, vector<1x1x16xf32>,
        %get3A_668 = vector.shape_cast %get3A_667 : vector<1x1x16xf32> to vector<16xf32>
        %add3A_669 = arith.addf %add3A_443, %get3A_668 : vector<16xf32>
        %swap3A_670 = arith.constant 2 : i32
        %swap3A_671 = arith.index_cast %swap3A_670 : i32 to index
        %swap3A_672 = arith.index_cast %scan3A_564 : i32 to index
        %swap3A_673 = arith.constant 112 : index
        %swap3A_674 = tpu.vector_load %arg4[%swap3A_671, %swap3A_672, %swap3A_673] {strides = array<i32>} : memref<4x64x256xf32, #tpu.memory_space<vmem>>, vector<1x1x16xf32>,
        %swap3A_675 = vector.shape_cast %swap3A_674 : vector<1x1x16xf32> to vector<16xf32>
        %swap3A_676 = vector.shape_cast %add3A_669 : vector<16xf32> to vector<1x1x16xf32>
        tpu.vector_store %arg4[%swap3A_671, %swap3A_672, %swap3A_673], %swap3A_676 {strides = array<i32>} : memref<4x64x256xf32, #tpu.memory_space<vmem>>, vector<1x1x16xf32>,
        %get3A_677 = arith.constant 2 : i32
        %get3A_678 = arith.index_cast %get3A_677 : i32 to index
        %get3A_679 = arith.index_cast %scan3A_564 : i32 to index
        %get3A_680 = arith.constant 128 : index
        %get3A_681 = tpu.vector_load %arg4[%get3A_678, %get3A_679, %get3A_680] {strides = array<i32>} : memref<4x64x256xf32, #tpu.memory_space<vmem>>, vector<1x1x16xf32>,
        %get3A_682 = vector.shape_cast %get3A_681 : vector<1x1x16xf32> to vector<16xf32>
        %add3A_683 = arith.addf %add3A_457, %get3A_682 : vector<16xf32>
        %swap3A_684 = arith.constant 2 : i32
        %swap3A_685 = arith.index_cast %swap3A_684 : i32 to index
        %swap3A_686 = arith.index_cast %scan3A_564 : i32 to index
        %swap3A_687 = arith.constant 128 : index
        %swap3A_688 = tpu.vector_load %arg4[%swap3A_685, %swap3A_686, %swap3A_687] {strides = array<i32>} : memref<4x64x256xf32, #tpu.memory_space<vmem>>, vector<1x1x16xf32>,
        %swap3A_689 = vector.shape_cast %swap3A_688 : vector<1x1x16xf32> to vector<16xf32>
        %swap3A_690 = vector.shape_cast %add3A_683 : vector<16xf32> to vector<1x1x16xf32>
        tpu.vector_store %arg4[%swap3A_685, %swap3A_686, %swap3A_687], %swap3A_690 {strides = array<i32>} : memref<4x64x256xf32, #tpu.memory_space<vmem>>, vector<1x1x16xf32>,
        %get3A_691 = arith.constant 2 : i32
        %get3A_692 = arith.index_cast %get3A_691 : i32 to index
        %get3A_693 = arith.index_cast %scan3A_564 : i32 to index
        %get3A_694 = arith.constant 144 : index
        %get3A_695 = tpu.vector_load %arg4[%get3A_692, %get3A_693, %get3A_694] {strides = array<i32>} : memref<4x64x256xf32, #tpu.memory_space<vmem>>, vector<1x1x16xf32>,
        %get3A_696 = vector.shape_cast %get3A_695 : vector<1x1x16xf32> to vector<16xf32>
        %add3A_697 = arith.addf %add3A_471, %get3A_696 : vector<16xf32>
        %swap3A_698 = arith.constant 2 : i32
        %swap3A_699 = arith.index_cast %swap3A_698 : i32 to index
        %swap3A_700 = arith.index_cast %scan3A_564 : i32 to index
        %swap3A_701 = arith.constant 144 : index
        %swap3A_702 = tpu.vector_load %arg4[%swap3A_699, %swap3A_700, %swap3A_701] {strides = array<i32>} : memref<4x64x256xf32, #tpu.memory_space<vmem>>, vector<1x1x16xf32>,
        %swap3A_703 = vector.shape_cast %swap3A_702 : vector<1x1x16xf32> to vector<16xf32>
        %swap3A_704 = vector.shape_cast %add3A_697 : vector<16xf32> to vector<1x1x16xf32>
        tpu.vector_store %arg4[%swap3A_699, %swap3A_700, %swap3A_701], %swap3A_704 {strides = array<i32>} : memref<4x64x256xf32, #tpu.memory_space<vmem>>, vector<1x1x16xf32>,
        %get3A_705 = arith.constant 2 : i32
        %get3A_706 = arith.index_cast %get3A_705 : i32 to index
        %get3A_707 = arith.index_cast %scan3A_564 : i32 to index
        %get3A_708 = arith.constant 160 : index
        %get3A_709 = tpu.vector_load %arg4[%get3A_706, %get3A_707, %get3A_708] {strides = array<i32>} : memref<4x64x256xf32, #tpu.memory_space<vmem>>, vector<1x1x16xf32>,
        %get3A_710 = vector.shape_cast %get3A_709 : vector<1x1x16xf32> to vector<16xf32>
        %add3A_711 = arith.addf %add3A_485, %get3A_710 : vector<16xf32>
        %swap3A_712 = arith.constant 2 : i32
        %swap3A_713 = arith.index_cast %swap3A_712 : i32 to index
        %swap3A_714 = arith.index_cast %scan3A_564 : i32 to index
        %swap3A_715 = arith.constant 160 : index
        %swap3A_716 = tpu.vector_load %arg4[%swap3A_713, %swap3A_714, %swap3A_715] {strides = array<i32>} : memref<4x64x256xf32, #tpu.memory_space<vmem>>, vector<1x1x16xf32>,
        %swap3A_717 = vector.shape_cast %swap3A_716 : vector<1x1x16xf32> to vector<16xf32>
        %swap3A_718 = vector.shape_cast %add3A_711 : vector<16xf32> to vector<1x1x16xf32>
        tpu.vector_store %arg4[%swap3A_713, %swap3A_714, %swap3A_715], %swap3A_718 {strides = array<i32>} : memref<4x64x256xf32, #tpu.memory_space<vmem>>, vector<1x1x16xf32>,
        %get3A_719 = arith.constant 2 : i32
        %get3A_720 = arith.index_cast %get3A_719 : i32 to index
        %get3A_721 = arith.index_cast %scan3A_564 : i32 to index
        %get3A_722 = arith.constant 176 : index
        %get3A_723 = tpu.vector_load %arg4[%get3A_720, %get3A_721, %get3A_722] {strides = array<i32>} : memref<4x64x256xf32, #tpu.memory_space<vmem>>, vector<1x1x16xf32>,
        %get3A_724 = vector.shape_cast %get3A_723 : vector<1x1x16xf32> to vector<16xf32>
        %add3A_725 = arith.addf %add3A_499, %get3A_724 : vector<16xf32>
        %swap3A_726 = arith.constant 2 : i32
        %swap3A_727 = arith.index_cast %swap3A_726 : i32 to index
        %swap3A_728 = arith.index_cast %scan3A_564 : i32 to index
        %swap3A_729 = arith.constant 176 : index
        %swap3A_730 = tpu.vector_load %arg4[%swap3A_727, %swap3A_728, %swap3A_729] {strides = array<i32>} : memref<4x64x256xf32, #tpu.memory_space<vmem>>, vector<1x1x16xf32>,
        %swap3A_731 = vector.shape_cast %swap3A_730 : vector<1x1x16xf32> to vector<16xf32>
        %swap3A_732 = vector.shape_cast %add3A_725 : vector<16xf32> to vector<1x1x16xf32>
        tpu.vector_store %arg4[%swap3A_727, %swap3A_728, %swap3A_729], %swap3A_732 {strides = array<i32>} : memref<4x64x256xf32, #tpu.memory_space<vmem>>, vector<1x1x16xf32>,
        %get3A_733 = arith.constant 2 : i32
        %get3A_734 = arith.index_cast %get3A_733 : i32 to index
        %get3A_735 = arith.index_cast %scan3A_564 : i32 to index
        %get3A_736 = arith.constant 192 : index
        %get3A_737 = tpu.vector_load %arg4[%get3A_734, %get3A_735, %get3A_736] {strides = array<i32>} : memref<4x64x256xf32, #tpu.memory_space<vmem>>, vector<1x1x16xf32>,
        %get3A_738 = vector.shape_cast %get3A_737 : vector<1x1x16xf32> to vector<16xf32>
        %add3A_739 = arith.addf %add3A_513, %get3A_738 : vector<16xf32>
        %swap3A_740 = arith.constant 2 : i32
        %swap3A_741 = arith.index_cast %swap3A_740 : i32 to index
        %swap3A_742 = arith.index_cast %scan3A_564 : i32 to index
        %swap3A_743 = arith.constant 192 : index
        %swap3A_744 = tpu.vector_load %arg4[%swap3A_741, %swap3A_742, %swap3A_743] {strides = array<i32>} : memref<4x64x256xf32, #tpu.memory_space<vmem>>, vector<1x1x16xf32>,
        %swap3A_745 = vector.shape_cast %swap3A_744 : vector<1x1x16xf32> to vector<16xf32>
        %swap3A_746 = vector.shape_cast %add3A_739 : vector<16xf32> to vector<1x1x16xf32>
        tpu.vector_store %arg4[%swap3A_741, %swap3A_742, %swap3A_743], %swap3A_746 {strides = array<i32>} : memref<4x64x256xf32, #tpu.memory_space<vmem>>, vector<1x1x16xf32>,
        %get3A_747 = arith.constant 2 : i32
        %get3A_748 = arith.index_cast %get3A_747 : i32 to index
        %get3A_749 = arith.index_cast %scan3A_564 : i32 to index
        %get3A_750 = arith.constant 208 : index
        %get3A_751 = tpu.vector_load %arg4[%get3A_748, %get3A_749, %get3A_750] {strides = array<i32>} : memref<4x64x256xf32, #tpu.memory_space<vmem>>, vector<1x1x16xf32>,
        %get3A_752 = vector.shape_cast %get3A_751 : vector<1x1x16xf32> to vector<16xf32>
        %add3A_753 = arith.addf %add3A_527, %get3A_752 : vector<16xf32>
        %swap3A_754 = arith.constant 2 : i32
        %swap3A_755 = arith.index_cast %swap3A_754 : i32 to index
        %swap3A_756 = arith.index_cast %scan3A_564 : i32 to index
        %swap3A_757 = arith.constant 208 : index
        %swap3A_758 = tpu.vector_load %arg4[%swap3A_755, %swap3A_756, %swap3A_757] {strides = array<i32>} : memref<4x64x256xf32, #tpu.memory_space<vmem>>, vector<1x1x16xf32>,
        %swap3A_759 = vector.shape_cast %swap3A_758 : vector<1x1x16xf32> to vector<16xf32>
        %swap3A_760 = vector.shape_cast %add3A_753 : vector<16xf32> to vector<1x1x16xf32>
        tpu.vector_store %arg4[%swap3A_755, %swap3A_756, %swap3A_757], %swap3A_760 {strides = array<i32>} : memref<4x64x256xf32, #tpu.memory_space<vmem>>, vector<1x1x16xf32>,
        %get3A_761 = arith.constant 2 : i32
        %get3A_762 = arith.index_cast %get3A_761 : i32 to index
        %get3A_763 = arith.index_cast %scan3A_564 : i32 to index
        %get3A_764 = arith.constant 224 : index
        %get3A_765 = tpu.vector_load %arg4[%get3A_762, %get3A_763, %get3A_764] {strides = array<i32>} : memref<4x64x256xf32, #tpu.memory_space<vmem>>, vector<1x1x16xf32>,
        %get3A_766 = vector.shape_cast %get3A_765 : vector<1x1x16xf32> to vector<16xf32>
        %add3A_767 = arith.addf %add3A_541, %get3A_766 : vector<16xf32>
        %swap3A_768 = arith.constant 2 : i32
        %swap3A_769 = arith.index_cast %swap3A_768 : i32 to index
        %swap3A_770 = arith.index_cast %scan3A_564 : i32 to index
        %swap3A_771 = arith.constant 224 : index
        %swap3A_772 = tpu.vector_load %arg4[%swap3A_769, %swap3A_770, %swap3A_771] {strides = array<i32>} : memref<4x64x256xf32, #tpu.memory_space<vmem>>, vector<1x1x16xf32>,
        %swap3A_773 = vector.shape_cast %swap3A_772 : vector<1x1x16xf32> to vector<16xf32>
        %swap3A_774 = vector.shape_cast %add3A_767 : vector<16xf32> to vector<1x1x16xf32>
        tpu.vector_store %arg4[%swap3A_769, %swap3A_770, %swap3A_771], %swap3A_774 {strides = array<i32>} : memref<4x64x256xf32, #tpu.memory_space<vmem>>, vector<1x1x16xf32>,
        %get3A_775 = arith.constant 2 : i32
        %get3A_776 = arith.index_cast %get3A_775 : i32 to index
        %get3A_777 = arith.index_cast %scan3A_564 : i32 to index
        %get3A_778 = arith.constant 240 : index
        %get3A_779 = tpu.vector_load %arg4[%get3A_776, %get3A_777, %get3A_778] {strides = array<i32>} : memref<4x64x256xf32, #tpu.memory_space<vmem>>, vector<1x1x16xf32>,
        %get3A_780 = vector.shape_cast %get3A_779 : vector<1x1x16xf32> to vector<16xf32>
        %add3A_781 = arith.addf %add3A_555, %get3A_780 : vector<16xf32>
        %swap3A_782 = arith.constant 2 : i32
        %swap3A_783 = arith.index_cast %swap3A_782 : i32 to index
        %swap3A_784 = arith.index_cast %scan3A_564 : i32 to index
        %swap3A_785 = arith.constant 240 : index
        %swap3A_786 = tpu.vector_load %arg4[%swap3A_783, %swap3A_784, %swap3A_785] {strides = array<i32>} : memref<4x64x256xf32, #tpu.memory_space<vmem>>, vector<1x1x16xf32>,
        %swap3A_787 = vector.shape_cast %swap3A_786 : vector<1x1x16xf32> to vector<16xf32>
        %swap3A_788 = vector.shape_cast %add3A_781 : vector<16xf32> to vector<1x1x16xf32>
        tpu.vector_store %arg4[%swap3A_783, %swap3A_784, %swap3A_785], %swap3A_788 {strides = array<i32>} : memref<4x64x256xf32, #tpu.memory_space<vmem>>, vector<1x1x16xf32>,
        scf.yield %add3A_571, %add3A_585, %add3A_599, %add3A_613, %add3A_627, %add3A_641, %add3A_655, %add3A_669, %add3A_683, %add3A_697, %add3A_711, %add3A_725, %add3A_739, %add3A_753, %add3A_767, %add3A_781 : vector<16xf32>, vector<16xf32>, vector<16xf32>, vector<16xf32>, vector<16xf32>, vector<16xf32>, vector<16xf32>, vector<16xf32>, vector<16xf32>, vector<16xf32>, vector<16xf32>, vector<16xf32>, vector<16xf32>, vector<16xf32>, vector<16xf32>, vector<16xf32>
      }
      %scan3A_263 = arith.constant 64 : i32
      %mul3A_264 = arith.constant 64 : i32
      %mul3A_265 = arith.muli %add3A_235, %mul3A_264 : i32
      %dma_start3A_266 = arith.constant 2 : i32
      %dma_start3A_267 = arith.constant 0 : i32
      %dma_start3A_268 = arith.constant 0 : i32
      %dma_start3A_269 = tpu.memref_slice %arg4[%dma_start3A_266, %dma_start3A_267, %dma_start3A_268] : memref<4x64x256xf32, #tpu.memory_space<vmem>> -> memref<1x64x256xf32, #tpu.memory_space<vmem>>
      %dma_start3A_270 = tpu.memref_squeeze %dma_start3A_269 : memref<1x64x256xf32, #tpu.memory_space<vmem>> -> memref<64x256xf32, #tpu.memory_space<vmem>>
      %dma_start3A_271 = tpu.memref_slice %arg3[%select_n3A, %mul3A_265, %mul3A_32] : memref<4x8192x2048xf32, #tpu.memory_space<hbm>> -> memref<1x64x256xf32, #tpu.memory_space<hbm>>
      %dma_start3A_272 = tpu.memref_squeeze %dma_start3A_271 : memref<1x64x256xf32, #tpu.memory_space<hbm>> -> memref<64x256xf32, #tpu.memory_space<hbm>>
      %dma_start3A_273 = tpu.memref_slice %arg3[%select_n3A, %mul3A_265, %mul3A_32] : memref<4x8192x2048xf32, #tpu.memory_space<hbm>> -> memref<1x64x256xf32, #tpu.memory_space<hbm>>
      %dma_start3A_274 = tpu.memref_squeeze %dma_start3A_273 : memref<1x64x256xf32, #tpu.memory_space<hbm>> -> memref<64x256xf32, #tpu.memory_space<hbm>>
      %dma_start3A_275 = arith.constant 0 : i32
      %dma_start3A_276 = arith.constant 0 : i32
      %dma_start3A_277 = tpu.memref_slice %arg4[%dma_start3A_266, %dma_start3A_275, %dma_start3A_276] : memref<4x64x256xf32, #tpu.memory_space<vmem>> -> memref<1x64x256xf32, #tpu.memory_space<vmem>>
      %dma_start3A_278 = tpu.memref_squeeze %dma_start3A_277 : memref<1x64x256xf32, #tpu.memory_space<vmem>> -> memref<64x256xf32, #tpu.memory_space<vmem>>
      tpu.enqueue_dma source(%dma_start3A_278 : memref<64x256xf32, #tpu.memory_space<vmem>>) target(%dma_start3A_274 : memref<64x256xf32, #tpu.memory_space<hbm>>) target_semaphore(%arg11 : memref<!tpu.dma_semaphore, #tpu.memory_space<semaphore_mem>>)
      %add3A_279 = arith.constant 3 : i32
      %add3A_280 = arith.addi %mul3A_145, %add3A_279 : i32
      %mul3A_281 = arith.constant 64 : i32
      %mul3A_282 = arith.muli %add3A_280, %mul3A_281 : i32
      %dma_wait3A_283 = arith.constant 3 : i32
      %dma_wait3A_284 = arith.constant 0 : i32
      %dma_wait3A_285 = arith.constant 0 : i32
      %dma_wait3A_286 = tpu.memref_slice %arg4[%dma_wait3A_283, %dma_wait3A_284, %dma_wait3A_285] : memref<4x64x256xf32, #tpu.memory_space<vmem>> -> memref<1x64x256xf32, #tpu.memory_space<vmem>>
      %dma_wait3A_287 = tpu.memref_squeeze %dma_wait3A_286 : memref<1x64x256xf32, #tpu.memory_space<vmem>> -> memref<64x256xf32, #tpu.memory_space<vmem>>
      %dma_wait3A_288 = tpu.memref_slice %arg2[%select_n3A, %mul3A_282, %mul3A_32] : memref<4x8192x2048xf32, #tpu.memory_space<hbm>> -> memref<1x64x256xf32, #tpu.memory_space<hbm>>
      %dma_wait3A_289 = tpu.memref_squeeze %dma_wait3A_288 : memref<1x64x256xf32, #tpu.memory_space<hbm>> -> memref<64x256xf32, #tpu.memory_space<hbm>>
      %dma_wait3A_290 = arith.constant 0 : i32
      %dma_wait3A_291 = arith.constant 0 : i32
      %dma_wait3A_292 = tpu.memref_slice %arg4[%dma_wait3A_283, %dma_wait3A_290, %dma_wait3A_291] : memref<4x64x256xf32, #tpu.memory_space<vmem>> -> memref<1x64x256xf32, #tpu.memory_space<vmem>>
      %dma_wait3A_293 = tpu.memref_squeeze %dma_wait3A_292 : memref<1x64x256xf32, #tpu.memory_space<vmem>> -> memref<64x256xf32, #tpu.memory_space<vmem>>
      %dma_wait3A_294 = tpu.memref_slice %arg2[%select_n3A, %mul3A_282, %mul3A_32] : memref<4x8192x2048xf32, #tpu.memory_space<hbm>> -> memref<1x64x256xf32, #tpu.memory_space<hbm>>
      %dma_wait3A_295 = tpu.memref_squeeze %dma_wait3A_294 : memref<1x64x256xf32, #tpu.memory_space<hbm>> -> memref<64x256xf32, #tpu.memory_space<hbm>>
      tpu.wait_dma2 semaphore(%arg8 : memref<!tpu.dma_semaphore, #tpu.memory_space<semaphore_mem>>) src(%dma_wait3A_295 : memref<64x256xf32, #tpu.memory_space<hbm>>) dst(%dma_wait3A_293 : memref<64x256xf32, #tpu.memory_space<vmem>>)
      %add3A_296 = arith.constant 2 : i32
      %add3A_297 = arith.addi %add3A_280, %add3A_296 : i32
      %lt3A_298 = arith.constant 128 : i32
      %lt3A_299 = arith.cmpi slt, %add3A_297, %lt3A_298 : i32
      %convert_element_type3A_300 = arith.extui %lt3A_299 : i1 to i32
      %cond3A_301 = arith.constant 0 : i32
      %cond3A_302 = arith.cmpi ne, %convert_element_type3A_300, %cond3A_301 : i32
      scf.if %cond3A_302 {
        %ge3A = arith.constant 2 : i32
        %ge3A_324 = arith.cmpi sge, %add3A_280, %ge3A : i32
        %convert_element_type3A_325 = arith.extui %ge3A_324 : i1 to i32
        %cond3A_326 = arith.constant 0 : i32
        %cond3A_327 = arith.cmpi ne, %convert_element_type3A_325, %cond3A_326 : i32
        scf.if %cond3A_327 {
          %sub3A_345 = arith.constant 2 : i32
          %sub3A_346 = arith.subi %add3A_280, %sub3A_345 : i32
          %mul3A_347 = arith.constant 64 : i32
          %mul3A_348 = arith.muli %sub3A_346, %mul3A_347 : i32
          %dma_wait3A_349 = arith.constant 1 : i32
          %dma_wait3A_350 = arith.constant 0 : i32
          %dma_wait3A_351 = arith.constant 0 : i32
          %dma_wait3A_352 = tpu.memref_slice %arg4[%dma_wait3A_349, %dma_wait3A_350, %dma_wait3A_351] : memref<4x64x256xf32, #tpu.memory_space<vmem>> -> memref<1x64x256xf32, #tpu.memory_space<vmem>>
          %dma_wait3A_353 = tpu.memref_squeeze %dma_wait3A_352 : memref<1x64x256xf32, #tpu.memory_space<vmem>> -> memref<64x256xf32, #tpu.memory_space<vmem>>
          %dma_wait3A_354 = tpu.memref_slice %arg3[%select_n3A, %mul3A_348, %mul3A_32] : memref<4x8192x2048xf32, #tpu.memory_space<hbm>> -> memref<1x64x256xf32, #tpu.memory_space<hbm>>
          %dma_wait3A_355 = tpu.memref_squeeze %dma_wait3A_354 : memref<1x64x256xf32, #tpu.memory_space<hbm>> -> memref<64x256xf32, #tpu.memory_space<hbm>>
          %dma_wait3A_356 = tpu.memref_slice %arg3[%select_n3A, %mul3A_348, %mul3A_32] : memref<4x8192x2048xf32, #tpu.memory_space<hbm>> -> memref<1x64x256xf32, #tpu.memory_space<hbm>>
          %dma_wait3A_357 = tpu.memref_squeeze %dma_wait3A_356 : memref<1x64x256xf32, #tpu.memory_space<hbm>> -> memref<64x256xf32, #tpu.memory_space<hbm>>
          %dma_wait3A_358 = arith.constant 0 : i32
          %dma_wait3A_359 = arith.constant 0 : i32
          %dma_wait3A_360 = tpu.memref_slice %arg4[%dma_wait3A_349, %dma_wait3A_358, %dma_wait3A_359] : memref<4x64x256xf32, #tpu.memory_space<vmem>> -> memref<1x64x256xf32, #tpu.memory_space<vmem>>
          %dma_wait3A_361 = tpu.memref_squeeze %dma_wait3A_360 : memref<1x64x256xf32, #tpu.memory_space<vmem>> -> memref<64x256xf32, #tpu.memory_space<vmem>>
          tpu.wait_dma2 semaphore(%arg10 : memref<!tpu.dma_semaphore, #tpu.memory_space<semaphore_mem>>) src(%dma_wait3A_361 : memref<64x256xf32, #tpu.memory_space<vmem>>) dst(%dma_wait3A_357 : memref<64x256xf32, #tpu.memory_space<hbm>>)
        } else {
        }
        %add3A_328 = arith.constant 2 : i32
        %add3A_329 = arith.addi %add3A_280, %add3A_328 : i32
        %mul3A_330 = arith.constant 64 : i32
        %mul3A_331 = arith.muli %add3A_329, %mul3A_330 : i32
        %dma_start3A_332 = arith.constant 1 : i32
        %dma_start3A_333 = arith.constant 0 : i32
        %dma_start3A_334 = arith.constant 0 : i32
        %dma_start3A_335 = tpu.memref_slice %arg4[%dma_start3A_332, %dma_start3A_333, %dma_start3A_334] : memref<4x64x256xf32, #tpu.memory_space<vmem>> -> memref<1x64x256xf32, #tpu.memory_space<vmem>>
        %dma_start3A_336 = tpu.memref_squeeze %dma_start3A_335 : memref<1x64x256xf32, #tpu.memory_space<vmem>> -> memref<64x256xf32, #tpu.memory_space<vmem>>
        %dma_start3A_337 = tpu.memref_slice %arg2[%select_n3A, %mul3A_331, %mul3A_32] : memref<4x8192x2048xf32, #tpu.memory_space<hbm>> -> memref<1x64x256xf32, #tpu.memory_space<hbm>>
        %dma_start3A_338 = tpu.memref_squeeze %dma_start3A_337 : memref<1x64x256xf32, #tpu.memory_space<hbm>> -> memref<64x256xf32, #tpu.memory_space<hbm>>
        %dma_start3A_339 = arith.constant 0 : i32
        %dma_start3A_340 = arith.constant 0 : i32
        %dma_start3A_341 = tpu.memref_slice %arg4[%dma_start3A_332, %dma_start3A_339, %dma_start3A_340] : memref<4x64x256xf32, #tpu.memory_space<vmem>> -> memref<1x64x256xf32, #tpu.memory_space<vmem>>
        %dma_start3A_342 = tpu.memref_squeeze %dma_start3A_341 : memref<1x64x256xf32, #tpu.memory_space<vmem>> -> memref<64x256xf32, #tpu.memory_space<vmem>>
        %dma_start3A_343 = tpu.memref_slice %arg2[%select_n3A, %mul3A_331, %mul3A_32] : memref<4x8192x2048xf32, #tpu.memory_space<hbm>> -> memref<1x64x256xf32, #tpu.memory_space<hbm>>
        %dma_start3A_344 = tpu.memref_squeeze %dma_start3A_343 : memref<1x64x256xf32, #tpu.memory_space<hbm>> -> memref<64x256xf32, #tpu.memory_space<hbm>>
        tpu.enqueue_dma source(%dma_start3A_344 : memref<64x256xf32, #tpu.memory_space<hbm>>) target(%dma_start3A_342 : memref<64x256xf32, #tpu.memory_space<vmem>>) target_semaphore(%arg6 : memref<!tpu.dma_semaphore, #tpu.memory_space<semaphore_mem>>)
      } else {
      }
      %scan3A_303 = arith.constant 0 : i32
      %scan3A_304 = arith.constant 64 : i32
      %scan3A_305 = arith.addi %scan3A_303, %scan3A_304 : i32
      %scan3A_306 = arith.constant 2 : i32
      %scan3A_307:16 = scf.for %scan3A_324 = %scan3A_303 to %scan3A_305 step %scan3A_306 iter_args(%scan3A_325 = %scan3A_262#0, %scan3A_326 = %scan3A_262#1, %scan3A_327 = %scan3A_262#2, %scan3A_328 = %scan3A_262#3, %scan3A_329 = %scan3A_262#4, %scan3A_330 = %scan3A_262#5, %scan3A_331 = %scan3A_262#6, %scan3A_332 = %scan3A_262#7, %scan3A_333 = %scan3A_262#8, %scan3A_334 = %scan3A_262#9, %scan3A_335 = %scan3A_262#10, %scan3A_336 = %scan3A_262#11, %scan3A_337 = %scan3A_262#12, %scan3A_338 = %scan3A_262#13, %scan3A_339 = %scan3A_262#14, %scan3A_340 = %scan3A_262#15) -> (vector<16xf32>, vector<16xf32>, vector<16xf32>, vector<16xf32>, vector<16xf32>, vector<16xf32>, vector<16xf32>, vector<16xf32>, vector<16xf32>, vector<16xf32>, vector<16xf32>, vector<16xf32>, vector<16xf32>, vector<16xf32>, vector<16xf32>, vector<16xf32>)  : i32 {
        %get3A = arith.constant 3 : i32
        %get3A_341 = arith.index_cast %get3A : i32 to index
        %get3A_342 = arith.index_cast %scan3A_324 : i32 to index
        %get3A_343 = arith.constant 0 : index
        %get3A_344 = tpu.vector_load %arg4[%get3A_341, %get3A_342, %get3A_343] {strides = array<i32>} : memref<4x64x256xf32, #tpu.memory_space<vmem>>, vector<1x1x16xf32>,
        %get3A_345 = vector.shape_cast %get3A_344 : vector<1x1x16xf32> to vector<16xf32>
        %add3A_346 = arith.addf %scan3A_325, %get3A_345 : vector<16xf32>
        %swap3A = arith.constant 3 : i32
        %swap3A_347 = arith.index_cast %swap3A : i32 to index
        %swap3A_348 = arith.index_cast %scan3A_324 : i32 to index
        %swap3A_349 = arith.constant 0 : index
        %swap3A_350 = tpu.vector_load %arg4[%swap3A_347, %swap3A_348, %swap3A_349] {strides = array<i32>} : memref<4x64x256xf32, #tpu.memory_space<vmem>>, vector<1x1x16xf32>,
        %swap3A_351 = vector.shape_cast %swap3A_350 : vector<1x1x16xf32> to vector<16xf32>
        %swap3A_352 = vector.shape_cast %add3A_346 : vector<16xf32> to vector<1x1x16xf32>
        tpu.vector_store %arg4[%swap3A_347, %swap3A_348, %swap3A_349], %swap3A_352 {strides = array<i32>} : memref<4x64x256xf32, #tpu.memory_space<vmem>>, vector<1x1x16xf32>,
        %get3A_353 = arith.constant 3 : i32
        %get3A_354 = arith.index_cast %get3A_353 : i32 to index
        %get3A_355 = arith.index_cast %scan3A_324 : i32 to index
        %get3A_356 = arith.constant 16 : index
        %get3A_357 = tpu.vector_load %arg4[%get3A_354, %get3A_355, %get3A_356] {strides = array<i32>} : memref<4x64x256xf32, #tpu.memory_space<vmem>>, vector<1x1x16xf32>,
        %get3A_358 = vector.shape_cast %get3A_357 : vector<1x1x16xf32> to vector<16xf32>
        %add3A_359 = arith.addf %scan3A_326, %get3A_358 : vector<16xf32>
        %swap3A_360 = arith.constant 3 : i32
        %swap3A_361 = arith.index_cast %swap3A_360 : i32 to index
        %swap3A_362 = arith.index_cast %scan3A_324 : i32 to index
        %swap3A_363 = arith.constant 16 : index
        %swap3A_364 = tpu.vector_load %arg4[%swap3A_361, %swap3A_362, %swap3A_363] {strides = array<i32>} : memref<4x64x256xf32, #tpu.memory_space<vmem>>, vector<1x1x16xf32>,
        %swap3A_365 = vector.shape_cast %swap3A_364 : vector<1x1x16xf32> to vector<16xf32>
        %swap3A_366 = vector.shape_cast %add3A_359 : vector<16xf32> to vector<1x1x16xf32>
        tpu.vector_store %arg4[%swap3A_361, %swap3A_362, %swap3A_363], %swap3A_366 {strides = array<i32>} : memref<4x64x256xf32, #tpu.memory_space<vmem>>, vector<1x1x16xf32>,
        %get3A_367 = arith.constant 3 : i32
        %get3A_368 = arith.index_cast %get3A_367 : i32 to index
        %get3A_369 = arith.index_cast %scan3A_324 : i32 to index
        %get3A_370 = arith.constant 32 : index
        %get3A_371 = tpu.vector_load %arg4[%get3A_368, %get3A_369, %get3A_370] {strides = array<i32>} : memref<4x64x256xf32, #tpu.memory_space<vmem>>, vector<1x1x16xf32>,
        %get3A_372 = vector.shape_cast %get3A_371 : vector<1x1x16xf32> to vector<16xf32>
        %add3A_373 = arith.addf %scan3A_327, %get3A_372 : vector<16xf32>
        %swap3A_374 = arith.constant 3 : i32
        %swap3A_375 = arith.index_cast %swap3A_374 : i32 to index
        %swap3A_376 = arith.index_cast %scan3A_324 : i32 to index
        %swap3A_377 = arith.constant 32 : index
        %swap3A_378 = tpu.vector_load %arg4[%swap3A_375, %swap3A_376, %swap3A_377] {strides = array<i32>} : memref<4x64x256xf32, #tpu.memory_space<vmem>>, vector<1x1x16xf32>,
        %swap3A_379 = vector.shape_cast %swap3A_378 : vector<1x1x16xf32> to vector<16xf32>
        %swap3A_380 = vector.shape_cast %add3A_373 : vector<16xf32> to vector<1x1x16xf32>
        tpu.vector_store %arg4[%swap3A_375, %swap3A_376, %swap3A_377], %swap3A_380 {strides = array<i32>} : memref<4x64x256xf32, #tpu.memory_space<vmem>>, vector<1x1x16xf32>,
        %get3A_381 = arith.constant 3 : i32
        %get3A_382 = arith.index_cast %get3A_381 : i32 to index
        %get3A_383 = arith.index_cast %scan3A_324 : i32 to index
        %get3A_384 = arith.constant 48 : index
        %get3A_385 = tpu.vector_load %arg4[%get3A_382, %get3A_383, %get3A_384] {strides = array<i32>} : memref<4x64x256xf32, #tpu.memory_space<vmem>>, vector<1x1x16xf32>,
        %get3A_386 = vector.shape_cast %get3A_385 : vector<1x1x16xf32> to vector<16xf32>
        %add3A_387 = arith.addf %scan3A_328, %get3A_386 : vector<16xf32>
        %swap3A_388 = arith.constant 3 : i32
        %swap3A_389 = arith.index_cast %swap3A_388 : i32 to index
        %swap3A_390 = arith.index_cast %scan3A_324 : i32 to index
        %swap3A_391 = arith.constant 48 : index
        %swap3A_392 = tpu.vector_load %arg4[%swap3A_389, %swap3A_390, %swap3A_391] {strides = array<i32>} : memref<4x64x256xf32, #tpu.memory_space<vmem>>, vector<1x1x16xf32>,
        %swap3A_393 = vector.shape_cast %swap3A_392 : vector<1x1x16xf32> to vector<16xf32>
        %swap3A_394 = vector.shape_cast %add3A_387 : vector<16xf32> to vector<1x1x16xf32>
        tpu.vector_store %arg4[%swap3A_389, %swap3A_390, %swap3A_391], %swap3A_394 {strides = array<i32>} : memref<4x64x256xf32, #tpu.memory_space<vmem>>, vector<1x1x16xf32>,
        %get3A_395 = arith.constant 3 : i32
        %get3A_396 = arith.index_cast %get3A_395 : i32 to index
        %get3A_397 = arith.index_cast %scan3A_324 : i32 to index
        %get3A_398 = arith.constant 64 : index
        %get3A_399 = tpu.vector_load %arg4[%get3A_396, %get3A_397, %get3A_398] {strides = array<i32>} : memref<4x64x256xf32, #tpu.memory_space<vmem>>, vector<1x1x16xf32>,
        %get3A_400 = vector.shape_cast %get3A_399 : vector<1x1x16xf32> to vector<16xf32>
        %add3A_401 = arith.addf %scan3A_329, %get3A_400 : vector<16xf32>
        %swap3A_402 = arith.constant 3 : i32
        %swap3A_403 = arith.index_cast %swap3A_402 : i32 to index
        %swap3A_404 = arith.index_cast %scan3A_324 : i32 to index
        %swap3A_405 = arith.constant 64 : index
        %swap3A_406 = tpu.vector_load %arg4[%swap3A_403, %swap3A_404, %swap3A_405] {strides = array<i32>} : memref<4x64x256xf32, #tpu.memory_space<vmem>>, vector<1x1x16xf32>,
        %swap3A_407 = vector.shape_cast %swap3A_406 : vector<1x1x16xf32> to vector<16xf32>
        %swap3A_408 = vector.shape_cast %add3A_401 : vector<16xf32> to vector<1x1x16xf32>
        tpu.vector_store %arg4[%swap3A_403, %swap3A_404, %swap3A_405], %swap3A_408 {strides = array<i32>} : memref<4x64x256xf32, #tpu.memory_space<vmem>>, vector<1x1x16xf32>,
        %get3A_409 = arith.constant 3 : i32
        %get3A_410 = arith.index_cast %get3A_409 : i32 to index
        %get3A_411 = arith.index_cast %scan3A_324 : i32 to index
        %get3A_412 = arith.constant 80 : index
        %get3A_413 = tpu.vector_load %arg4[%get3A_410, %get3A_411, %get3A_412] {strides = array<i32>} : memref<4x64x256xf32, #tpu.memory_space<vmem>>, vector<1x1x16xf32>,
        %get3A_414 = vector.shape_cast %get3A_413 : vector<1x1x16xf32> to vector<16xf32>
        %add3A_415 = arith.addf %scan3A_330, %get3A_414 : vector<16xf32>
        %swap3A_416 = arith.constant 3 : i32
        %swap3A_417 = arith.index_cast %swap3A_416 : i32 to index
        %swap3A_418 = arith.index_cast %scan3A_324 : i32 to index
        %swap3A_419 = arith.constant 80 : index
        %swap3A_420 = tpu.vector_load %arg4[%swap3A_417, %swap3A_418, %swap3A_419] {strides = array<i32>} : memref<4x64x256xf32, #tpu.memory_space<vmem>>, vector<1x1x16xf32>,
        %swap3A_421 = vector.shape_cast %swap3A_420 : vector<1x1x16xf32> to vector<16xf32>
        %swap3A_422 = vector.shape_cast %add3A_415 : vector<16xf32> to vector<1x1x16xf32>
        tpu.vector_store %arg4[%swap3A_417, %swap3A_418, %swap3A_419], %swap3A_422 {strides = array<i32>} : memref<4x64x256xf32, #tpu.memory_space<vmem>>, vector<1x1x16xf32>,
        %get3A_423 = arith.constant 3 : i32
        %get3A_424 = arith.index_cast %get3A_423 : i32 to index
        %get3A_425 = arith.index_cast %scan3A_324 : i32 to index
        %get3A_426 = arith.constant 96 : index
        %get3A_427 = tpu.vector_load %arg4[%get3A_424, %get3A_425, %get3A_426] {strides = array<i32>} : memref<4x64x256xf32, #tpu.memory_space<vmem>>, vector<1x1x16xf32>,
        %get3A_428 = vector.shape_cast %get3A_427 : vector<1x1x16xf32> to vector<16xf32>
        %add3A_429 = arith.addf %scan3A_331, %get3A_428 : vector<16xf32>
        %swap3A_430 = arith.constant 3 : i32
        %swap3A_431 = arith.index_cast %swap3A_430 : i32 to index
        %swap3A_432 = arith.index_cast %scan3A_324 : i32 to index
        %swap3A_433 = arith.constant 96 : index
        %swap3A_434 = tpu.vector_load %arg4[%swap3A_431, %swap3A_432, %swap3A_433] {strides = array<i32>} : memref<4x64x256xf32, #tpu.memory_space<vmem>>, vector<1x1x16xf32>,
        %swap3A_435 = vector.shape_cast %swap3A_434 : vector<1x1x16xf32> to vector<16xf32>
        %swap3A_436 = vector.shape_cast %add3A_429 : vector<16xf32> to vector<1x1x16xf32>
        tpu.vector_store %arg4[%swap3A_431, %swap3A_432, %swap3A_433], %swap3A_436 {strides = array<i32>} : memref<4x64x256xf32, #tpu.memory_space<vmem>>, vector<1x1x16xf32>,
        %get3A_437 = arith.constant 3 : i32
        %get3A_438 = arith.index_cast %get3A_437 : i32 to index
        %get3A_439 = arith.index_cast %scan3A_324 : i32 to index
        %get3A_440 = arith.constant 112 : index
        %get3A_441 = tpu.vector_load %arg4[%get3A_438, %get3A_439, %get3A_440] {strides = array<i32>} : memref<4x64x256xf32, #tpu.memory_space<vmem>>, vector<1x1x16xf32>,
        %get3A_442 = vector.shape_cast %get3A_441 : vector<1x1x16xf32> to vector<16xf32>
        %add3A_443 = arith.addf %scan3A_332, %get3A_442 : vector<16xf32>
        %swap3A_444 = arith.constant 3 : i32
        %swap3A_445 = arith.index_cast %swap3A_444 : i32 to index
        %swap3A_446 = arith.index_cast %scan3A_324 : i32 to index
        %swap3A_447 = arith.constant 112 : index
        %swap3A_448 = tpu.vector_load %arg4[%swap3A_445, %swap3A_446, %swap3A_447] {strides = array<i32>} : memref<4x64x256xf32, #tpu.memory_space<vmem>>, vector<1x1x16xf32>,
        %swap3A_449 = vector.shape_cast %swap3A_448 : vector<1x1x16xf32> to vector<16xf32>
        %swap3A_450 = vector.shape_cast %add3A_443 : vector<16xf32> to vector<1x1x16xf32>
        tpu.vector_store %arg4[%swap3A_445, %swap3A_446, %swap3A_447], %swap3A_450 {strides = array<i32>} : memref<4x64x256xf32, #tpu.memory_space<vmem>>, vector<1x1x16xf32>,
        %get3A_451 = arith.constant 3 : i32
        %get3A_452 = arith.index_cast %get3A_451 : i32 to index
        %get3A_453 = arith.index_cast %scan3A_324 : i32 to index
        %get3A_454 = arith.constant 128 : index
        %get3A_455 = tpu.vector_load %arg4[%get3A_452, %get3A_453, %get3A_454] {strides = array<i32>} : memref<4x64x256xf32, #tpu.memory_space<vmem>>, vector<1x1x16xf32>,
        %get3A_456 = vector.shape_cast %get3A_455 : vector<1x1x16xf32> to vector<16xf32>
        %add3A_457 = arith.addf %scan3A_333, %get3A_456 : vector<16xf32>
        %swap3A_458 = arith.constant 3 : i32
        %swap3A_459 = arith.index_cast %swap3A_458 : i32 to index
        %swap3A_460 = arith.index_cast %scan3A_324 : i32 to index
        %swap3A_461 = arith.constant 128 : index
        %swap3A_462 = tpu.vector_load %arg4[%swap3A_459, %swap3A_460, %swap3A_461] {strides = array<i32>} : memref<4x64x256xf32, #tpu.memory_space<vmem>>, vector<1x1x16xf32>,
        %swap3A_463 = vector.shape_cast %swap3A_462 : vector<1x1x16xf32> to vector<16xf32>
        %swap3A_464 = vector.shape_cast %add3A_457 : vector<16xf32> to vector<1x1x16xf32>
        tpu.vector_store %arg4[%swap3A_459, %swap3A_460, %swap3A_461], %swap3A_464 {strides = array<i32>} : memref<4x64x256xf32, #tpu.memory_space<vmem>>, vector<1x1x16xf32>,
        %get3A_465 = arith.constant 3 : i32
        %get3A_466 = arith.index_cast %get3A_465 : i32 to index
        %get3A_467 = arith.index_cast %scan3A_324 : i32 to index
        %get3A_468 = arith.constant 144 : index
        %get3A_469 = tpu.vector_load %arg4[%get3A_466, %get3A_467, %get3A_468] {strides = array<i32>} : memref<4x64x256xf32, #tpu.memory_space<vmem>>, vector<1x1x16xf32>,
        %get3A_470 = vector.shape_cast %get3A_469 : vector<1x1x16xf32> to vector<16xf32>
        %add3A_471 = arith.addf %scan3A_334, %get3A_470 : vector<16xf32>
        %swap3A_472 = arith.constant 3 : i32
        %swap3A_473 = arith.index_cast %swap3A_472 : i32 to index
        %swap3A_474 = arith.index_cast %scan3A_324 : i32 to index
        %swap3A_475 = arith.constant 144 : index
        %swap3A_476 = tpu.vector_load %arg4[%swap3A_473, %swap3A_474, %swap3A_475] {strides = array<i32>} : memref<4x64x256xf32, #tpu.memory_space<vmem>>, vector<1x1x16xf32>,
        %swap3A_477 = vector.shape_cast %swap3A_476 : vector<1x1x16xf32> to vector<16xf32>
        %swap3A_478 = vector.shape_cast %add3A_471 : vector<16xf32> to vector<1x1x16xf32>
        tpu.vector_store %arg4[%swap3A_473, %swap3A_474, %swap3A_475], %swap3A_478 {strides = array<i32>} : memref<4x64x256xf32, #tpu.memory_space<vmem>>, vector<1x1x16xf32>,
        %get3A_479 = arith.constant 3 : i32
        %get3A_480 = arith.index_cast %get3A_479 : i32 to index
        %get3A_481 = arith.index_cast %scan3A_324 : i32 to index
        %get3A_482 = arith.constant 160 : index
        %get3A_483 = tpu.vector_load %arg4[%get3A_480, %get3A_481, %get3A_482] {strides = array<i32>} : memref<4x64x256xf32, #tpu.memory_space<vmem>>, vector<1x1x16xf32>,
        %get3A_484 = vector.shape_cast %get3A_483 : vector<1x1x16xf32> to vector<16xf32>
        %add3A_485 = arith.addf %scan3A_335, %get3A_484 : vector<16xf32>
        %swap3A_486 = arith.constant 3 : i32
        %swap3A_487 = arith.index_cast %swap3A_486 : i32 to index
        %swap3A_488 = arith.index_cast %scan3A_324 : i32 to index
        %swap3A_489 = arith.constant 160 : index
        %swap3A_490 = tpu.vector_load %arg4[%swap3A_487, %swap3A_488, %swap3A_489] {strides = array<i32>} : memref<4x64x256xf32, #tpu.memory_space<vmem>>, vector<1x1x16xf32>,
        %swap3A_491 = vector.shape_cast %swap3A_490 : vector<1x1x16xf32> to vector<16xf32>
        %swap3A_492 = vector.shape_cast %add3A_485 : vector<16xf32> to vector<1x1x16xf32>
        tpu.vector_store %arg4[%swap3A_487, %swap3A_488, %swap3A_489], %swap3A_492 {strides = array<i32>} : memref<4x64x256xf32, #tpu.memory_space<vmem>>, vector<1x1x16xf32>,
        %get3A_493 = arith.constant 3 : i32
        %get3A_494 = arith.index_cast %get3A_493 : i32 to index
        %get3A_495 = arith.index_cast %scan3A_324 : i32 to index
        %get3A_496 = arith.constant 176 : index
        %get3A_497 = tpu.vector_load %arg4[%get3A_494, %get3A_495, %get3A_496] {strides = array<i32>} : memref<4x64x256xf32, #tpu.memory_space<vmem>>, vector<1x1x16xf32>,
        %get3A_498 = vector.shape_cast %get3A_497 : vector<1x1x16xf32> to vector<16xf32>
        %add3A_499 = arith.addf %scan3A_336, %get3A_498 : vector<16xf32>
        %swap3A_500 = arith.constant 3 : i32
        %swap3A_501 = arith.index_cast %swap3A_500 : i32 to index
        %swap3A_502 = arith.index_cast %scan3A_324 : i32 to index
        %swap3A_503 = arith.constant 176 : index
        %swap3A_504 = tpu.vector_load %arg4[%swap3A_501, %swap3A_502, %swap3A_503] {strides = array<i32>} : memref<4x64x256xf32, #tpu.memory_space<vmem>>, vector<1x1x16xf32>,
        %swap3A_505 = vector.shape_cast %swap3A_504 : vector<1x1x16xf32> to vector<16xf32>
        %swap3A_506 = vector.shape_cast %add3A_499 : vector<16xf32> to vector<1x1x16xf32>
        tpu.vector_store %arg4[%swap3A_501, %swap3A_502, %swap3A_503], %swap3A_506 {strides = array<i32>} : memref<4x64x256xf32, #tpu.memory_space<vmem>>, vector<1x1x16xf32>,
        %get3A_507 = arith.constant 3 : i32
        %get3A_508 = arith.index_cast %get3A_507 : i32 to index
        %get3A_509 = arith.index_cast %scan3A_324 : i32 to index
        %get3A_510 = arith.constant 192 : index
        %get3A_511 = tpu.vector_load %arg4[%get3A_508, %get3A_509, %get3A_510] {strides = array<i32>} : memref<4x64x256xf32, #tpu.memory_space<vmem>>, vector<1x1x16xf32>,
        %get3A_512 = vector.shape_cast %get3A_511 : vector<1x1x16xf32> to vector<16xf32>
        %add3A_513 = arith.addf %scan3A_337, %get3A_512 : vector<16xf32>
        %swap3A_514 = arith.constant 3 : i32
        %swap3A_515 = arith.index_cast %swap3A_514 : i32 to index
        %swap3A_516 = arith.index_cast %scan3A_324 : i32 to index
        %swap3A_517 = arith.constant 192 : index
        %swap3A_518 = tpu.vector_load %arg4[%swap3A_515, %swap3A_516, %swap3A_517] {strides = array<i32>} : memref<4x64x256xf32, #tpu.memory_space<vmem>>, vector<1x1x16xf32>,
        %swap3A_519 = vector.shape_cast %swap3A_518 : vector<1x1x16xf32> to vector<16xf32>
        %swap3A_520 = vector.shape_cast %add3A_513 : vector<16xf32> to vector<1x1x16xf32>
        tpu.vector_store %arg4[%swap3A_515, %swap3A_516, %swap3A_517], %swap3A_520 {strides = array<i32>} : memref<4x64x256xf32, #tpu.memory_space<vmem>>, vector<1x1x16xf32>,
        %get3A_521 = arith.constant 3 : i32
        %get3A_522 = arith.index_cast %get3A_521 : i32 to index
        %get3A_523 = arith.index_cast %scan3A_324 : i32 to index
        %get3A_524 = arith.constant 208 : index
        %get3A_525 = tpu.vector_load %arg4[%get3A_522, %get3A_523, %get3A_524] {strides = array<i32>} : memref<4x64x256xf32, #tpu.memory_space<vmem>>, vector<1x1x16xf32>,
        %get3A_526 = vector.shape_cast %get3A_525 : vector<1x1x16xf32> to vector<16xf32>
        %add3A_527 = arith.addf %scan3A_338, %get3A_526 : vector<16xf32>
        %swap3A_528 = arith.constant 3 : i32
        %swap3A_529 = arith.index_cast %swap3A_528 : i32 to index
        %swap3A_530 = arith.index_cast %scan3A_324 : i32 to index
        %swap3A_531 = arith.constant 208 : index
        %swap3A_532 = tpu.vector_load %arg4[%swap3A_529, %swap3A_530, %swap3A_531] {strides = array<i32>} : memref<4x64x256xf32, #tpu.memory_space<vmem>>, vector<1x1x16xf32>,
        %swap3A_533 = vector.shape_cast %swap3A_532 : vector<1x1x16xf32> to vector<16xf32>
        %swap3A_534 = vector.shape_cast %add3A_527 : vector<16xf32> to vector<1x1x16xf32>
        tpu.vector_store %arg4[%swap3A_529, %swap3A_530, %swap3A_531], %swap3A_534 {strides = array<i32>} : memref<4x64x256xf32, #tpu.memory_space<vmem>>, vector<1x1x16xf32>,
        %get3A_535 = arith.constant 3 : i32
        %get3A_536 = arith.index_cast %get3A_535 : i32 to index
        %get3A_537 = arith.index_cast %scan3A_324 : i32 to index
        %get3A_538 = arith.constant 224 : index
        %get3A_539 = tpu.vector_load %arg4[%get3A_536, %get3A_537, %get3A_538] {strides = array<i32>} : memref<4x64x256xf32, #tpu.memory_space<vmem>>, vector<1x1x16xf32>,
        %get3A_540 = vector.shape_cast %get3A_539 : vector<1x1x16xf32> to vector<16xf32>
        %add3A_541 = arith.addf %scan3A_339, %get3A_540 : vector<16xf32>
        %swap3A_542 = arith.constant 3 : i32
        %swap3A_543 = arith.index_cast %swap3A_542 : i32 to index
        %swap3A_544 = arith.index_cast %scan3A_324 : i32 to index
        %swap3A_545 = arith.constant 224 : index
        %swap3A_546 = tpu.vector_load %arg4[%swap3A_543, %swap3A_544, %swap3A_545] {strides = array<i32>} : memref<4x64x256xf32, #tpu.memory_space<vmem>>, vector<1x1x16xf32>,
        %swap3A_547 = vector.shape_cast %swap3A_546 : vector<1x1x16xf32> to vector<16xf32>
        %swap3A_548 = vector.shape_cast %add3A_541 : vector<16xf32> to vector<1x1x16xf32>
        tpu.vector_store %arg4[%swap3A_543, %swap3A_544, %swap3A_545], %swap3A_548 {strides = array<i32>} : memref<4x64x256xf32, #tpu.memory_space<vmem>>, vector<1x1x16xf32>,
        %get3A_549 = arith.constant 3 : i32
        %get3A_550 = arith.index_cast %get3A_549 : i32 to index
        %get3A_551 = arith.index_cast %scan3A_324 : i32 to index
        %get3A_552 = arith.constant 240 : index
        %get3A_553 = tpu.vector_load %arg4[%get3A_550, %get3A_551, %get3A_552] {strides = array<i32>} : memref<4x64x256xf32, #tpu.memory_space<vmem>>, vector<1x1x16xf32>,
        %get3A_554 = vector.shape_cast %get3A_553 : vector<1x1x16xf32> to vector<16xf32>
        %add3A_555 = arith.addf %scan3A_340, %get3A_554 : vector<16xf32>
        %swap3A_556 = arith.constant 3 : i32
        %swap3A_557 = arith.index_cast %swap3A_556 : i32 to index
        %swap3A_558 = arith.index_cast %scan3A_324 : i32 to index
        %swap3A_559 = arith.constant 240 : index
        %swap3A_560 = tpu.vector_load %arg4[%swap3A_557, %swap3A_558, %swap3A_559] {strides = array<i32>} : memref<4x64x256xf32, #tpu.memory_space<vmem>>, vector<1x1x16xf32>,
        %swap3A_561 = vector.shape_cast %swap3A_560 : vector<1x1x16xf32> to vector<16xf32>
        %swap3A_562 = vector.shape_cast %add3A_555 : vector<16xf32> to vector<1x1x16xf32>
        tpu.vector_store %arg4[%swap3A_557, %swap3A_558, %swap3A_559], %swap3A_562 {strides = array<i32>} : memref<4x64x256xf32, #tpu.memory_space<vmem>>, vector<1x1x16xf32>,
        %scan3A_563 = arith.constant 1 : i32
        %scan3A_564 = arith.addi %scan3A_324, %scan3A_563 : i32
        %get3A_565 = arith.constant 3 : i32
        %get3A_566 = arith.index_cast %get3A_565 : i32 to index
        %get3A_567 = arith.index_cast %scan3A_564 : i32 to index
        %get3A_568 = arith.constant 0 : index
        %get3A_569 = tpu.vector_load %arg4[%get3A_566, %get3A_567, %get3A_568] {strides = array<i32>} : memref<4x64x256xf32, #tpu.memory_space<vmem>>, vector<1x1x16xf32>,
        %get3A_570 = vector.shape_cast %get3A_569 : vector<1x1x16xf32> to vector<16xf32>
        %add3A_571 = arith.addf %add3A_346, %get3A_570 : vector<16xf32>
        %swap3A_572 = arith.constant 3 : i32
        %swap3A_573 = arith.index_cast %swap3A_572 : i32 to index
        %swap3A_574 = arith.index_cast %scan3A_564 : i32 to index
        %swap3A_575 = arith.constant 0 : index
        %swap3A_576 = tpu.vector_load %arg4[%swap3A_573, %swap3A_574, %swap3A_575] {strides = array<i32>} : memref<4x64x256xf32, #tpu.memory_space<vmem>>, vector<1x1x16xf32>,
        %swap3A_577 = vector.shape_cast %swap3A_576 : vector<1x1x16xf32> to vector<16xf32>
        %swap3A_578 = vector.shape_cast %add3A_571 : vector<16xf32> to vector<1x1x16xf32>
        tpu.vector_store %arg4[%swap3A_573, %swap3A_574, %swap3A_575], %swap3A_578 {strides = array<i32>} : memref<4x64x256xf32, #tpu.memory_space<vmem>>, vector<1x1x16xf32>,
        %get3A_579 = arith.constant 3 : i32
        %get3A_580 = arith.index_cast %get3A_579 : i32 to index
        %get3A_581 = arith.index_cast %scan3A_564 : i32 to index
        %get3A_582 = arith.constant 16 : index
        %get3A_583 = tpu.vector_load %arg4[%get3A_580, %get3A_581, %get3A_582] {strides = array<i32>} : memref<4x64x256xf32, #tpu.memory_space<vmem>>, vector<1x1x16xf32>,
        %get3A_584 = vector.shape_cast %get3A_583 : vector<1x1x16xf32> to vector<16xf32>
        %add3A_585 = arith.addf %add3A_359, %get3A_584 : vector<16xf32>
        %swap3A_586 = arith.constant 3 : i32
        %swap3A_587 = arith.index_cast %swap3A_586 : i32 to index
        %swap3A_588 = arith.index_cast %scan3A_564 : i32 to index
        %swap3A_589 = arith.constant 16 : index
        %swap3A_590 = tpu.vector_load %arg4[%swap3A_587, %swap3A_588, %swap3A_589] {strides = array<i32>} : memref<4x64x256xf32, #tpu.memory_space<vmem>>, vector<1x1x16xf32>,
        %swap3A_591 = vector.shape_cast %swap3A_590 : vector<1x1x16xf32> to vector<16xf32>
        %swap3A_592 = vector.shape_cast %add3A_585 : vector<16xf32> to vector<1x1x16xf32>
        tpu.vector_store %arg4[%swap3A_587, %swap3A_588, %swap3A_589], %swap3A_592 {strides = array<i32>} : memref<4x64x256xf32, #tpu.memory_space<vmem>>, vector<1x1x16xf32>,
        %get3A_593 = arith.constant 3 : i32
        %get3A_594 = arith.index_cast %get3A_593 : i32 to index
        %get3A_595 = arith.index_cast %scan3A_564 : i32 to index
        %get3A_596 = arith.constant 32 : index
        %get3A_597 = tpu.vector_load %arg4[%get3A_594, %get3A_595, %get3A_596] {strides = array<i32>} : memref<4x64x256xf32, #tpu.memory_space<vmem>>, vector<1x1x16xf32>,
        %get3A_598 = vector.shape_cast %get3A_597 : vector<1x1x16xf32> to vector<16xf32>
        %add3A_599 = arith.addf %add3A_373, %get3A_598 : vector<16xf32>
        %swap3A_600 = arith.constant 3 : i32
        %swap3A_601 = arith.index_cast %swap3A_600 : i32 to index
        %swap3A_602 = arith.index_cast %scan3A_564 : i32 to index
        %swap3A_603 = arith.constant 32 : index
        %swap3A_604 = tpu.vector_load %arg4[%swap3A_601, %swap3A_602, %swap3A_603] {strides = array<i32>} : memref<4x64x256xf32, #tpu.memory_space<vmem>>, vector<1x1x16xf32>,
        %swap3A_605 = vector.shape_cast %swap3A_604 : vector<1x1x16xf32> to vector<16xf32>
        %swap3A_606 = vector.shape_cast %add3A_599 : vector<16xf32> to vector<1x1x16xf32>
        tpu.vector_store %arg4[%swap3A_601, %swap3A_602, %swap3A_603], %swap3A_606 {strides = array<i32>} : memref<4x64x256xf32, #tpu.memory_space<vmem>>, vector<1x1x16xf32>,
        %get3A_607 = arith.constant 3 : i32
        %get3A_608 = arith.index_cast %get3A_607 : i32 to index
        %get3A_609 = arith.index_cast %scan3A_564 : i32 to index
        %get3A_610 = arith.constant 48 : index
        %get3A_611 = tpu.vector_load %arg4[%get3A_608, %get3A_609, %get3A_610] {strides = array<i32>} : memref<4x64x256xf32, #tpu.memory_space<vmem>>, vector<1x1x16xf32>,
        %get3A_612 = vector.shape_cast %get3A_611 : vector<1x1x16xf32> to vector<16xf32>
        %add3A_613 = arith.addf %add3A_387, %get3A_612 : vector<16xf32>
        %swap3A_614 = arith.constant 3 : i32
        %swap3A_615 = arith.index_cast %swap3A_614 : i32 to index
        %swap3A_616 = arith.index_cast %scan3A_564 : i32 to index
        %swap3A_617 = arith.constant 48 : index
        %swap3A_618 = tpu.vector_load %arg4[%swap3A_615, %swap3A_616, %swap3A_617] {strides = array<i32>} : memref<4x64x256xf32, #tpu.memory_space<vmem>>, vector<1x1x16xf32>,
        %swap3A_619 = vector.shape_cast %swap3A_618 : vector<1x1x16xf32> to vector<16xf32>
        %swap3A_620 = vector.shape_cast %add3A_613 : vector<16xf32> to vector<1x1x16xf32>
        tpu.vector_store %arg4[%swap3A_615, %swap3A_616, %swap3A_617], %swap3A_620 {strides = array<i32>} : memref<4x64x256xf32, #tpu.memory_space<vmem>>, vector<1x1x16xf32>,
        %get3A_621 = arith.constant 3 : i32
        %get3A_622 = arith.index_cast %get3A_621 : i32 to index
        %get3A_623 = arith.index_cast %scan3A_564 : i32 to index
        %get3A_624 = arith.constant 64 : index
        %get3A_625 = tpu.vector_load %arg4[%get3A_622, %get3A_623, %get3A_624] {strides = array<i32>} : memref<4x64x256xf32, #tpu.memory_space<vmem>>, vector<1x1x16xf32>,
        %get3A_626 = vector.shape_cast %get3A_625 : vector<1x1x16xf32> to vector<16xf32>
        %add3A_627 = arith.addf %add3A_401, %get3A_626 : vector<16xf32>
        %swap3A_628 = arith.constant 3 : i32
        %swap3A_629 = arith.index_cast %swap3A_628 : i32 to index
        %swap3A_630 = arith.index_cast %scan3A_564 : i32 to index
        %swap3A_631 = arith.constant 64 : index
        %swap3A_632 = tpu.vector_load %arg4[%swap3A_629, %swap3A_630, %swap3A_631] {strides = array<i32>} : memref<4x64x256xf32, #tpu.memory_space<vmem>>, vector<1x1x16xf32>,
        %swap3A_633 = vector.shape_cast %swap3A_632 : vector<1x1x16xf32> to vector<16xf32>
        %swap3A_634 = vector.shape_cast %add3A_627 : vector<16xf32> to vector<1x1x16xf32>
        tpu.vector_store %arg4[%swap3A_629, %swap3A_630, %swap3A_631], %swap3A_634 {strides = array<i32>} : memref<4x64x256xf32, #tpu.memory_space<vmem>>, vector<1x1x16xf32>,
        %get3A_635 = arith.constant 3 : i32
        %get3A_636 = arith.index_cast %get3A_635 : i32 to index
        %get3A_637 = arith.index_cast %scan3A_564 : i32 to index
        %get3A_638 = arith.constant 80 : index
        %get3A_639 = tpu.vector_load %arg4[%get3A_636, %get3A_637, %get3A_638] {strides = array<i32>} : memref<4x64x256xf32, #tpu.memory_space<vmem>>, vector<1x1x16xf32>,
        %get3A_640 = vector.shape_cast %get3A_639 : vector<1x1x16xf32> to vector<16xf32>
        %add3A_641 = arith.addf %add3A_415, %get3A_640 : vector<16xf32>
        %swap3A_642 = arith.constant 3 : i32
        %swap3A_643 = arith.index_cast %swap3A_642 : i32 to index
        %swap3A_644 = arith.index_cast %scan3A_564 : i32 to index
        %swap3A_645 = arith.constant 80 : index
        %swap3A_646 = tpu.vector_load %arg4[%swap3A_643, %swap3A_644, %swap3A_645] {strides = array<i32>} : memref<4x64x256xf32, #tpu.memory_space<vmem>>, vector<1x1x16xf32>,
        %swap3A_647 = vector.shape_cast %swap3A_646 : vector<1x1x16xf32> to vector<16xf32>
        %swap3A_648 = vector.shape_cast %add3A_641 : vector<16xf32> to vector<1x1x16xf32>
        tpu.vector_store %arg4[%swap3A_643, %swap3A_644, %swap3A_645], %swap3A_648 {strides = array<i32>} : memref<4x64x256xf32, #tpu.memory_space<vmem>>, vector<1x1x16xf32>,
        %get3A_649 = arith.constant 3 : i32
        %get3A_650 = arith.index_cast %get3A_649 : i32 to index
        %get3A_651 = arith.index_cast %scan3A_564 : i32 to index
        %get3A_652 = arith.constant 96 : index
        %get3A_653 = tpu.vector_load %arg4[%get3A_650, %get3A_651, %get3A_652] {strides = array<i32>} : memref<4x64x256xf32, #tpu.memory_space<vmem>>, vector<1x1x16xf32>,
        %get3A_654 = vector.shape_cast %get3A_653 : vector<1x1x16xf32> to vector<16xf32>
        %add3A_655 = arith.addf %add3A_429, %get3A_654 : vector<16xf32>
        %swap3A_656 = arith.constant 3 : i32
        %swap3A_657 = arith.index_cast %swap3A_656 : i32 to index
        %swap3A_658 = arith.index_cast %scan3A_564 : i32 to index
        %swap3A_659 = arith.constant 96 : index
        %swap3A_660 = tpu.vector_load %arg4[%swap3A_657, %swap3A_658, %swap3A_659] {strides = array<i32>} : memref<4x64x256xf32, #tpu.memory_space<vmem>>, vector<1x1x16xf32>,
        %swap3A_661 = vector.shape_cast %swap3A_660 : vector<1x1x16xf32> to vector<16xf32>
        %swap3A_662 = vector.shape_cast %add3A_655 : vector<16xf32> to vector<1x1x16xf32>
        tpu.vector_store %arg4[%swap3A_657, %swap3A_658, %swap3A_659], %swap3A_662 {strides = array<i32>} : memref<4x64x256xf32, #tpu.memory_space<vmem>>, vector<1x1x16xf32>,
        %get3A_663 = arith.constant 3 : i32
        %get3A_664 = arith.index_cast %get3A_663 : i32 to index
        %get3A_665 = arith.index_cast %scan3A_564 : i32 to index
        %get3A_666 = arith.constant 112 : index
        %get3A_667 = tpu.vector_load %arg4[%get3A_664, %get3A_665, %get3A_666] {strides = array<i32>} : memref<4x64x256xf32, #tpu.memory_space<vmem>>, vector<1x1x16xf32>,
        %get3A_668 = vector.shape_cast %get3A_667 : vector<1x1x16xf32> to vector<16xf32>
        %add3A_669 = arith.addf %add3A_443, %get3A_668 : vector<16xf32>
        %swap3A_670 = arith.constant 3 : i32
        %swap3A_671 = arith.index_cast %swap3A_670 : i32 to index
        %swap3A_672 = arith.index_cast %scan3A_564 : i32 to index
        %swap3A_673 = arith.constant 112 : index
        %swap3A_674 = tpu.vector_load %arg4[%swap3A_671, %swap3A_672, %swap3A_673] {strides = array<i32>} : memref<4x64x256xf32, #tpu.memory_space<vmem>>, vector<1x1x16xf32>,
        %swap3A_675 = vector.shape_cast %swap3A_674 : vector<1x1x16xf32> to vector<16xf32>
        %swap3A_676 = vector.shape_cast %add3A_669 : vector<16xf32> to vector<1x1x16xf32>
        tpu.vector_store %arg4[%swap3A_671, %swap3A_672, %swap3A_673], %swap3A_676 {strides = array<i32>} : memref<4x64x256xf32, #tpu.memory_space<vmem>>, vector<1x1x16xf32>,
        %get3A_677 = arith.constant 3 : i32
        %get3A_678 = arith.index_cast %get3A_677 : i32 to index
        %get3A_679 = arith.index_cast %scan3A_564 : i32 to index
        %get3A_680 = arith.constant 128 : index
        %get3A_681 = tpu.vector_load %arg4[%get3A_678, %get3A_679, %get3A_680] {strides = array<i32>} : memref<4x64x256xf32, #tpu.memory_space<vmem>>, vector<1x1x16xf32>,
        %get3A_682 = vector.shape_cast %get3A_681 : vector<1x1x16xf32> to vector<16xf32>
        %add3A_683 = arith.addf %add3A_457, %get3A_682 : vector<16xf32>
        %swap3A_684 = arith.constant 3 : i32
        %swap3A_685 = arith.index_cast %swap3A_684 : i32 to index
        %swap3A_686 = arith.index_cast %scan3A_564 : i32 to index
        %swap3A_687 = arith.constant 128 : index
        %swap3A_688 = tpu.vector_load %arg4[%swap3A_685, %swap3A_686, %swap3A_687] {strides = array<i32>} : memref<4x64x256xf32, #tpu.memory_space<vmem>>, vector<1x1x16xf32>,
        %swap3A_689 = vector.shape_cast %swap3A_688 : vector<1x1x16xf32> to vector<16xf32>
        %swap3A_690 = vector.shape_cast %add3A_683 : vector<16xf32> to vector<1x1x16xf32>
        tpu.vector_store %arg4[%swap3A_685, %swap3A_686, %swap3A_687], %swap3A_690 {strides = array<i32>} : memref<4x64x256xf32, #tpu.memory_space<vmem>>, vector<1x1x16xf32>,
        %get3A_691 = arith.constant 3 : i32
        %get3A_692 = arith.index_cast %get3A_691 : i32 to index
        %get3A_693 = arith.index_cast %scan3A_564 : i32 to index
        %get3A_694 = arith.constant 144 : index
        %get3A_695 = tpu.vector_load %arg4[%get3A_692, %get3A_693, %get3A_694] {strides = array<i32>} : memref<4x64x256xf32, #tpu.memory_space<vmem>>, vector<1x1x16xf32>,
        %get3A_696 = vector.shape_cast %get3A_695 : vector<1x1x16xf32> to vector<16xf32>
        %add3A_697 = arith.addf %add3A_471, %get3A_696 : vector<16xf32>
        %swap3A_698 = arith.constant 3 : i32
        %swap3A_699 = arith.index_cast %swap3A_698 : i32 to index
        %swap3A_700 = arith.index_cast %scan3A_564 : i32 to index
        %swap3A_701 = arith.constant 144 : index
        %swap3A_702 = tpu.vector_load %arg4[%swap3A_699, %swap3A_700, %swap3A_701] {strides = array<i32>} : memref<4x64x256xf32, #tpu.memory_space<vmem>>, vector<1x1x16xf32>,
        %swap3A_703 = vector.shape_cast %swap3A_702 : vector<1x1x16xf32> to vector<16xf32>
        %swap3A_704 = vector.shape_cast %add3A_697 : vector<16xf32> to vector<1x1x16xf32>
        tpu.vector_store %arg4[%swap3A_699, %swap3A_700, %swap3A_701], %swap3A_704 {strides = array<i32>} : memref<4x64x256xf32, #tpu.memory_space<vmem>>, vector<1x1x16xf32>,
        %get3A_705 = arith.constant 3 : i32
        %get3A_706 = arith.index_cast %get3A_705 : i32 to index
        %get3A_707 = arith.index_cast %scan3A_564 : i32 to index
        %get3A_708 = arith.constant 160 : index
        %get3A_709 = tpu.vector_load %arg4[%get3A_706, %get3A_707, %get3A_708] {strides = array<i32>} : memref<4x64x256xf32, #tpu.memory_space<vmem>>, vector<1x1x16xf32>,
        %get3A_710 = vector.shape_cast %get3A_709 : vector<1x1x16xf32> to vector<16xf32>
        %add3A_711 = arith.addf %add3A_485, %get3A_710 : vector<16xf32>
        %swap3A_712 = arith.constant 3 : i32
        %swap3A_713 = arith.index_cast %swap3A_712 : i32 to index
        %swap3A_714 = arith.index_cast %scan3A_564 : i32 to index
        %swap3A_715 = arith.constant 160 : index
        %swap3A_716 = tpu.vector_load %arg4[%swap3A_713, %swap3A_714, %swap3A_715] {strides = array<i32>} : memref<4x64x256xf32, #tpu.memory_space<vmem>>, vector<1x1x16xf32>,
        %swap3A_717 = vector.shape_cast %swap3A_716 : vector<1x1x16xf32> to vector<16xf32>
        %swap3A_718 = vector.shape_cast %add3A_711 : vector<16xf32> to vector<1x1x16xf32>
        tpu.vector_store %arg4[%swap3A_713, %swap3A_714, %swap3A_715], %swap3A_718 {strides = array<i32>} : memref<4x64x256xf32, #tpu.memory_space<vmem>>, vector<1x1x16xf32>,
        %get3A_719 = arith.constant 3 : i32
        %get3A_720 = arith.index_cast %get3A_719 : i32 to index
        %get3A_721 = arith.index_cast %scan3A_564 : i32 to index
        %get3A_722 = arith.constant 176 : index
        %get3A_723 = tpu.vector_load %arg4[%get3A_720, %get3A_721, %get3A_722] {strides = array<i32>} : memref<4x64x256xf32, #tpu.memory_space<vmem>>, vector<1x1x16xf32>,
        %get3A_724 = vector.shape_cast %get3A_723 : vector<1x1x16xf32> to vector<16xf32>
        %add3A_725 = arith.addf %add3A_499, %get3A_724 : vector<16xf32>
        %swap3A_726 = arith.constant 3 : i32
        %swap3A_727 = arith.index_cast %swap3A_726 : i32 to index
        %swap3A_728 = arith.index_cast %scan3A_564 : i32 to index
        %swap3A_729 = arith.constant 176 : index
        %swap3A_730 = tpu.vector_load %arg4[%swap3A_727, %swap3A_728, %swap3A_729] {strides = array<i32>} : memref<4x64x256xf32, #tpu.memory_space<vmem>>, vector<1x1x16xf32>,
        %swap3A_731 = vector.shape_cast %swap3A_730 : vector<1x1x16xf32> to vector<16xf32>
        %swap3A_732 = vector.shape_cast %add3A_725 : vector<16xf32> to vector<1x1x16xf32>
        tpu.vector_store %arg4[%swap3A_727, %swap3A_728, %swap3A_729], %swap3A_732 {strides = array<i32>} : memref<4x64x256xf32, #tpu.memory_space<vmem>>, vector<1x1x16xf32>,
        %get3A_733 = arith.constant 3 : i32
        %get3A_734 = arith.index_cast %get3A_733 : i32 to index
        %get3A_735 = arith.index_cast %scan3A_564 : i32 to index
        %get3A_736 = arith.constant 192 : index
        %get3A_737 = tpu.vector_load %arg4[%get3A_734, %get3A_735, %get3A_736] {strides = array<i32>} : memref<4x64x256xf32, #tpu.memory_space<vmem>>, vector<1x1x16xf32>,
        %get3A_738 = vector.shape_cast %get3A_737 : vector<1x1x16xf32> to vector<16xf32>
        %add3A_739 = arith.addf %add3A_513, %get3A_738 : vector<16xf32>
        %swap3A_740 = arith.constant 3 : i32
        %swap3A_741 = arith.index_cast %swap3A_740 : i32 to index
        %swap3A_742 = arith.index_cast %scan3A_564 : i32 to index
        %swap3A_743 = arith.constant 192 : index
        %swap3A_744 = tpu.vector_load %arg4[%swap3A_741, %swap3A_742, %swap3A_743] {strides = array<i32>} : memref<4x64x256xf32, #tpu.memory_space<vmem>>, vector<1x1x16xf32>,
        %swap3A_745 = vector.shape_cast %swap3A_744 : vector<1x1x16xf32> to vector<16xf32>
        %swap3A_746 = vector.shape_cast %add3A_739 : vector<16xf32> to vector<1x1x16xf32>
        tpu.vector_store %arg4[%swap3A_741, %swap3A_742, %swap3A_743], %swap3A_746 {strides = array<i32>} : memref<4x64x256xf32, #tpu.memory_space<vmem>>, vector<1x1x16xf32>,
        %get3A_747 = arith.constant 3 : i32
        %get3A_748 = arith.index_cast %get3A_747 : i32 to index
        %get3A_749 = arith.index_cast %scan3A_564 : i32 to index
        %get3A_750 = arith.constant 208 : index
        %get3A_751 = tpu.vector_load %arg4[%get3A_748, %get3A_749, %get3A_750] {strides = array<i32>} : memref<4x64x256xf32, #tpu.memory_space<vmem>>, vector<1x1x16xf32>,
        %get3A_752 = vector.shape_cast %get3A_751 : vector<1x1x16xf32> to vector<16xf32>
        %add3A_753 = arith.addf %add3A_527, %get3A_752 : vector<16xf32>
        %swap3A_754 = arith.constant 3 : i32
        %swap3A_755 = arith.index_cast %swap3A_754 : i32 to index
        %swap3A_756 = arith.index_cast %scan3A_564 : i32 to index
        %swap3A_757 = arith.constant 208 : index
        %swap3A_758 = tpu.vector_load %arg4[%swap3A_755, %swap3A_756, %swap3A_757] {strides = array<i32>} : memref<4x64x256xf32, #tpu.memory_space<vmem>>, vector<1x1x16xf32>,
        %swap3A_759 = vector.shape_cast %swap3A_758 : vector<1x1x16xf32> to vector<16xf32>
        %swap3A_760 = vector.shape_cast %add3A_753 : vector<16xf32> to vector<1x1x16xf32>
        tpu.vector_store %arg4[%swap3A_755, %swap3A_756, %swap3A_757], %swap3A_760 {strides = array<i32>} : memref<4x64x256xf32, #tpu.memory_space<vmem>>, vector<1x1x16xf32>,
        %get3A_761 = arith.constant 3 : i32
        %get3A_762 = arith.index_cast %get3A_761 : i32 to index
        %get3A_763 = arith.index_cast %scan3A_564 : i32 to index
        %get3A_764 = arith.constant 224 : index
        %get3A_765 = tpu.vector_load %arg4[%get3A_762, %get3A_763, %get3A_764] {strides = array<i32>} : memref<4x64x256xf32, #tpu.memory_space<vmem>>, vector<1x1x16xf32>,
        %get3A_766 = vector.shape_cast %get3A_765 : vector<1x1x16xf32> to vector<16xf32>
        %add3A_767 = arith.addf %add3A_541, %get3A_766 : vector<16xf32>
        %swap3A_768 = arith.constant 3 : i32
        %swap3A_769 = arith.index_cast %swap3A_768 : i32 to index
        %swap3A_770 = arith.index_cast %scan3A_564 : i32 to index
        %swap3A_771 = arith.constant 224 : index
        %swap3A_772 = tpu.vector_load %arg4[%swap3A_769, %swap3A_770, %swap3A_771] {strides = array<i32>} : memref<4x64x256xf32, #tpu.memory_space<vmem>>, vector<1x1x16xf32>,
        %swap3A_773 = vector.shape_cast %swap3A_772 : vector<1x1x16xf32> to vector<16xf32>
        %swap3A_774 = vector.shape_cast %add3A_767 : vector<16xf32> to vector<1x1x16xf32>
        tpu.vector_store %arg4[%swap3A_769, %swap3A_770, %swap3A_771], %swap3A_774 {strides = array<i32>} : memref<4x64x256xf32, #tpu.memory_space<vmem>>, vector<1x1x16xf32>,
        %get3A_775 = arith.constant 3 : i32
        %get3A_776 = arith.index_cast %get3A_775 : i32 to index
        %get3A_777 = arith.index_cast %scan3A_564 : i32 to index
        %get3A_778 = arith.constant 240 : index
        %get3A_779 = tpu.vector_load %arg4[%get3A_776, %get3A_777, %get3A_778] {strides = array<i32>} : memref<4x64x256xf32, #tpu.memory_space<vmem>>, vector<1x1x16xf32>,
        %get3A_780 = vector.shape_cast %get3A_779 : vector<1x1x16xf32> to vector<16xf32>
        %add3A_781 = arith.addf %add3A_555, %get3A_780 : vector<16xf32>
        %swap3A_782 = arith.constant 3 : i32
        %swap3A_783 = arith.index_cast %swap3A_782 : i32 to index
        %swap3A_784 = arith.index_cast %scan3A_564 : i32 to index
        %swap3A_785 = arith.constant 240 : index
        %swap3A_786 = tpu.vector_load %arg4[%swap3A_783, %swap3A_784, %swap3A_785] {strides = array<i32>} : memref<4x64x256xf32, #tpu.memory_space<vmem>>, vector<1x1x16xf32>,
        %swap3A_787 = vector.shape_cast %swap3A_786 : vector<1x1x16xf32> to vector<16xf32>
        %swap3A_788 = vector.shape_cast %add3A_781 : vector<16xf32> to vector<1x1x16xf32>
        tpu.vector_store %arg4[%swap3A_783, %swap3A_784, %swap3A_785], %swap3A_788 {strides = array<i32>} : memref<4x64x256xf32, #tpu.memory_space<vmem>>, vector<1x1x16xf32>,
        scf.yield %add3A_571, %add3A_585, %add3A_599, %add3A_613, %add3A_627, %add3A_641, %add3A_655, %add3A_669, %add3A_683, %add3A_697, %add3A_711, %add3A_725, %add3A_739, %add3A_753, %add3A_767, %add3A_781 : vector<16xf32>, vector<16xf32>, vector<16xf32>, vector<16xf32>, vector<16xf32>, vector<16xf32>, vector<16xf32>, vector<16xf32>, vector<16xf32>, vector<16xf32>, vector<16xf32>, vector<16xf32>, vector<16xf32>, vector<16xf32>, vector<16xf32>, vector<16xf32>
      }
      %scan3A_308 = arith.constant 64 : i32
      %mul3A_309 = arith.constant 64 : i32
      %mul3A_310 = arith.muli %add3A_280, %mul3A_309 : i32
      %dma_start3A_311 = arith.constant 3 : i32
      %dma_start3A_312 = arith.constant 0 : i32
      %dma_start3A_313 = arith.constant 0 : i32
      %dma_start3A_314 = tpu.memref_slice %arg4[%dma_start3A_311, %dma_start3A_312, %dma_start3A_313] : memref<4x64x256xf32, #tpu.memory_space<vmem>> -> memref<1x64x256xf32, #tpu.memory_space<vmem>>
      %dma_start3A_315 = tpu.memref_squeeze %dma_start3A_314 : memref<1x64x256xf32, #tpu.memory_space<vmem>> -> memref<64x256xf32, #tpu.memory_space<vmem>>
      %dma_start3A_316 = tpu.memref_slice %arg3[%select_n3A, %mul3A_310, %mul3A_32] : memref<4x8192x2048xf32, #tpu.memory_space<hbm>> -> memref<1x64x256xf32, #tpu.memory_space<hbm>>
      %dma_start3A_317 = tpu.memref_squeeze %dma_start3A_316 : memref<1x64x256xf32, #tpu.memory_space<hbm>> -> memref<64x256xf32, #tpu.memory_space<hbm>>
      %dma_start3A_318 = tpu.memref_slice %arg3[%select_n3A, %mul3A_310, %mul3A_32] : memref<4x8192x2048xf32, #tpu.memory_space<hbm>> -> memref<1x64x256xf32, #tpu.memory_space<hbm>>
      %dma_start3A_319 = tpu.memref_squeeze %dma_start3A_318 : memref<1x64x256xf32, #tpu.memory_space<hbm>> -> memref<64x256xf32, #tpu.memory_space<hbm>>
      %dma_start3A_320 = arith.constant 0 : i32
      %dma_start3A_321 = arith.constant 0 : i32
      %dma_start3A_322 = tpu.memref_slice %arg4[%dma_start3A_311, %dma_start3A_320, %dma_start3A_321] : memref<4x64x256xf32, #tpu.memory_space<vmem>> -> memref<1x64x256xf32, #tpu.memory_space<vmem>>
      %dma_start3A_323 = tpu.memref_squeeze %dma_start3A_322 : memref<1x64x256xf32, #tpu.memory_space<vmem>> -> memref<64x256xf32, #tpu.memory_space<vmem>>
      tpu.enqueue_dma source(%dma_start3A_323 : memref<64x256xf32, #tpu.memory_space<vmem>>) target(%dma_start3A_319 : memref<64x256xf32, #tpu.memory_space<hbm>>) target_semaphore(%arg12 : memref<!tpu.dma_semaphore, #tpu.memory_space<semaphore_mem>>)
      scf.yield %scan3A_307#0, %scan3A_307#1, %scan3A_307#2, %scan3A_307#3, %scan3A_307#4, %scan3A_307#5, %scan3A_307#6, %scan3A_307#7, %scan3A_307#8, %scan3A_307#9, %scan3A_307#10, %scan3A_307#11, %scan3A_307#12, %scan3A_307#13, %scan3A_307#14, %scan3A_307#15 : vector<16xf32>, vector<16xf32>, vector<16xf32>, vector<16xf32>, vector<16xf32>, vector<16xf32>, vector<16xf32>, vector<16xf32>, vector<16xf32>, vector<16xf32>, vector<16xf32>, vector<16xf32>, vector<16xf32>, vector<16xf32>, vector<16xf32>, vector<16xf32>
    }
    %scan3A_97 = arith.constant 32 : i32
    %dma_wait3A = arith.constant 2 : i32
    %dma_wait3A_98 = arith.constant 0 : i32
    %dma_wait3A_99 = arith.constant 0 : i32
    %dma_wait3A_100 = tpu.memref_slice %arg4[%dma_wait3A, %dma_wait3A_98, %dma_wait3A_99] : memref<4x64x256xf32, #tpu.memory_space<vmem>> -> memref<1x64x256xf32, #tpu.memory_space<vmem>>
    %dma_wait3A_101 = tpu.memref_squeeze %dma_wait3A_100 : memref<1x64x256xf32, #tpu.memory_space<vmem>> -> memref<64x256xf32, #tpu.memory_space<vmem>>
    %dma_wait3A_102 = arith.constant 8064 : i32
    %dma_wait3A_103 = tpu.memref_slice %arg3[%select_n3A, %dma_wait3A_102, %mul3A_32] : memref<4x8192x2048xf32, #tpu.memory_space<hbm>> -> memref<1x64x256xf32, #tpu.memory_space<hbm>>
    %dma_wait3A_104 = tpu.memref_squeeze %dma_wait3A_103 : memref<1x64x256xf32, #tpu.memory_space<hbm>> -> memref<64x256xf32, #tpu.memory_space<hbm>>
    %dma_wait3A_105 = arith.constant 8064 : i32
    %dma_wait3A_106 = tpu.memref_slice %arg3[%select_n3A, %dma_wait3A_105, %mul3A_32] : memref<4x8192x2048xf32, #tpu.memory_space<hbm>> -> memref<1x64x256xf32, #tpu.memory_space<hbm>>
    %dma_wait3A_107 = tpu.memref_squeeze %dma_wait3A_106 : memref<1x64x256xf32, #tpu.memory_space<hbm>> -> memref<64x256xf32, #tpu.memory_space<hbm>>
    %dma_wait3A_108 = arith.constant 0 : i32
    %dma_wait3A_109 = arith.constant 0 : i32
    %dma_wait3A_110 = tpu.memref_slice %arg4[%dma_wait3A, %dma_wait3A_108, %dma_wait3A_109] : memref<4x64x256xf32, #tpu.memory_space<vmem>> -> memref<1x64x256xf32, #tpu.memory_space<vmem>>
    %dma_wait3A_111 = tpu.memref_squeeze %dma_wait3A_110 : memref<1x64x256xf32, #tpu.memory_space<vmem>> -> memref<64x256xf32, #tpu.memory_space<vmem>>
    tpu.wait_dma2 semaphore(%arg11 : memref<!tpu.dma_semaphore, #tpu.memory_space<semaphore_mem>>) src(%dma_wait3A_111 : memref<64x256xf32, #tpu.memory_space<vmem>>) dst(%dma_wait3A_107 : memref<64x256xf32, #tpu.memory_space<hbm>>)
    %dma_wait3A_112 = arith.constant 3 : i32
    %dma_wait3A_113 = arith.constant 0 : i32
    %dma_wait3A_114 = arith.constant 0 : i32
    %dma_wait3A_115 = tpu.memref_slice %arg4[%dma_wait3A_112, %dma_wait3A_113, %dma_wait3A_114] : memref<4x64x256xf32, #tpu.memory_space<vmem>> -> memref<1x64x256xf32, #tpu.memory_space<vmem>>
    %dma_wait3A_116 = tpu.memref_squeeze %dma_wait3A_115 : memref<1x64x256xf32, #tpu.memory_space<vmem>> -> memref<64x256xf32, #tpu.memory_space<vmem>>
    %dma_wait3A_117 = arith.constant 8128 : i32
    %dma_wait3A_118 = tpu.memref_slice %arg3[%select_n3A, %dma_wait3A_117, %mul3A_32] : memref<4x8192x2048xf32, #tpu.memory_space<hbm>> -> memref<1x64x256xf32, #tpu.memory_space<hbm>>
    %dma_wait3A_119 = tpu.memref_squeeze %dma_wait3A_118 : memref<1x64x256xf32, #tpu.memory_space<hbm>> -> memref<64x256xf32, #tpu.memory_space<hbm>>
    %dma_wait3A_120 = arith.constant 8128 : i32
    %dma_wait3A_121 = tpu.memref_slice %arg3[%select_n3A, %dma_wait3A_120, %mul3A_32] : memref<4x8192x2048xf32, #tpu.memory_space<hbm>> -> memref<1x64x256xf32, #tpu.memory_space<hbm>>
    %dma_wait3A_122 = tpu.memref_squeeze %dma_wait3A_121 : memref<1x64x256xf32, #tpu.memory_space<hbm>> -> memref<64x256xf32, #tpu.memory_space<hbm>>
    %dma_wait3A_123 = arith.constant 0 : i32
    %dma_wait3A_124 = arith.constant 0 : i32
    %dma_wait3A_125 = tpu.memref_slice %arg4[%dma_wait3A_112, %dma_wait3A_123, %dma_wait3A_124] : memref<4x64x256xf32, #tpu.memory_space<vmem>> -> memref<1x64x256xf32, #tpu.memory_space<vmem>>
    %dma_wait3A_126 = tpu.memref_squeeze %dma_wait3A_125 : memref<1x64x256xf32, #tpu.memory_space<vmem>> -> memref<64x256xf32, #tpu.memory_space<vmem>>
    tpu.wait_dma2 semaphore(%arg12 : memref<!tpu.dma_semaphore, #tpu.memory_space<semaphore_mem>>) src(%dma_wait3A_126 : memref<64x256xf32, #tpu.memory_space<vmem>>) dst(%dma_wait3A_122 : memref<64x256xf32, #tpu.memory_space<hbm>>)
    return
  }
}

</mosaic_0001>

<sc_bundles>
// kernel: kernel.3.cloned.1.call-start
scs
__scs_entry_jumppad:
0x0: {  	(pc) =	sbr.rel $0x88, $3  }
0x1: {  	(tag) =	ssettag $0x0;
	lr =	simm.s32 $0x1  }
0x2: {  	[smem:$0x3FA0] =	sst lr;
	_ =	strace $0xD0000000  }
0x3: {  	_ = 	snop  }
0x4: {  	_ = 	snop  }
0x5: {  	_ = 	snop  }
0x6: {  	_ = 	snop  }
0x7: {  	_ = 	snop  }
__scs_overlays_trampoline_lowered:
0x8: {  	[smem:$0x3FAF] =	sst s0  }
0x9: {  	[smem:$0x3FB0] =	sst s1  }
0xa: {  	[smem:$0x3FB1] =	sst s2  }
0xb: {  	[smem:$0x3FB2] =	sst s3  }
0xc: {  	[smem:$0x3FB3] =	sst s4  }
0xd: {  	[smem:$0x3FB4] =	sst s5  }
0xe: {  	[smem:$0x3FB5] =	sst s6  }
0xf: {  	[smem:$0x3FB6] =	sst s7  }
0x10: {  	[smem:$0x3FB7] =	sst s8  }
0x11: {  	[smem:$0x3FB8] =	sst s9;
	s0 =	simm.s32 @!p0 $0x0  }
0x12: {  	s1 =	sld [smem:$0x3F9E];
	s0 =	simm.s32 @p0 $0x1  }
0x13: {  	[smem:$0x3FB9] =	sst s0;
	s0 =	simm.s32 @!p1 $0x0  }
0x14: {  	s2 =	sld [smem:$0x3F9D];
	s0 =	simm.s32 @p1 $0x1  }
0x15: {  	[smem:$0x3FBA] =	sst s0;
	s0 =	simm.s32 @!p2 $0x0  }
0x16: {  	s3 =	sld [smem:$0x3FDB];
	s0 =	simm.s32 @p2 $0x1  }
0x17: {  	s4 =	simm.s32 $0x1BF5;
	[smem:$0x3FBC] =	sst s0  }
0x18: {  	s0 =	sld [smem:$0x3F9F];
	_ =	swait.ge [sflag:s4], $0x0  }
0x19: {  	s7 =	sld [smem:$0x3FA0]  }
0x1a: {  	s8 =	sadd.s32 $0xFFFFE003, lr  }
0x1b: {  	s9 =	sadd.s32 $0xFFFFFEF7, lr;
	s5 =	simm.s32 $0xFFFFFFFF;
	p2 =	slt.u32 s8, $0xFFFFF086  }
0x1c: {  	p1 =	slt.u32 s9, $0xF7A;
	s5 =	simm.s32 @!p2 $0x0  }
0x1d: {  	s5 =	simm.s32 @p1 $0x1;
	p0 =	seq.s32 s7, s2  }
0x1e: {  	s7 =	smul.u32 @!p0 $0xF7A, s2;
	p2 =	seq.s32 @!p0 s5, $0x0  }
0x1f: {  	s9 =	smul.u32 $0xF7A, s1;
	s8 =	simm.s32 @!p0 $0x1BF5;
	p2 =	por !p2, p0  }
0x20: {  	[sflag:s8] =	ssyncset.s32 @!p0 $0xFFFFF086;
	s6 =	sadd.s32 @!p0 s3, s7;
	s7 =	simm.s32 @!p0 $0x108  }
0x21: {  	s3 =	sadd.s32 s3, s9;
	s6 =	sadd.s32 @!p0 $0x88, s6;
	s7 =	simm.s32 @p2 $0x1082  }
0x22: {  	[simem:s7], [sflag:s8] =	dma.local @!p0 [hbm:s6], $0xF7A  }
0x23: {  	s9 =	sor.u32 $0xD0000000, s2;
	s6 =	simm.s32 $0x108;
	_ =	swait.ge @!p0 [sflag:s8], $0x0  }
0x24: {  	s3 =	sadd.s32 $0x88, s3;
	s6 =	simm.s32 @!p1 $0x1082;
	[sflag:s4] =	ssyncset.s32 $0xFFFFF086  }
0x25: {  	[simem:s6], [sflag:s4] =	dma.local [hbm:s3], $0xF7A  }
0x26: {  	[smem:$0x3FA0] =	sst s1;
	(tag) =	ssettag s2;
	_ =	strace s9  }
0x27: {  	s1 =	sld [smem:$0x3FB0]  }
0x28: {  	s2 =	sld [smem:$0x3FB1]  }
0x29: {  	s4 =	sld [smem:$0x3FB3]  }
0x2a: {  	p0 =	seq.s32 s5, $0x0;
	s5 =	sld [smem:$0x3FB4]  }
0x2b: {  	s6 =	sld [smem:$0x3FB5]  }
0x2c: {  	s7 =	sld [smem:$0x3FB6]  }
0x2d: {  	s3 =	simm.s32 $0x108;
	s8 =	sld [smem:$0x3FB7]  }
0x2e: {  	s3 =	simm.s32 @!p0 $0x1082;
	s9 =	sld [smem:$0x3FB8]  }
0x2f: {  	lr =	sadd.s32 s0, s3;
	s0 =	sld [smem:$0x3FAF]  }
0x30: {  	s3 =	sld [smem:$0x3FB2]  }
0x31: {  	[smem:$0x3FBB] =	sst s10  }
0x32: {  	s10 =	sld [smem:$0x3FB9];
	_ =	sdelay $0x3  }
0x33: {  	p0 =	seq.s32 s10, $0x1;
	s10 =	sld [smem:$0x3FBB];
	_ =	sdelay $0x3  }
0x34: {  	[smem:$0x3FBB] =	sst s10  }
0x35: {  	s10 =	sld [smem:$0x3FBA];
	_ =	sdelay $0x3  }
0x36: {  	p1 =	seq.s32 s10, $0x1;
	s10 =	sld [smem:$0x3FBB];
	_ =	sdelay $0x3  }
0x37: {  	[smem:$0x3FBB] =	sst s10  }
0x38: {  	s10 =	sld [smem:$0x3FBC]  }
0x39: {  	_ = 	snop;
	(pc) =	sbr.ind lr, $3  }
0x3a: {  	_ = 	snop  }
0x3b: {  	_ = 	snop  }
0x3c: {  	p2 =	seq.s32 s10, $0x1;
	s10 =	sld [smem:$0x3FBB]  }
0x3d: {  	_ =	shalt  }
0x3e: {  	_ =	shalt  }
0x3f: {  	_ =	shalt  }
0x40: {  	_ =	shalt  }
0x41: {  	_ =	shalt  }
0x42: {  	_ =	shalt  }
0x43: {  	_ =	shalt  }
0x44: {  	_ =	shalt  }
0x45: {  	_ =	shalt  }
0x46: {  	_ =	shalt  }
0x47: {  	_ =	shalt  }
0x48: {  	_ =	shalt  }
0x49: {  	_ =	shalt  }
0x4a: {  	_ =	shalt  }
0x4b: {  	_ =	shalt  }
0x4c: {  	_ =	shalt  }
0x4d: {  	_ =	shalt  }
0x4e: {  	_ =	shalt  }
0x4f: {  	_ =	shalt  }
0x50: {  	_ =	shalt  }
0x51: {  	_ =	shalt  }
0x52: {  	_ =	shalt  }
0x53: {  	_ =	shalt  }
0x54: {  	_ =	shalt  }
0x55: {  	_ =	shalt  }
0x56: {  	_ =	shalt  }
0x57: {  	_ =	shalt  }
0x58: {  	_ =	shalt  }
0x59: {  	_ =	shalt  }
0x5a: {  	_ =	shalt  }
0x5b: {  	_ =	shalt  }
0x5c: {  	_ =	shalt  }
0x5d: {  	_ =	shalt  }
0x5e: {  	_ =	shalt  }
0x5f: {  	_ =	shalt  }
0x60: {  	_ =	shalt  }
0x61: {  	_ =	shalt  }
0x62: {  	_ =	shalt  }
0x63: {  	_ =	shalt  }
0x64: {  	_ =	shalt  }
0x65: {  	_ =	shalt  }
0x66: {  	_ =	shalt  }
0x67: {  	_ =	shalt  }
0x68: {  	_ =	shalt  }
0x69: {  	_ =	shalt  }
0x6a: {  	_ =	shalt  }
0x6b: {  	_ =	shalt  }
0x6c: {  	_ =	shalt  }
0x6d: {  	_ =	shalt  }
0x6e: {  	_ =	shalt  }
0x6f: {  	_ =	shalt  }
0x70: {  	_ =	shalt  }
0x71: {  	_ =	shalt  }
0x72: {  	_ =	shalt  }
0x73: {  	_ =	shalt  }
0x74: {  	_ =	shalt  }
0x75: {  	_ =	shalt  }
0x76: {  	_ =	shalt  }
0x77: {  	_ =	shalt  }
0x78: {  	_ =	shalt  }
0x79: {  	_ =	shalt  }
0x7a: {  	_ =	shalt  }
0x7b: {  	_ =	shalt  }
0x7c: {  	_ =	shalt  }
0x7d: {  	_ =	shalt  }
0x7e: {  	_ =	shalt  }
0x7f: {  	_ =	shalt  }
0x80: {  	_ =	shalt  }
0x81: {  	_ =	shalt  }
0x82: {  	_ =	shalt  }
0x83: {  	_ =	shalt  }
0x84: {  	_ =	shalt  }
0x85: {  	_ =	shalt  }
0x86: {  	_ =	shalt  }
0x87: {  	_ =	shalt  }
.Lfunc_end0:
.L_simem_size_0:
called_computation_lowered:
.L_overlay_start_0:
0x88: {  	s2 =	sld [smem:$0x3FD9]  }
0x89: {  	s3 =	sld [smem:$0x3FFE];
	_ =	sdelay $0x1  }
0x8a: {  	s1 =	srdreg.scid  }
0x8b: {  	s0 =	sand.u32 $0x1, s1  }
0x8c: {  	s18 =	sshll.u32 s0, $0xA;
	s2 =	sadd.s32 s3, s2  }
0x8d: {  	s2 =	sadd.s32 s2, s18  }
0x8e: {  	[smem:$0x3FC7] =	sst s2  }
0x8f: {  	_ = 	snop  }
0x90: {  	s2 =	sld [smem:$0x3FC9]  }
0x91: {  	s19 =	sld [smem:$0x3FD0];
	(tm) =	ssettm $0x1  }
0x92: {  	s4 =	sld [smem:$0x3FFB];
	_ =	sdelay $0x3  }
0x93: {  	_ =	strace s4  }
0x94: {  	s4 =	sld [smem:$0x3FFC];
	_ =	sdelay $0x3  }
0x95: {  	_ =	strace s4  }
0x96: {  	s4 =	sld [smem:$0x3FFD];
	_ =	sdelay $0x3  }
0x97: {  	_ =	strace s4  }
0x98: {  	_ =	strace $0x8FFFFFFF  }
0x99: {  	s20 =	sld [smem:$0x3FDB];
	_ =	sdelay $0x1  }
0x9a: {  	s5 =	simm.s32 $_scs_section_size  }
0x9b: {  	s6 =	simm.s32 $_size__tile_overlayer_lowered;
	s7 =	simm.s32 $_tile_overlayer_lowered  }
0x9c: {  	s23 =	simm.s32 $0x1BFF;
	s22 =	sshll.u32 s7, $0x1;
	s4 =	sadd.s32 s5, s20  }
0x9d: {  	s8 =	simm.s32 $0x0;
	s21 =	sshll.u32 s6, $0x1;
	s6 =	sadd.s32 s22, s4  }
0x9e: {  	[timem:s8], [sflag:s23] =	dma.local [hbm:s6], s21  }
0x9f: {  	_ =	swait.ge [sflag:s23], s21  }
0xa0: {  	s5 =	ssub.s32 $0x0, s21;
	[sflag:s23] =	ssyncset.done $0x0  }
0xa1: {  	[sflag:s23] =	ssyncadd.s32 s5;
	_ =	sdelay $0x1  }
0xa2: {  	s24 =	simm.s32 $0x1B8B  }
0xa3: {  	_ =	swait.ge [sflag:s24], $0x1  }
0xa4: {  	[sflag:s24] =	ssyncset.done $0x0  }
0xa5: {  	s25 =	simm.s32 $0x1B8E;
	[sflag:s24] =	ssyncadd.s32 $0xFFFFFFFF  }
0xa6: {  	s26 =	simm.s32 $execute0_lowered;
	[smem:$0x3FD2] =	sst s25  }
0xa7: {  	s5 =	sshll.u32 s26, $0x1;
	_ =	strace $0x80000046;
	[dreg:$0x1] =	wrdreg $0xFFFFFFFF  }
0xa8: {  	s28 =	simm.s32 $_size_execute0_lowered;
	s4 =	sadd.s32 s4, s5;
	[dreg:$0x0] =	wrdreg $0x0  }
0xa9: {  	s5 =	sshll.u32 s28, $0x1;
	[dreg:$0x2] =	wrdreg s4  }
0xaa: {  	[dreg:$0x3] =	wrdreg s5  }
0xab: {  	[dreg:$0x4] =	wrdreg $0xC0  }
0xac: {  	_ =	task [dreg:s8], $0x5FFFF  }
0xad: {  	[dreg:$0x1] =	wrdreg $0xFFFFFFFF  }
0xae: {  	[dreg:$0x0] =	wrdreg $0x60  }
0xaf: {  	[dreg:$0x2] =	wrdreg s2  }
0xb0: {  	[dreg:$0x3] =	wrdreg s19  }
0xb1: {  	[dreg:$0x4] =	wrdreg $0x9  }
0xb2: {  	_ =	task.clear_ibuf [dreg:s8], $0x5FFFF;
	_ =	strace $0x90000046  }
0xb3: {  	s29 =	simm.s32 $0x9;
	_ =	strace $0x80000048  }
0xb4: {  	_ =	swait.ge [sflag:s29], $0x1  }
0xb5: {  	[sflag:s29] =	ssyncadd.s32 $0xFFFFFFFF  }
0xb6: {  	_ =	strace $0x90000048  }
0xb7: {  	_ =	sfence  }
0xb8: {  	s30 =	sld [smem:$0x0];
	_ =	sdelay $0x2  }
0xb9: {  	s31 =	sshll.u32 s1, $0xD;
	s1 =	sshrl.u32 s1, $0x2  }
0xba: {  	s3 =	sand.u32 $0x4000, s31;
	s1 =	sadd.s32 s1, s30  }
0xbb: {  	s0 =	sor.u32 s3, s0;
	s1 =	sshll.u32 s1, $0x11  }
0xbc: {  	s0 =	sor.u32 s1, s0  }
0xbd: {  	s0 =	sadd.s32 $0x8F2B, s0  }
0xbe: {  	[sflag:s0] =	ssyncadd.remote.s32 $0x1  }
0xbf: {  	_ =	sfence.sel $0xFFFF  }
0xc0: {  	[dreg:$0x0] =	wrdreg $0xFFFFFFFF;
	(pc) =	sbr.abs _section_cstart, $3  }
0xc1: {  	[dreg:$0x1] =	wrdreg $0xFFFFFFFF  }
0xc2: {  	_ =	task.clear_ibuf [dreg:s8], $0x2FFFF;
	_ =	strace $0x9FFFFFFF  }
0xc3: {  	(tm) =	ssettm $0x7FFFFFFF  }
tec
execute0_lowered:
.L_overlay_start_1:
0x0: {  	(tag) =	ssettag $0x1  }
0x1: {  	s3 =	stileid.u32  }
0x2: {  	s0 =	srdreg.scid;
	s2 =	rddreg [dreg:$0x0]  }
0x3: {  	s13 =	simm.s32 $0x800;
	s14 =	simm.s32 $0x4000;
	s15 =	simm.s32 $0x1  }
0x4: {  	s16 =	simm.s32 $0x8000;
	s17 =	simm.s32 $0x2;
	s18 =	simm.s32 $0xC000  }
0x5: {  	s19 =	simm.s32 $0x3;
	s20 =	simm.s32 $0x4;
	s21 =	simm.s32 $0x7  }
0x6: {  	s22 =	simm.s32 $0x8;
	s23 =	simm.s32 $0x0;
	s1 =	sshll.u32 s3, $0x1  }
0x7: {  	s0 =	sand.u32 $0x1, s0;
	s4 =	sshll.u32 s3, $0x16;
	s1 =	sand.u32 $0x6, s1  }
0x8: {  	s3 =	rddreg [dreg:$0x1];
	s5 =	sand.u32 $0x3000000, s4;
	s1 =	sor.u32 s0, s1  }
0x9: {  	s4 =	simm.s32 $0x0;
	s0 =	ssub.s32 $0x2, s0;
	s1 =	sshll.u32 s1, $0xB  }
0xa: {  	[smem:$0x7FF] =	sst s4;
	s7 =	sshrl.u32 s0, $0x1;
	s5 =	sor.u32 s5, s1  }
0xb: {  	_ =	strace $0x80000047;
	s0 =	ssub.s32 s0, s7;
	s1 =	sshrl.u32 s5, $0x3  }
0xc: {  	s8 =	sor.u32 $0x40000, s5;
	s0 =	smax.u32 s0, $0x1;
	s6 =	sadd.s32 s2, s1  }
0xd: {  	s9 =	sor.u32 $0x60000, s5;
	[dreg:$0x4] =	wrdreg s0;
	s1 =	sadd.s32 $0x4000, s6  }
0xe: {  	s10 =	sor.u32 $0x80000, s5;
	s11 =	sor.u32 $0xA0000, s5;
	[dreg:$0x3] =	wrdreg s1  }
.LBB2_1:
0xf: {  	v0 =	vimm.f32 $0.0e+00  }
0x10: {  	v1 =	vimm.f32 $0.0e+00;
	v2 =	vimm.f32 $0.0e+00;
	v12 =	vimm.f32 $0.0e+00  }
0x11: {  	v7 =	vimm.f32 $0.0e+00;
	v8 =	vimm.f32 $0.0e+00;
	v11 =	vimm.f32 $0.0e+00  }
0x12: {  	[tilespmem:s4], [sflag:$0x1] =	stream.strided.gather [hbm4b:s6+s13], $0x4000, s14, s13, $0x38;
	v10 =	vimm.f32 $0.0e+00;
	v13 =	vimm.f32 $0.0e+00;
	v16 =	vimm.f32 $0.0e+00;
	[tilespmem:$0x10000] =	vst v63  }
0x13: {  	s0 =	rddreg [dreg:$0x3];
	v3 =	vimm.f32 $0.0e+00;
	v15 =	vimm.f32 $0.0e+00;
	v14 =	vimm.f32 $0.0e+00;
	s24 =	simm.s32 $0x0  }
0x14: {  	v4 =	vimm.f32 $0.0e+00;
	v6 =	vimm.f32 $0.0e+00;
	v5 =	vimm.f32 $0.0e+00;
	[tilespmem:s14], [sflag:$0x2] =	stream.strided.gather [hbm4b:s0+s13], $0x4000, s14, s13, $0x38;
	[tilespmem:$0x10000] =	vst v63  }
.LBB2_2:
0x15: {  	_ =	swait.ge [sflag:s15], $0x4000  }
0x16: {  	p0 =	seq.s32 s24, $0x0;
	[sflag:s15] =	ssyncset.done $0x0  }
0x17: {  	s25 =	sshll.u32 s24, $0x13;
	s0 =	simm.s32 @!p0 $0x7;
	[sflag:s15] =	ssyncadd.s32 $0xFFFFC000  }
0x18: {  	s12 =	simm.s32 $0x0;
	s1 =	sadd.s32 s8, s25;
	_ =	swait.ge @!p0 [sflag:s0], $0x4000  }
0x19: {  	s31 =	sand.u32 $0x3800, s12;
	s26 =	sshrl.u32 s1, $0x3;
	[sflag:s0] =	ssyncset.done @!p0 $0x0  }
0x1a: {  	s7 =	sadd.s32 s2, s26;
	[sflag:s0] =	ssyncadd.s32 @!p0 $0xFFFFC000;
	s0 =	sand.u32 $0x300, s12  }
0x1b: {  	[tilespmem:s16], [sflag:$0x3] =	stream.strided.gather [hbm4b:s7+s13], $0x4000, s14, s13, $0x38;
	[tilespmem:$0x10000] =	vst v63  }
0x1c: {  	s28 =	sor.u32 s0, s31  }
0x1d: {  	v9 =	vld [tilespmem:s28+$0x4F0]  }
0x1e: {  	v17 =	vld [tilespmem:s28+$0x4E0]  }
0x1f: {  	v18 =	vld [tilespmem:s28+$0x10]  }
0x20: {  	v23 =	vld [tilespmem:s28+$0x490]  }
0x21: {  	v19 =	vld [tilespmem:s28+$0x4D0]  }
0x22: {  	v20 =	vld [tilespmem:s28+$0x4A0]  }
0x23: {  	v21 =	vld [tilespmem:s28+$0x470]  }
0x24: {  	v22 =	vld [tilespmem:s28+$0x430]  }
0x25: {  	v24 =	vld [tilespmem:s28+$0x450]  }
0x26: {  	v25 =	vld [tilespmem:s28+$0x460]  }
0x27: {  	v26 =	vld [tilespmem:s28+$0x20]  }
0x28: {  	v27 =	vld [tilespmem:s28+$0x40]  }
0x29: {  	v28 =	vld [tilespmem:s28+$0x30]  }
0x2a: {  	v61 =	vld [tilespmem:s28+$0x420]  }
0x2b: {  	v31 =	vld [tilespmem:s28+$0x410];
	v2 =	vadd.f32 v24, v2  }
0x2c: {  	v62 =	vld [tilespmem:s28+$0x60];
	v1 =	vadd.f32 v25, v1  }
0x2d: {  	v29 =	vld [tilespmem:s28+$0x4B0];
	v22 =	vadd.f32 v22, v7;
	[tilespmem:s28+$0x450] =	vst v2  }
0x2e: {  	v30 =	vld [tilespmem:s28+$0x90];
	v21 =	vadd.f32 v21, v0;
	[tilespmem:s28+$0x460] =	vst v1  }
0x2f: {  	v60 =	vld [tilespmem:s28+$0x440];
	v8 =	vadd.f32 v61, v8;
	[tilespmem:s28+$0x430] =	vst v22  }
0x30: {  	v32 =	vld [tilespmem:s28+$0xA0];
	v11 =	vadd.f32 v31, v11;
	[tilespmem:s28+$0x470] =	vst v21  }
0x31: {  	v63 =	vld [tilespmem:s28+$0x480];
	v26 =	vadd.f32 v26, v4;
	v16 =	vadd.f32 v62, v16;
	[tilespmem:s28+$0x420] =	vst v8  }
0x32: {  	v0 =	vadd.f32 v9, v21;
	v9 =	vadd.f32 v19, v2;
	v19 =	vld [tilespmem:s28+$0x400];
	[tilespmem:s28+$0x410] =	vst v11  }
0x33: {  	v7 =	vadd.f32 v17, v1;
	v17 =	vld [tilespmem:s28+$0x70];
	[tilespmem:s28+$0x20] =	vst v26  }
0x34: {  	v2 =	vld [tilespmem:s28+$0xB0];
	[tilespmem:s28+$0x60] =	vst v16  }
0x35: {  	v15 =	vadd.f32 v27, v15;
	v21 =	vadd.f32 v18, v6;
	v18 =	vld [tilespmem:s28+$0x4C0];
	[tilespmem:s28+$0x4F0] =	vst v0  }
0x36: {  	v1 =	vadd.f32 v28, v14;
	v8 =	vadd.f32 v20, v8;
	v20 =	vld [tilespmem:s28+$0xD0];
	[tilespmem:s28+$0x4D0] =	vst v9  }
0x37: {  	v6 =	vadd.f32 v32, v26;
	[tilespmem:s28+$0x4E0] =	vst v7;
	v10 =	vadd.f32 v19, v10;
	v19 =	vld [tilespmem:s28+$0xC0]  }
0x38: {  	v11 =	vadd.f32 v23, v11;
	v4 =	vadd.f32 v30, v21;
	[tilespmem:s28+$0x10] =	vst v21;
	v21 =	vld [tilespmem:s28+$0x50]  }
0x39: {  	[tilespmem:s28+$0x30] =	vst v1;
	v14 =	vadd.f32 v17, v13;
	v17 =	vld [tilespmem:s28+$0xE0];
	v13 =	vadd.f32 v60, v12  }
0x3a: {  	s29 =	simm.s32 $0x0;
	s30 =	simm.s32 $0x100;
	s1 =	simm.s32 $0x200;
	v12 =	vadd.f32 v29, v22;
	v22 =	vld [tilespmem:s28+$0x0];
	[tilespmem:s28+$0x400] =	vst v10;
	v10 =	vadd.f32 v63, v10  }
.LBB2_3:
0x3b: {  	s0 =	sand.u32 $0x3800, s1;
	s7 =	sand.u32 $0x300, s30;
	s29 =	sadd.s32 $0x2, s29;
	[tilespmem:s28+$0x70] =	vst v14;
	v23 =	vld [tilespmem:s28+$0x80];
	v1 =	vadd.f32 v2, v1;
	v24 =	vadd.f32 v18, v13  }
0x3c: {  	s0 =	sor.u32 s7, s0;
	p1 =	slt.u32 s29, $0x3E;
	v25 =	vadd.f32 v19, v15;
	v2 =	vld [tilespmem:s28+$0xF0];
	[tilespmem:s28+$0x490] =	vst v11  }
0x3d: {  	v18 =	vld [tilespmem:s0+$0x4F0];
	v3 =	vadd.f32 v21, v3;
	[tilespmem:s28+$0x4A0] =	vst v8  }
0x3e: {  	v19 =	vld [tilespmem:s0+$0x4E0];
	[tilespmem:s28+$0x480] =	vst v10  }
0x3f: {  	v21 =	vld [tilespmem:s0+$0x10];
	v5 =	vadd.f32 v22, v5;
	[tilespmem:s28+$0x50] =	vst v3;
	v3 =	vadd.f32 v20, v3  }
0x40: {  	v26 =	vld [tilespmem:s0+$0x490];
	[tilespmem:s28+$0x40] =	vst v15  }
0x41: {  	v16 =	vadd.f32 v17, v16;
	v15 =	vld [tilespmem:s0+$0x4D0];
	[tilespmem:s28+$0x0] =	vst v5;
	v5 =	vadd.f32 v23, v5  }
0x42: {  	v20 =	vld [tilespmem:s0+$0x4A0];
	[tilespmem:s28+$0xB0] =	vst v1  }
0x43: {  	v14 =	vadd.f32 v2, v14;
	v17 =	vld [tilespmem:s0+$0x470];
	[tilespmem:s28+$0xD0] =	vst v3  }
0x44: {  	v2 =	vld [tilespmem:s0+$0x430];
	[tilespmem:s28+$0xC0] =	vst v25  }
0x45: {  	v22 =	vld [tilespmem:s0+$0x450];
	[tilespmem:s28+$0x80] =	vst v5  }
0x46: {  	v23 =	vld [tilespmem:s0+$0x460];
	[tilespmem:s28+$0xE0] =	vst v16  }
0x47: {  	v27 =	vld [tilespmem:s0+$0x20];
	[tilespmem:s28+$0x4B0] =	vst v12  }
0x48: {  	v28 =	vld [tilespmem:s0+$0x40];
	v17 =	vadd.f32 v17, v0;
	[tilespmem:s28+$0x90] =	vst v4  }
0x49: {  	v29 =	vld [tilespmem:s0+$0x30];
	[tilespmem:s28+$0xA0] =	vst v6  }
0x4a: {  	v12 =	vadd.f32 v2, v12;
	v30 =	vld [tilespmem:s0+$0x4B0];
	v0 =	vadd.f32 v18, v17;
	[tilespmem:s28+$0xF0] =	vst v14  }
0x4b: {  	v18 =	vld [tilespmem:s0+$0x90];
	[tilespmem:s28+$0x440] =	vst v13  }
0x4c: {  	v2 =	vadd.f32 v22, v9;
	v13 =	vld [tilespmem:s0+$0xA0];
	[tilespmem:s28+$0x4C0] =	vst v24;
	s28 =	smov.u32 s0  }
0x4d: {  	v7 =	vadd.f32 v23, v7;
	v22 =	vld [tilespmem:s28+$0x440];
	[tilespmem:s28+$0x4F0] =	vst v0  }
0x4e: {  	v23 =	vld [tilespmem:s28+$0x420];
	[tilespmem:s28+$0x450] =	vst v2  }
0x4f: {  	v9 =	vadd.f32 v15, v2;
	v31 =	vld [tilespmem:s28+$0x410];
	[tilespmem:s28+$0x460] =	vst v7;
	v7 =	vadd.f32 v19, v7  }
0x50: {  	v15 =	vld [tilespmem:s28+$0x400];
	[tilespmem:s28+$0x430] =	vst v12  }
0x51: {  	v19 =	vld [tilespmem:s28+$0x70];
	[tilespmem:s28+$0x4D0] =	vst v9  }
0x52: {  	v1 =	vadd.f32 v29, v1;
	v2 =	vld [tilespmem:s28+$0xB0];
	[tilespmem:s28+$0x4E0] =	vst v7  }
0x53: {  	v21 =	vadd.f32 v21, v4;
	v29 =	vld [tilespmem:s28+$0x60];
	v8 =	vadd.f32 v23, v8;
	[tilespmem:s28+$0x470] =	vst v17  }
0x54: {  	v23 =	vadd.f32 v27, v6;
	[tilespmem:s28+$0x30] =	vst v1;
	v11 =	vadd.f32 v31, v11;
	v27 =	vld [tilespmem:s28+$0x480]  }
0x55: {  	v4 =	vadd.f32 v18, v21;
	v10 =	vadd.f32 v15, v10;
	[tilespmem:s28+$0x420] =	vst v8;
	v18 =	vld [tilespmem:s28+$0x4C0]  }
.Ltmp0:
0x56: {  	v6 =	vadd.f32 v13, v23;
	v14 =	vadd.f32 v19, v14;
	[tilespmem:s28+$0x410] =	vst v11;
	v17 =	vld [tilespmem:s28+$0xE0];
	(pc) =	sbr.rel @p1 .LBB2_3-.Ltmp0, $4  }
0x57: {  	v13 =	vadd.f32 v22, v24;
	v8 =	vadd.f32 v20, v8;
	[tilespmem:s28+$0x400] =	vst v10;
	v19 =	vld [tilespmem:s28+$0xC0]  }
0x58: {  	v12 =	vadd.f32 v30, v12;
	[tilespmem:s28+$0x10] =	vst v21;
	v21 =	vld [tilespmem:s28+$0x50];
	v16 =	vadd.f32 v29, v16  }
0x59: {  	[tilespmem:s28+$0x20] =	vst v23;
	v20 =	vld [tilespmem:s28+$0xD0];
	v10 =	vadd.f32 v27, v10  }
0x5a: {  	s30 =	sadd.s32 $0x100, s30;
	s1 =	sadd.s32 $0x200, s1;
	v15 =	vadd.f32 v28, v25;
	v11 =	vadd.f32 v26, v11;
	v22 =	vld [tilespmem:s28+$0x0];
	[tilespmem:s28+$0x60] =	vst v16  }
0x5b: {  	[tilespmem:s28+$0x70] =	vst v14  }
0x5c: {  	[tilespmem:s28+$0x4A0] =	vst v8  }
0x5d: {  	[tilespmem:s28+$0x480] =	vst v10  }
0x5e: {  	[tilespmem:s28+$0x4B0] =	vst v12  }
0x5f: {  	[tilespmem:s28+$0x90] =	vst v4  }
0x60: {  	[tilespmem:s28+$0xA0] =	vst v6  }
0x61: {  	[tilespmem:s28+$0x440] =	vst v13  }
0x62: {  	v17 =	vadd.f32 v17, v16;
	[tilespmem:s28+$0x490] =	vst v11  }
0x63: {  	[tilespmem:s28+$0x40] =	vst v15;
	v3 =	vadd.f32 v21, v3  }
0x64: {  	v18 =	vadd.f32 v18, v13;
	v21 =	vld [tilespmem:s28+$0x80];
	[tilespmem:s28+$0xE0] =	vst v17;
	v5 =	vadd.f32 v22, v5  }
0x65: {  	[tilespmem:s28+$0x50] =	vst v3;
	v22 =	vadd.f32 v2, v1;
	v1 =	vadd.f32 v20, v3;
	v3 =	vld [tilespmem:s28+$0xF0]  }
0x66: {  	[tilespmem:s28+$0x4C0] =	vst v18  }
0x67: {  	[tilespmem:s28+$0x0] =	vst v5  }
0x68: {  	v20 =	vadd.f32 v19, v15;
	[tilespmem:s28+$0xB0] =	vst v22  }
0x69: {  	[tilespmem:s28+$0xD0] =	vst v1;
	v2 =	vadd.f32 v21, v5  }
0x6a: {  	s0 =	sor.u32 s25, s5;
	[tilespmem:s28+$0xC0] =	vst v20;
	v5 =	vadd.f32 v3, v14  }
0x6b: {  	s29 =	sshrl.u32 s0, $0x3;
	[tilespmem:s28+$0x80] =	vst v2  }
0x6c: {  	s0 =	sadd.s32 s3, s29;
	[tilespmem:s28+$0xF0] =	vst v5  }
0x6d: {  	[hbm4b:s0+s13] =	stream.strided.scatter [tilespmem:s4], [sflag:$0x5], $0x4000, s14, s13, $0x38;
	[tilespmem:$0x10000] =	vst v63  }
0x6e: {  	_ =	swait.ge [sflag:s17], $0x4000  }
0x6f: {  	[sflag:s17] =	ssyncset.done $0x0  }
0x70: {  	s0 =	simm.s32 @!p0 $0x8;
	[sflag:s17] =	ssyncadd.s32 $0xFFFFC000  }
0x71: {  	s1 =	sadd.s32 s9, s25;
	s7 =	simm.s32 $0x0;
	_ =	swait.ge @!p0 [sflag:s0], $0x4000  }
0x72: {  	s12 =	sand.u32 $0x3800, s7;
	s28 =	sshrl.u32 s1, $0x3;
	[sflag:s0] =	ssyncset.done @!p0 $0x0  }
0x73: {  	s1 =	sadd.s32 s2, s28;
	[sflag:s0] =	ssyncadd.s32 @!p0 $0xFFFFC000;
	s0 =	sand.u32 $0x300, s7  }
0x74: {  	[tilespmem:s18], [sflag:$0x4] =	stream.strided.gather [hbm4b:s1+s13], $0x4000, s14, s13, $0x38;
	[tilespmem:$0x10000] =	vst v63  }
0x75: {  	s30 =	sor.u32 s0, s12  }
0x76: {  	v3 =	vld [tilespmem:s30+$0x44F0]  }
0x77: {  	v13 =	vld [tilespmem:s30+$0x44E0]  }
0x78: {  	v15 =	vld [tilespmem:s30+$0x4010]  }
0x79: {  	v23 =	vld [tilespmem:s30+$0x4490]  }
0x7a: {  	v14 =	vld [tilespmem:s30+$0x44D0]  }
0x7b: {  	v19 =	vld [tilespmem:s30+$0x44A0]  }
0x7c: {  	v16 =	vld [tilespmem:s30+$0x4470]  }
0x7d: {  	v21 =	vld [tilespmem:s30+$0x4430]  }
0x7e: {  	v24 =	vld [tilespmem:s30+$0x4450]  }
0x7f: {  	v25 =	vld [tilespmem:s30+$0x4460]  }
0x80: {  	v26 =	vld [tilespmem:s30+$0x4020]  }
0x81: {  	v27 =	vld [tilespmem:s30+$0x4040]  }
0x82: {  	v28 =	vld [tilespmem:s30+$0x4030]  }
0x83: {  	v29 =	vld [tilespmem:s30+$0x44B0]  }
0x84: {  	v62 =	vld [tilespmem:s30+$0x4060];
	v59 =	vadd.f32 v25, v7  }
0x85: {  	v30 =	vld [tilespmem:s30+$0x4090];
	v31 =	vadd.f32 v21, v12  }
0x86: {  	v60 =	vld [tilespmem:s30+$0x4420];
	v16 =	vadd.f32 v16, v0;
	[tilespmem:s30+$0x4460] =	vst v59  }
0x87: {  	v32 =	vld [tilespmem:s30+$0x40A0];
	v63 =	vadd.f32 v15, v4;
	[tilespmem:s30+$0x4430] =	vst v31  }
0x88: {  	v61 =	vld [tilespmem:s30+$0x4070];
	v26 =	vadd.f32 v26, v6;
	[tilespmem:s30+$0x4470] =	vst v16  }
0x89: {  	v33 =	vld [tilespmem:s30+$0x4480];
	v17 =	vadd.f32 v62, v17;
	[tilespmem:s30+$0x4010] =	vst v63  }
0x8a: {  	v12 =	vld [tilespmem:s30+$0x4410];
	v0 =	vadd.f32 v3, v16;
	v3 =	vadd.f32 v24, v9;
	[tilespmem:s30+$0x4020] =	vst v26  }
0x8b: {  	v9 =	vld [tilespmem:s30+$0x4440];
	[tilespmem:s30+$0x4060] =	vst v17  }
0x8c: {  	v21 =	vld [tilespmem:s30+$0x4400];
	[tilespmem:s30+$0x44F0] =	vst v0;
	v7 =	vadd.f32 v14, v3  }
0x8d: {  	v15 =	vld [tilespmem:s30+$0x40E0];
	v20 =	vadd.f32 v27, v20;
	[tilespmem:s30+$0x4450] =	vst v3;
	v3 =	vadd.f32 v13, v59  }
0x8e: {  	v16 =	vld [tilespmem:s30+$0x44C0];
	v4 =	vadd.f32 v30, v63;
	v13 =	vadd.f32 v28, v22;
	[tilespmem:s30+$0x44D0] =	vst v7  }
0x8f: {  	v6 =	vadd.f32 v29, v31;
	v14 =	vld [tilespmem:s30+$0x40B0];
	v22 =	vadd.f32 v60, v8;
	[tilespmem:s30+$0x44E0] =	vst v3  }
0x90: {  	v11 =	vadd.f32 v12, v11;
	[tilespmem:s30+$0x4030] =	vst v13;
	v8 =	vadd.f32 v9, v18;
	v18 =	vld [tilespmem:s30+$0x40C0]  }
0x91: {  	v10 =	vadd.f32 v21, v10;
	v12 =	vadd.f32 v61, v5;
	v21 =	vld [tilespmem:s30+$0x4050];
	[tilespmem:s30+$0x4420] =	vst v22  }
0x92: {  	v5 =	vadd.f32 v32, v26;
	[tilespmem:s30+$0x4410] =	vst v11;
	v9 =	vadd.f32 v19, v22;
	v19 =	vld [tilespmem:s30+$0x40D0]  }
0x93: {  	s31 =	simm.s32 $0x0;
	s1 =	simm.s32 $0x100;
	s0 =	simm.s32 $0x200;
	[tilespmem:s30+$0x4400] =	vst v10;
	v10 =	vadd.f32 v33, v10;
	v22 =	vld [tilespmem:s30+$0x4000];
	v11 =	vadd.f32 v23, v11  }
.LBB2_5:
0x94: {  	s7 =	sand.u32 $0x3800, s0;
	s12 =	sand.u32 $0x300, s1;
	s31 =	sadd.s32 $0x2, s31;
	[tilespmem:s30+$0x4070] =	vst v12;
	v23 =	vld [tilespmem:s30+$0x4080];
	v13 =	vadd.f32 v14, v13;
	v24 =	vadd.f32 v16, v8  }
0x95: {  	s7 =	sor.u32 s12, s7;
	p0 =	slt.u32 s31, $0x3E;
	v25 =	vadd.f32 v18, v20;
	v14 =	vld [tilespmem:s30+$0x40F0];
	[tilespmem:s30+$0x4490] =	vst v11  }
0x96: {  	v16 =	vld [tilespmem:s7+$0x44F0];
	v1 =	vadd.f32 v21, v1;
	[tilespmem:s30+$0x44A0] =	vst v9  }
0x97: {  	v18 =	vld [tilespmem:s7+$0x44E0];
	[tilespmem:s30+$0x4480] =	vst v10  }
0x98: {  	v21 =	vld [tilespmem:s7+$0x4010];
	v2 =	vadd.f32 v22, v2;
	[tilespmem:s30+$0x4050] =	vst v1;
	v1 =	vadd.f32 v19, v1  }
0x99: {  	v26 =	vld [tilespmem:s7+$0x4490];
	[tilespmem:s30+$0x4040] =	vst v20  }
0x9a: {  	v17 =	vadd.f32 v15, v17;
	v19 =	vld [tilespmem:s7+$0x44D0];
	[tilespmem:s30+$0x4000] =	vst v2;
	v2 =	vadd.f32 v23, v2  }
0x9b: {  	v20 =	vld [tilespmem:s7+$0x44A0];
	[tilespmem:s30+$0x40B0] =	vst v13  }
0x9c: {  	v12 =	vadd.f32 v14, v12;
	v15 =	vld [tilespmem:s7+$0x4470];
	[tilespmem:s30+$0x40D0] =	vst v1  }
0x9d: {  	v14 =	vld [tilespmem:s7+$0x4430];
	[tilespmem:s30+$0x40C0] =	vst v25  }
0x9e: {  	v22 =	vld [tilespmem:s7+$0x4450];
	[tilespmem:s30+$0x4080] =	vst v2  }
0x9f: {  	v23 =	vld [tilespmem:s7+$0x4460];
	[tilespmem:s30+$0x40E0] =	vst v17  }
0xa0: {  	v27 =	vld [tilespmem:s7+$0x4020];
	[tilespmem:s30+$0x44B0] =	vst v6  }
0xa1: {  	v28 =	vld [tilespmem:s7+$0x4040];
	v15 =	vadd.f32 v15, v0;
	[tilespmem:s30+$0x4090] =	vst v4  }
0xa2: {  	v29 =	vld [tilespmem:s7+$0x4030];
	[tilespmem:s30+$0x40A0] =	vst v5  }
0xa3: {  	v6 =	vadd.f32 v14, v6;
	v30 =	vld [tilespmem:s7+$0x44B0];
	v0 =	vadd.f32 v16, v15;
	[tilespmem:s30+$0x40F0] =	vst v12  }
0xa4: {  	v16 =	vld [tilespmem:s7+$0x4090];
	[tilespmem:s30+$0x4440] =	vst v8  }
0xa5: {  	v7 =	vadd.f32 v22, v7;
	v8 =	vld [tilespmem:s7+$0x40A0];
	[tilespmem:s30+$0x44C0] =	vst v24;
	s30 =	smov.u32 s7  }
0xa6: {  	v3 =	vadd.f32 v23, v3;
	v22 =	vld [tilespmem:s30+$0x4440];
	[tilespmem:s30+$0x44F0] =	vst v0  }
0xa7: {  	v23 =	vld [tilespmem:s30+$0x4420];
	[tilespmem:s30+$0x4450] =	vst v7  }
0xa8: {  	v7 =	vadd.f32 v19, v7;
	v31 =	vld [tilespmem:s30+$0x4410];
	[tilespmem:s30+$0x4460] =	vst v3;
	v3 =	vadd.f32 v18, v3  }
0xa9: {  	v18 =	vld [tilespmem:s30+$0x4400];
	[tilespmem:s30+$0x4430] =	vst v6  }
0xaa: {  	v19 =	vld [tilespmem:s30+$0x4070];
	[tilespmem:s30+$0x44D0] =	vst v7  }
0xab: {  	v13 =	vadd.f32 v29, v13;
	v14 =	vld [tilespmem:s30+$0x40B0];
	[tilespmem:s30+$0x44E0] =	vst v3  }
0xac: {  	v21 =	vadd.f32 v21, v4;
	v29 =	vld [tilespmem:s30+$0x4060];
	v9 =	vadd.f32 v23, v9;
	[tilespmem:s30+$0x4470] =	vst v15  }
0xad: {  	v23 =	vadd.f32 v27, v5;
	[tilespmem:s30+$0x4030] =	vst v13;
	v11 =	vadd.f32 v31, v11;
	v27 =	vld [tilespmem:s30+$0x4480]  }
0xae: {  	v4 =	vadd.f32 v16, v21;
	v10 =	vadd.f32 v18, v10;
	[tilespmem:s30+$0x4420] =	vst v9;
	v16 =	vld [tilespmem:s30+$0x44C0]  }
.Ltmp1:
0xaf: {  	v5 =	vadd.f32 v8, v23;
	v12 =	vadd.f32 v19, v12;
	[tilespmem:s30+$0x4410] =	vst v11;
	v15 =	vld [tilespmem:s30+$0x40E0];
	(pc) =	sbr.rel @p0 .LBB2_5-.Ltmp1, $4  }
0xb0: {  	v8 =	vadd.f32 v22, v24;
	v9 =	vadd.f32 v20, v9;
	[tilespmem:s30+$0x4400] =	vst v10;
	v18 =	vld [tilespmem:s30+$0x40C0]  }
0xb1: {  	v6 =	vadd.f32 v30, v6;
	[tilespmem:s30+$0x4010] =	vst v21;
	v21 =	vld [tilespmem:s30+$0x4050];
	v17 =	vadd.f32 v29, v17  }
0xb2: {  	[tilespmem:s30+$0x4020] =	vst v23;
	v19 =	vld [tilespmem:s30+$0x40D0];
	v10 =	vadd.f32 v27, v10  }
0xb3: {  	s1 =	sadd.s32 $0x100, s1;
	s0 =	sadd.s32 $0x200, s0;
	v20 =	vadd.f32 v28, v25;
	v11 =	vadd.f32 v26, v11;
	v22 =	vld [tilespmem:s30+$0x4000];
	[tilespmem:s30+$0x4060] =	vst v17  }
0xb4: {  	[tilespmem:s30+$0x4070] =	vst v12  }
0xb5: {  	[tilespmem:s30+$0x44A0] =	vst v9  }
0xb6: {  	[tilespmem:s30+$0x4480] =	vst v10  }
0xb7: {  	[tilespmem:s30+$0x44B0] =	vst v6  }
0xb8: {  	[tilespmem:s30+$0x4090] =	vst v4  }
0xb9: {  	[tilespmem:s30+$0x40A0] =	vst v5  }
0xba: {  	[tilespmem:s30+$0x4440] =	vst v8  }
0xbb: {  	v13 =	vadd.f32 v14, v13;
	[tilespmem:s30+$0x4490] =	vst v11  }
0xbc: {  	[tilespmem:s30+$0x4040] =	vst v20;
	v20 =	vadd.f32 v18, v20  }
0xbd: {  	v14 =	vld [tilespmem:s30+$0x40F0];
	v18 =	vadd.f32 v15, v17;
	[tilespmem:s30+$0x40B0] =	vst v13  }
0xbe: {  	v1 =	vadd.f32 v21, v1;
	v21 =	vld [tilespmem:s30+$0x4080];
	[tilespmem:s30+$0x40C0] =	vst v20  }
0xbf: {  	[tilespmem:s30+$0x40E0] =	vst v18;
	v2 =	vadd.f32 v22, v2  }
0xc0: {  	[tilespmem:s30+$0x4050] =	vst v1;
	v1 =	vadd.f32 v19, v1  }
0xc1: {  	v19 =	vadd.f32 v16, v8;
	[tilespmem:s30+$0x4000] =	vst v2  }
0xc2: {  	v12 =	vadd.f32 v14, v12;
	[tilespmem:s30+$0x40D0] =	vst v1  }
0xc3: {  	[tilespmem:s30+$0x44C0] =	vst v19;
	v2 =	vadd.f32 v21, v2  }
0xc4: {  	s0 =	sor.u32 $0x4000, s29;
	[tilespmem:s30+$0x40F0] =	vst v12  }
0xc5: {  	s0 =	sadd.s32 s3, s0;
	[tilespmem:s30+$0x4080] =	vst v2  }
0xc6: {  	[hbm4b:s0+s13] =	stream.strided.scatter [tilespmem:s14], [sflag:$0x6], $0x4000, s14, s13, $0x38;
	[tilespmem:$0x10000] =	vst v63  }
0xc7: {  	_ =	swait.ge [sflag:s19], $0x4000  }
0xc8: {  	p0 =	seq.s32 s24, $0x1F;
	[sflag:s19] =	ssyncset.done $0x0  }
0xc9: {  	s0 =	simm.s32 @!p0 $0x5;
	[sflag:s19] =	ssyncadd.s32 $0xFFFFC000  }
0xca: {  	s1 =	sadd.s32 @!p0 s25, s10;
	s7 =	simm.s32 @!p0 $0x4000;
	_ =	swait.ge @!p0 [sflag:s0], $0x4000  }
0xcb: {  	s12 =	simm.s32 @!p0 $0x0;
	s1 =	sshrl.u32 @!p0 s1, $0x3;
	[sflag:s0] =	ssyncset.done @!p0 $0x0  }
0xcc: {  	[sflag:s0] =	ssyncadd.s32 @!p0 $0xFFFFC000;
	s0 =	sadd.s32 @!p0 s2, s1;
	s1 =	simm.s32 @!p0 $0x800  }
0xcd: {  	[tilespmem:s12], [sflag:$0x1] =	stream.strided.gather @!p0 [hbm4b:s0+s1], $0x4000, s7, s1, $0x38;
	[tilespmem:$0x10000] =	vst v63  }
0xce: {  	s12 =	simm.s32 $0x0  }
0xcf: {  	s31 =	sand.u32 $0x3800, s12;
	s0 =	sand.u32 $0x300, s12  }
0xd0: {  	s29 =	sor.u32 s0, s31  }
0xd1: {  	v8 =	vld [tilespmem:s29+$0x84F0]  }
0xd2: {  	v14 =	vld [tilespmem:s29+$0x84E0]  }
0xd3: {  	v16 =	vld [tilespmem:s29+$0x8010]  }
0xd4: {  	v23 =	vld [tilespmem:s29+$0x8490]  }
0xd5: {  	v15 =	vld [tilespmem:s29+$0x84D0]  }
0xd6: {  	v21 =	vld [tilespmem:s29+$0x84A0]  }
0xd7: {  	v17 =	vld [tilespmem:s29+$0x8470]  }
0xd8: {  	v22 =	vld [tilespmem:s29+$0x8430]  }
0xd9: {  	v24 =	vld [tilespmem:s29+$0x8450]  }
0xda: {  	v25 =	vld [tilespmem:s29+$0x8460]  }
0xdb: {  	v26 =	vld [tilespmem:s29+$0x8020]  }
0xdc: {  	v27 =	vld [tilespmem:s29+$0x8040]  }
0xdd: {  	v28 =	vld [tilespmem:s29+$0x8030]  }
0xde: {  	v60 =	vld [tilespmem:s29+$0x8420]  }
0xdf: {  	v31 =	vld [tilespmem:s29+$0x8410];
	v7 =	vadd.f32 v24, v7  }
0xe0: {  	v29 =	vld [tilespmem:s29+$0x84B0];
	v3 =	vadd.f32 v25, v3  }
0xe1: {  	v61 =	vld [tilespmem:s29+$0x8060];
	v22 =	vadd.f32 v22, v6;
	[tilespmem:s29+$0x8450] =	vst v7  }
0xe2: {  	v30 =	vld [tilespmem:s29+$0x8090];
	v17 =	vadd.f32 v17, v0;
	[tilespmem:s29+$0x8460] =	vst v3  }
0xe3: {  	v59 =	vld [tilespmem:s29+$0x8440];
	v9 =	vadd.f32 v60, v9;
	[tilespmem:s29+$0x8430] =	vst v22  }
0xe4: {  	v32 =	vld [tilespmem:s29+$0x80A0];
	v11 =	vadd.f32 v31, v11;
	[tilespmem:s29+$0x8470] =	vst v17  }
0xe5: {  	v63 =	vld [tilespmem:s29+$0x8480];
	v62 =	vadd.f32 v16, v4;
	[tilespmem:s29+$0x8420] =	vst v9  }
0xe6: {  	v26 =	vadd.f32 v26, v5;
	v16 =	vld [tilespmem:s29+$0x80E0];
	v18 =	vadd.f32 v61, v18;
	[tilespmem:s29+$0x8410] =	vst v11  }
0xe7: {  	v0 =	vadd.f32 v8, v17;
	v8 =	vadd.f32 v15, v7;
	v7 =	vld [tilespmem:s29+$0x8400];
	[tilespmem:s29+$0x8010] =	vst v62  }
0xe8: {  	v6 =	vadd.f32 v14, v3;
	v14 =	vld [tilespmem:s29+$0x8070];
	[tilespmem:s29+$0x8020] =	vst v26  }
0xe9: {  	v20 =	vadd.f32 v27, v20;
	v15 =	vld [tilespmem:s29+$0x80B0];
	[tilespmem:s29+$0x8060] =	vst v18  }
0xea: {  	v3 =	vadd.f32 v28, v13;
	v17 =	vld [tilespmem:s29+$0x84C0];
	v4 =	vadd.f32 v30, v62;
	[tilespmem:s29+$0x84F0] =	vst v0  }
0xeb: {  	v5 =	vld [tilespmem:s29+$0x80C0];
	v13 =	vadd.f32 v59, v19;
	v9 =	vadd.f32 v21, v9;
	[tilespmem:s29+$0x84D0] =	vst v8  }
0xec: {  	v21 =	vld [tilespmem:s29+$0x8050];
	v11 =	vadd.f32 v23, v11;
	[tilespmem:s29+$0x84E0] =	vst v6;
	v10 =	vadd.f32 v7, v10  }
0xed: {  	v19 =	vld [tilespmem:s29+$0x80D0];
	[tilespmem:s29+$0x8030] =	vst v3;
	v14 =	vadd.f32 v14, v12;
	v7 =	vadd.f32 v32, v26  }
0xee: {  	s30 =	simm.s32 $0x0;
	s1 =	simm.s32 $0x100;
	s0 =	simm.s32 $0x200;
	v12 =	vadd.f32 v29, v22;
	v22 =	vld [tilespmem:s29+$0x8000];
	[tilespmem:s29+$0x8400] =	vst v10;
	v10 =	vadd.f32 v63, v10  }
.LBB2_7:
0xef: {  	s7 =	sand.u32 $0x3800, s0;
	s12 =	sand.u32 $0x300, s1;
	s30 =	sadd.s32 $0x2, s30;
	[tilespmem:s29+$0x8070] =	vst v14;
	v23 =	vld [tilespmem:s29+$0x8080];
	v3 =	vadd.f32 v15, v3;
	v24 =	vadd.f32 v17, v13  }
0xf0: {  	s7 =	sor.u32 s12, s7;
	p1 =	slt.u32 s30, $0x3E;
	v25 =	vadd.f32 v5, v20;
	v5 =	vld [tilespmem:s29+$0x80F0];
	[tilespmem:s29+$0x8490] =	vst v11  }
0xf1: {  	v15 =	vld [tilespmem:s7+$0x84F0];
	v1 =	vadd.f32 v21, v1;
	[tilespmem:s29+$0x84A0] =	vst v9  }
0xf2: {  	v17 =	vld [tilespmem:s7+$0x84E0];
	[tilespmem:s29+$0x8480] =	vst v10  }
0xf3: {  	v21 =	vld [tilespmem:s7+$0x8010];
	v2 =	vadd.f32 v22, v2;
	[tilespmem:s29+$0x8050] =	vst v1;
	v1 =	vadd.f32 v19, v1  }
0xf4: {  	v26 =	vld [tilespmem:s7+$0x8490];
	[tilespmem:s29+$0x8040] =	vst v20  }
0xf5: {  	v18 =	vadd.f32 v16, v18;
	v19 =	vld [tilespmem:s7+$0x84D0];
	[tilespmem:s29+$0x8000] =	vst v2;
	v2 =	vadd.f32 v23, v2  }
0xf6: {  	v20 =	vld [tilespmem:s7+$0x84A0];
	[tilespmem:s29+$0x80B0] =	vst v3  }
0xf7: {  	v5 =	vadd.f32 v5, v14;
	v16 =	vld [tilespmem:s7+$0x8470];
	[tilespmem:s29+$0x80D0] =	vst v1  }
0xf8: {  	v14 =	vld [tilespmem:s7+$0x8430];
	[tilespmem:s29+$0x80C0] =	vst v25  }
0xf9: {  	v22 =	vld [tilespmem:s7+$0x8450];
	[tilespmem:s29+$0x8080] =	vst v2  }
0xfa: {  	v23 =	vld [tilespmem:s7+$0x8460];
	[tilespmem:s29+$0x80E0] =	vst v18  }
0xfb: {  	v27 =	vld [tilespmem:s7+$0x8020];
	[tilespmem:s29+$0x84B0] =	vst v12  }
0xfc: {  	v28 =	vld [tilespmem:s7+$0x8040];
	v16 =	vadd.f32 v16, v0;
	[tilespmem:s29+$0x8090] =	vst v4  }
0xfd: {  	v29 =	vld [tilespmem:s7+$0x8030];
	[tilespmem:s29+$0x80A0] =	vst v7  }
0xfe: {  	v12 =	vadd.f32 v14, v12;
	v30 =	vld [tilespmem:s7+$0x84B0];
	v0 =	vadd.f32 v15, v16;
	[tilespmem:s29+$0x80F0] =	vst v5  }
0xff: {  	v14 =	vld [tilespmem:s7+$0x8090];
	[tilespmem:s29+$0x8440] =	vst v13  }
0x100: {  	v8 =	vadd.f32 v22, v8;
	v13 =	vld [tilespmem:s7+$0x80A0];
	[tilespmem:s29+$0x84C0] =	vst v24;
	s29 =	smov.u32 s7  }
0x101: {  	v6 =	vadd.f32 v23, v6;
	v22 =	vld [tilespmem:s29+$0x8440];
	[tilespmem:s29+$0x84F0] =	vst v0  }
0x102: {  	v23 =	vld [tilespmem:s29+$0x8420];
	[tilespmem:s29+$0x8450] =	vst v8  }
0x103: {  	v8 =	vadd.f32 v19, v8;
	v31 =	vld [tilespmem:s29+$0x8410];
	[tilespmem:s29+$0x8460] =	vst v6;
	v6 =	vadd.f32 v17, v6  }
0x104: {  	v17 =	vld [tilespmem:s29+$0x8400];
	[tilespmem:s29+$0x8430] =	vst v12  }
0x105: {  	v19 =	vld [tilespmem:s29+$0x8070];
	[tilespmem:s29+$0x84D0] =	vst v8  }
0x106: {  	v3 =	vadd.f32 v29, v3;
	v15 =	vld [tilespmem:s29+$0x80B0];
	[tilespmem:s29+$0x84E0] =	vst v6  }
0x107: {  	v21 =	vadd.f32 v21, v4;
	v29 =	vld [tilespmem:s29+$0x8060];
	v9 =	vadd.f32 v23, v9;
	[tilespmem:s29+$0x8470] =	vst v16  }
0x108: {  	v23 =	vadd.f32 v27, v7;
	[tilespmem:s29+$0x8030] =	vst v3;
	v11 =	vadd.f32 v31, v11;
	v27 =	vld [tilespmem:s29+$0x8480]  }
0x109: {  	v4 =	vadd.f32 v14, v21;
	v10 =	vadd.f32 v17, v10;
	[tilespmem:s29+$0x8420] =	vst v9;
	v17 =	vld [tilespmem:s29+$0x84C0]  }
.Ltmp2:
0x10a: {  	v7 =	vadd.f32 v13, v23;
	v14 =	vadd.f32 v19, v5;
	[tilespmem:s29+$0x8410] =	vst v11;
	v16 =	vld [tilespmem:s29+$0x80E0];
	(pc) =	sbr.rel @p1 .LBB2_7-.Ltmp2, $4  }
0x10b: {  	v13 =	vadd.f32 v22, v24;
	v9 =	vadd.f32 v20, v9;
	[tilespmem:s29+$0x8400] =	vst v10;
	v5 =	vld [tilespmem:s29+$0x80C0]  }
0x10c: {  	v12 =	vadd.f32 v30, v12;
	[tilespmem:s29+$0x8010] =	vst v21;
	v21 =	vld [tilespmem:s29+$0x8050];
	v18 =	vadd.f32 v29, v18  }
0x10d: {  	[tilespmem:s29+$0x8020] =	vst v23;
	v19 =	vld [tilespmem:s29+$0x80D0];
	v10 =	vadd.f32 v27, v10  }
0x10e: {  	s1 =	sadd.s32 $0x100, s1;
	s0 =	sadd.s32 $0x200, s0;
	v20 =	vadd.f32 v28, v25;
	v11 =	vadd.f32 v26, v11;
	v22 =	vld [tilespmem:s29+$0x8000];
	[tilespmem:s29+$0x8060] =	vst v18  }
0x10f: {  	[tilespmem:s29+$0x8070] =	vst v14  }
0x110: {  	[tilespmem:s29+$0x84A0] =	vst v9  }
0x111: {  	[tilespmem:s29+$0x8480] =	vst v10  }
0x112: {  	[tilespmem:s29+$0x84B0] =	vst v12  }
0x113: {  	[tilespmem:s29+$0x8090] =	vst v4  }
0x114: {  	[tilespmem:s29+$0x80A0] =	vst v7  }
0x115: {  	[tilespmem:s29+$0x8440] =	vst v13  }
0x116: {  	v15 =	vadd.f32 v15, v3;
	[tilespmem:s29+$0x8490] =	vst v11  }
0x117: {  	[tilespmem:s29+$0x8040] =	vst v20;
	v1 =	vadd.f32 v21, v1  }
0x118: {  	v18 =	vadd.f32 v16, v18;
	v21 =	vld [tilespmem:s29+$0x8080];
	[tilespmem:s29+$0x80B0] =	vst v15  }
0x119: {  	v20 =	vadd.f32 v5, v20;
	[tilespmem:s29+$0x8050] =	vst v1;
	v3 =	vadd.f32 v19, v1;
	v1 =	vld [tilespmem:s29+$0x80F0]  }
0x11a: {  	[tilespmem:s29+$0x80E0] =	vst v18;
	v2 =	vadd.f32 v22, v2  }
0x11b: {  	[tilespmem:s29+$0x80C0] =	vst v20  }
0x11c: {  	v19 =	vadd.f32 v17, v13;
	[tilespmem:s29+$0x8000] =	vst v2  }
0x11d: {  	[tilespmem:s29+$0x80D0] =	vst v3;
	v5 =	vadd.f32 v21, v2  }
0x11e: {  	[tilespmem:s29+$0x84C0] =	vst v19;
	v16 =	vadd.f32 v1, v14  }
0x11f: {  	[tilespmem:s29+$0x8080] =	vst v5  }
0x120: {  	s0 =	sadd.s32 s3, s26;
	[tilespmem:s29+$0x80F0] =	vst v16  }
0x121: {  	[hbm4b:s0+s13] =	stream.strided.scatter [tilespmem:s16], [sflag:$0x7], $0x4000, s14, s13, $0x38;
	[tilespmem:$0x10000] =	vst v63  }
0x122: {  	_ =	swait.ge [sflag:s20], $0x4000  }
0x123: {  	[sflag:s20] =	ssyncset.done $0x0  }
0x124: {  	s0 =	simm.s32 @!p0 $0x6;
	[sflag:s20] =	ssyncadd.s32 $0xFFFFC000  }
0x125: {  	_ =	swait.ge @!p0 [sflag:s0], $0x4000  }
0x126: {  	s1 =	sadd.s32 @!p0 s25, s11;
	[sflag:s0] =	ssyncset.done @!p0 $0x0  }
0x127: {  	s7 =	simm.s32 @!p0 $0x4000;
	[sflag:s0] =	ssyncadd.s32 @!p0 $0xFFFFC000;
	s0 =	sshrl.u32 @!p0 s1, $0x3  }
0x128: {  	s30 =	simm.s32 $0x0;
	s1 =	simm.s32 @!p0 $0x800;
	s0 =	sadd.s32 @!p0 s2, s0  }
0x129: {  	[tilespmem:s7], [sflag:$0x2] =	stream.strided.gather @!p0 [hbm4b:s0+s1], $0x4000, s7, s1, $0x38;
	[tilespmem:$0x10000] =	vst v63  }
0x12a: {  	s31 =	sand.u32 $0x3800, s30;
	s0 =	sand.u32 $0x300, s30  }
0x12b: {  	s25 =	sor.u32 s0, s31  }
0x12c: {  	v1 =	vld [tilespmem:s25+$0xC4F0]  }
0x12d: {  	v13 =	vld [tilespmem:s25+$0xC4E0]  }
0x12e: {  	v17 =	vld [tilespmem:s25+$0xC010]  }
0x12f: {  	v23 =	vld [tilespmem:s25+$0xC490]  }
0x130: {  	v2 =	vld [tilespmem:s25+$0xC4D0]  }
0x131: {  	v21 =	vld [tilespmem:s25+$0xC4A0]  }
0x132: {  	v14 =	vld [tilespmem:s25+$0xC470]  }
0x133: {  	v22 =	vld [tilespmem:s25+$0xC430]  }
0x134: {  	v24 =	vld [tilespmem:s25+$0xC450]  }
0x135: {  	v25 =	vld [tilespmem:s25+$0xC460]  }
0x136: {  	v26 =	vld [tilespmem:s25+$0xC020]  }
0x137: {  	v27 =	vld [tilespmem:s25+$0xC040]  }
0x138: {  	v62 =	vld [tilespmem:s25+$0xC400]  }
0x139: {  	v29 =	vld [tilespmem:s25+$0xC4B0]  }
0x13a: {  	v30 =	vld [tilespmem:s25+$0xC090];
	v6 =	vadd.f32 v25, v6  }
0x13b: {  	v33 =	vld [tilespmem:s25+$0xC060];
	v22 =	vadd.f32 v22, v12  }
0x13c: {  	v61 =	vld [tilespmem:s25+$0xC420];
	v28 =	vadd.f32 v14, v0;
	[tilespmem:s25+$0xC460] =	vst v6  }
0x13d: {  	v31 =	vld [tilespmem:s25+$0xC0A0];
	v10 =	vadd.f32 v62, v10;
	[tilespmem:s25+$0xC430] =	vst v22  }
0x13e: {  	v32 =	vld [tilespmem:s25+$0xC070];
	v63 =	vadd.f32 v17, v4;
	[tilespmem:s25+$0xC470] =	vst v28  }
0x13f: {  	v34 =	vld [tilespmem:s25+$0xC480];
	v26 =	vadd.f32 v26, v7;
	[tilespmem:s25+$0xC400] =	vst v10  }
0x140: {  	v14 =	vld [tilespmem:s25+$0xC030];
	v18 =	vadd.f32 v33, v18;
	[tilespmem:s25+$0xC010] =	vst v63  }
0x141: {  	v12 =	vld [tilespmem:s25+$0xC410];
	v0 =	vadd.f32 v1, v28;
	[tilespmem:s25+$0xC020] =	vst v26  }
0x142: {  	v1 =	vadd.f32 v24, v8;
	v8 =	vld [tilespmem:s25+$0xC440];
	[tilespmem:s25+$0xC060] =	vst v18  }
0x143: {  	v17 =	vld [tilespmem:s25+$0xC4C0];
	v20 =	vadd.f32 v27, v20;
	v24 =	vadd.f32 v61, v9;
	[tilespmem:s25+$0xC4F0] =	vst v0  }
0x144: {  	v7 =	vadd.f32 v29, v22;
	v22 =	vld [tilespmem:s25+$0xC000];
	[tilespmem:s25+$0xC450] =	vst v1;
	v2 =	vadd.f32 v2, v1  }
0x145: {  	v1 =	vadd.f32 v13, v6;
	[tilespmem:s25+$0xC420] =	vst v24;
	v13 =	vadd.f32 v14, v15;
	v14 =	vld [tilespmem:s25+$0xC0B0]  }
0x146: {  	v4 =	vadd.f32 v31, v26;
	v11 =	vadd.f32 v12, v11;
	v15 =	vld [tilespmem:s25+$0xC0C0];
	[tilespmem:s25+$0xC4D0] =	vst v2  }
0x147: {  	[tilespmem:s25+$0xC4E0] =	vst v1;
	v9 =	vadd.f32 v8, v19;
	v8 =	vadd.f32 v21, v24;
	v21 =	vld [tilespmem:s25+$0xC050]  }
0x148: {  	v10 =	vadd.f32 v34, v10;
	v12 =	vadd.f32 v32, v16;
	v16 =	vld [tilespmem:s25+$0xC0E0];
	[tilespmem:s25+$0xC030] =	vst v13  }
0x149: {  	s26 =	simm.s32 $0x0;
	s1 =	simm.s32 $0x100;
	s0 =	simm.s32 $0x200;
	v6 =	vadd.f32 v30, v63;
	[tilespmem:s25+$0xC410] =	vst v11;
	v19 =	vld [tilespmem:s25+$0xC0D0];
	v11 =	vadd.f32 v23, v11  }
.LBB2_9:
0x14a: {  	s7 =	sand.u32 $0x3800, s0;
	s12 =	sand.u32 $0x300, s1;
	s26 =	sadd.s32 $0x2, s26;
	[tilespmem:s25+$0xC070] =	vst v12;
	v23 =	vld [tilespmem:s25+$0xC080];
	v13 =	vadd.f32 v14, v13;
	v24 =	vadd.f32 v17, v9  }
0x14b: {  	s7 =	sor.u32 s12, s7;
	p0 =	slt.u32 s26, $0x3E;
	v25 =	vadd.f32 v15, v20;
	v14 =	vld [tilespmem:s25+$0xC0F0];
	[tilespmem:s25+$0xC490] =	vst v11  }
0x14c: {  	v15 =	vld [tilespmem:s7+$0xC4F0];
	v3 =	vadd.f32 v21, v3;
	[tilespmem:s25+$0xC4A0] =	vst v8  }
0x14d: {  	v17 =	vld [tilespmem:s7+$0xC4E0];
	[tilespmem:s25+$0xC480] =	vst v10  }
0x14e: {  	v21 =	vld [tilespmem:s7+$0xC010];
	v5 =	vadd.f32 v22, v5;
	[tilespmem:s25+$0xC050] =	vst v3;
	v3 =	vadd.f32 v19, v3  }
0x14f: {  	v26 =	vld [tilespmem:s7+$0xC490];
	[tilespmem:s25+$0xC040] =	vst v20  }
0x150: {  	v18 =	vadd.f32 v16, v18;
	v19 =	vld [tilespmem:s7+$0xC4D0];
	[tilespmem:s25+$0xC000] =	vst v5;
	v5 =	vadd.f32 v23, v5  }
0x151: {  	v20 =	vld [tilespmem:s7+$0xC4A0];
	[tilespmem:s25+$0xC0B0] =	vst v13  }
0x152: {  	v12 =	vadd.f32 v14, v12;
	v16 =	vld [tilespmem:s7+$0xC470];
	[tilespmem:s25+$0xC0D0] =	vst v3  }
0x153: {  	v14 =	vld [tilespmem:s7+$0xC430];
	[tilespmem:s25+$0xC0C0] =	vst v25  }
0x154: {  	v22 =	vld [tilespmem:s7+$0xC450];
	[tilespmem:s25+$0xC080] =	vst v5  }
0x155: {  	v23 =	vld [tilespmem:s7+$0xC460];
	[tilespmem:s25+$0xC0E0] =	vst v18  }
0x156: {  	v27 =	vld [tilespmem:s7+$0xC020];
	[tilespmem:s25+$0xC4B0] =	vst v7  }
0x157: {  	v28 =	vld [tilespmem:s7+$0xC040];
	v16 =	vadd.f32 v16, v0;
	[tilespmem:s25+$0xC090] =	vst v6  }
0x158: {  	v29 =	vld [tilespmem:s7+$0xC030];
	[tilespmem:s25+$0xC0A0] =	vst v4  }
0x159: {  	v7 =	vadd.f32 v14, v7;
	v30 =	vld [tilespmem:s7+$0xC4B0];
	v0 =	vadd.f32 v15, v16;
	[tilespmem:s25+$0xC0F0] =	vst v12  }
0x15a: {  	v15 =	vld [tilespmem:s7+$0xC090];
	[tilespmem:s25+$0xC440] =	vst v9  }
0x15b: {  	v2 =	vadd.f32 v22, v2;
	v9 =	vld [tilespmem:s7+$0xC0A0];
	[tilespmem:s25+$0xC4C0] =	vst v24;
	s25 =	smov.u32 s7  }
0x15c: {  	v1 =	vadd.f32 v23, v1;
	v22 =	vld [tilespmem:s25+$0xC440];
	[tilespmem:s25+$0xC4F0] =	vst v0  }
0x15d: {  	v23 =	vld [tilespmem:s25+$0xC420];
	[tilespmem:s25+$0xC450] =	vst v2  }
0x15e: {  	v2 =	vadd.f32 v19, v2;
	v31 =	vld [tilespmem:s25+$0xC410];
	[tilespmem:s25+$0xC460] =	vst v1;
	v1 =	vadd.f32 v17, v1  }
0x15f: {  	v17 =	vld [tilespmem:s25+$0xC400];
	[tilespmem:s25+$0xC430] =	vst v7  }
0x160: {  	v19 =	vld [tilespmem:s25+$0xC070];
	[tilespmem:s25+$0xC4D0] =	vst v2  }
0x161: {  	v13 =	vadd.f32 v29, v13;
	v14 =	vld [tilespmem:s25+$0xC0B0];
	[tilespmem:s25+$0xC4E0] =	vst v1  }
0x162: {  	v21 =	vadd.f32 v21, v6;
	v29 =	vld [tilespmem:s25+$0xC060];
	v8 =	vadd.f32 v23, v8;
	[tilespmem:s25+$0xC470] =	vst v16  }
0x163: {  	v23 =	vadd.f32 v27, v4;
	[tilespmem:s25+$0xC030] =	vst v13;
	v11 =	vadd.f32 v31, v11;
	v27 =	vld [tilespmem:s25+$0xC480]  }
0x164: {  	v6 =	vadd.f32 v15, v21;
	v10 =	vadd.f32 v17, v10;
	[tilespmem:s25+$0xC420] =	vst v8;
	v17 =	vld [tilespmem:s25+$0xC4C0]  }
.Ltmp3:
0x165: {  	v4 =	vadd.f32 v9, v23;
	v12 =	vadd.f32 v19, v12;
	[tilespmem:s25+$0xC410] =	vst v11;
	v16 =	vld [tilespmem:s25+$0xC0E0];
	(pc) =	sbr.rel @p0 .LBB2_9-.Ltmp3, $4  }
0x166: {  	v9 =	vadd.f32 v22, v24;
	v8 =	vadd.f32 v20, v8;
	[tilespmem:s25+$0xC400] =	vst v10;
	v15 =	vld [tilespmem:s25+$0xC0C0]  }
0x167: {  	v7 =	vadd.f32 v30, v7;
	[tilespmem:s25+$0xC010] =	vst v21;
	v21 =	vld [tilespmem:s25+$0xC050];
	v18 =	vadd.f32 v29, v18  }
0x168: {  	[tilespmem:s25+$0xC020] =	vst v23;
	v19 =	vld [tilespmem:s25+$0xC0D0];
	v10 =	vadd.f32 v27, v10  }
0x169: {  	s1 =	sadd.s32 $0x100, s1;
	s0 =	sadd.s32 $0x200, s0;
	v20 =	vadd.f32 v28, v25;
	v11 =	vadd.f32 v26, v11;
	v22 =	vld [tilespmem:s25+$0xC000];
	[tilespmem:s25+$0xC060] =	vst v18  }
0x16a: {  	[tilespmem:s25+$0xC070] =	vst v12  }
0x16b: {  	[tilespmem:s25+$0xC4A0] =	vst v8  }
0x16c: {  	[tilespmem:s25+$0xC480] =	vst v10  }
0x16d: {  	[tilespmem:s25+$0xC4B0] =	vst v7  }
0x16e: {  	[tilespmem:s25+$0xC090] =	vst v6  }
0x16f: {  	[tilespmem:s25+$0xC0A0] =	vst v4  }
0x170: {  	[tilespmem:s25+$0xC440] =	vst v9  }
0x171: {  	v14 =	vadd.f32 v14, v13;
	[tilespmem:s25+$0xC490] =	vst v11  }
0x172: {  	v13 =	vld [tilespmem:s25+$0xC0F0];
	v16 =	vadd.f32 v16, v18;
	[tilespmem:s25+$0xC040] =	vst v20  }
0x173: {  	v15 =	vadd.f32 v15, v20;
	[tilespmem:s25+$0xC0B0] =	vst v14  }
0x174: {  	v63 =	vld [tilespmem:s25+$0xC080];
	v3 =	vadd.f32 v21, v3;
	[tilespmem:s25+$0xC0E0] =	vst v16  }
0x175: {  	[tilespmem:s25+$0xC0C0] =	vst v15;
	v5 =	vadd.f32 v22, v5  }
0x176: {  	s24 =	sadd.s32 $0x1, s24;
	[tilespmem:s25+$0xC050] =	vst v3;
	v3 =	vadd.f32 v19, v3  }
0x177: {  	p0 =	sne.s32 s24, $0x20;
	v13 =	vadd.f32 v13, v12;
	[tilespmem:s25+$0xC000] =	vst v5  }
.Ltmp4:
0x178: {  	v12 =	vadd.f32 v17, v9;
	[tilespmem:s25+$0xC0D0] =	vst v3;
	(pc) =	sbr.rel @p0 .LBB2_2-.Ltmp4, $4  }
0x179: {  	v5 =	vadd.f32 v63, v5;
	[tilespmem:s25+$0xC0F0] =	vst v13  }
0x17a: {  	[tilespmem:s25+$0xC4C0] =	vst v12  }
0x17b: {  	s0 =	sadd.s32 s3, s28;
	[tilespmem:s25+$0xC080] =	vst v5  }
0x17c: {  	[hbm4b:s0+s13] =	stream.strided.scatter [tilespmem:s18], [sflag:$0x8], $0x4000, s14, s13, $0x38;
	[tilespmem:$0x10000] =	vst v63  }
0x17d: {  	_ =	swait.ge [sflag:s21], $0x4000  }
0x17e: {  	[sflag:s21] =	ssyncset.done $0x0  }
0x17f: {  	[sflag:s21] =	ssyncadd.s32 $0xFFFFC000  }
0x180: {  	_ =	swait.ge [sflag:s22], $0x4000  }
0x181: {  	s23 =	sadd.s32 $0x1, s23;
	s0 =	rddreg [dreg:$0x4]  }
0x182: {  	p0 =	sne.s32 s23, s0  }
.Ltmp5:
0x183: {  	_ = 	snop;
	(pc) =	sbr.rel @p0 .LBB2_1-.Ltmp5, $3  }
0x184: {  	_ =	sdelay $0x1  }
0x185: {  	[sflag:s22] =	ssyncset.done $0x0  }
0x186: {  	[sflag:s22] =	ssyncadd.s32 $0xFFFFC000  }
0x187: {  	_ =	sfence.sel $0x180000  }
0x188: {  	[bflag:$0x0] =	sbarrier.arrive $0xFFFF  }
0x189: {  	_ =	strace $0x90000047  }
0x18a: {  	s0 =	stileid.u32;
	[bflag:$0x2] =	sbarrier.arrive $0xFFFF  }
0x18b: {  	p0 =	sne.s32 s0, $0x0;
	s0 =	rddreg [dreg:$0x2]  }
0x18c: {  	s0 =	sadd.s32 @!p0 $0x100000, s0  }
0x18d: {  	[sflag:s0] =	ssyncadd.tile.s32 @!p0 $0x1;
	_ =	shalt  }
.Lfunc_end2:
_tile_overlayer_lowered:
.L_overlay_start_2:
0x18e: {  	(tag) =	ssettag $0x2  }
0x18f: {  	s0 =	rddreg [dreg:$0x0];
	s2 =	stileid.u32  }
0x190: {  	s1 =	rddreg [dreg:$0x1];
	p0 =	sne.s32 s2, $0x0  }
0x191: {  	s3 =	rddreg [dreg:$0x2];
	[bflag:$0x3] =	sbarrier.arrive $0xFFFF;
	s2 =	simm.s32 @!p0 $0x1C09  }
0x192: {  	[timem:s3], [sflag:s2] =	dma.local @!p0 [hbm:s0], s1  }
0x193: {  	s0 =	simm.s32 @!p0 $0x9  }
0x194: {  	_ =	swait.ge @!p0 [sflag:s0], s1  }
0x195: {  	s1 =	ssub.s32 @!p0 $0x0, s1;
	[sflag:s0] =	ssyncset.done @!p0 $0x0  }
0x196: {  	[sflag:s0] =	ssyncadd.s32 @!p0 s1  }
0x197: {  	[bflag:$0x3] =	sbarrier.arrive $0xFFFF  }
0x198: {  	_ =	shalt  }

</sc_bundles>
